<compile_context>
chip_gen: v7x
topology: tpu7x:2x2x1
jax: 0.10.2.dev20260603
libtpu: 0.0.44.dev20260713+nightly
codegen_flags: <defaults>
</compile_context>

<pallas_src>
import jax
import jax.numpy as jnp
from jax import lax
from jax.experimental import pallas as pl
from jax.experimental.pallas import tpu as pltpu
from jax.experimental.pallas import tpu_sc as plsc

N = 10000
D = 128
G = 64

NC = 2
NS = 16
NW = NC * NS
CH = 128
IB = 2

NA = N + 8
RPW = 632


def _make_sc_agg(nb):
    mesh = plsc.VectorSubcoreMesh(core_axis_name="c", subcore_axis_name="s",
                                  num_cores=NC, num_subcores=NS)
    scratch = [
        pltpu.VMEM((2 * IB, CH), jnp.int32),
        pltpu.VMEM((2 * IB, CH), jnp.int32),
        [pltpu.VMEM((CH, D), jnp.float32) for _ in range(IB)],
        pltpu.VMEM_SHARED((NA, D), jnp.float32),
        [pltpu.SemaphoreType.DMA for _ in range(IB)],
        pltpu.SemaphoreType.DMA,
    ]

    def body(table, eidx, z_d, agg_out, bufa, bufb, rbufs, acc, sems, semi):
        c = lax.axis_index("c")
        s = lax.axis_index("s")
        w = c * NS + s

        zlast = NA - (NS - 1) * RPW

        @pl.when(s < NS - 1)
        def _():
            pltpu.sync_copy(z_d, acc.at[pl.ds(s * RPW, RPW)])

        @pl.when(s == NS - 1)
        def _():
            pltpu.sync_copy(z_d.at[pl.ds(0, zlast)],
                            acc.at[pl.ds(s * RPW, zlast)])

        def proc(buf, nxt, pb):
            pltpu.async_copy(eidx.at[w, pb], nxt, semi)
            for j in range(IB):
                pltpu.async_copy(table.at[buf.at[j]], rbufs[j], sems[j])
            pltpu.make_async_copy(eidx.at[w, pb], nxt, semi).wait()
            for j in range(IB):
                pltpu.make_async_copy(table.at[buf.at[j]], rbufs[j],
                                      sems[j]).wait()
            for j in range(IB):
                pltpu.sync_copy(rbufs[j], acc.at[buf.at[IB + j]], add=True)

        pltpu.sync_copy(eidx.at[w, 0], bufa)

        def step(k, carry):
            b = 2 * k
            proc(bufa, bufb, b + 1)
            proc(bufb, bufa, jnp.minimum(b + 2, nb - 1))
            return carry

        lax.fori_loop(0, nb // 2, step, 0)
        plsc.subcore_barrier()

        olast = N - (NS - 1) * RPW

        @pl.when(s < NS - 1)
        def _():
            pltpu.sync_copy(acc.at[pl.ds(s * RPW, RPW)],
                            agg_out.at[c, pl.ds(s * RPW, RPW)])

        @pl.when(s == NS - 1)
        def _():
            pltpu.sync_copy(acc.at[pl.ds(s * RPW, olast)],
                            agg_out.at[c, pl.ds(s * RPW, olast)])

    return pl.kernel(body, out_type=jax.ShapeDtypeStruct((NC, N, D),
                                                         jnp.float32),
                     mesh=mesh, scratch_types=scratch)


def _tc_layer(agg_p, inv3, x, WlT, b, WrT):
    R = 1000

    def body(agg_ref, inv_ref, x_ref, wl_ref, b_ref, wr_ref, o_ref):
        agg = agg_ref[0] + agg_ref[1]
        mean = agg * inv_ref[0, 0, :][:, None]
        o = jnp.dot(mean, wl_ref[...], preferred_element_type=jnp.float32)
        o += b_ref[0][None, :]
        o += jnp.dot(x_ref[...], wr_ref[...], preferred_element_type=jnp.float32)
        o_ref[...] = jnp.maximum(o, 0.0)

    return pl.pallas_call(
        body,
        grid=(N // R,),
        in_specs=[
            pl.BlockSpec((NC, R, D), lambda i: (0, i, 0)),
            pl.BlockSpec((1, 1, R), lambda i: (i, 0, 0)),
            pl.BlockSpec((R, D), lambda i: (i, 0)),
            pl.BlockSpec((D, D), lambda i: (0, 0)),
            pl.BlockSpec((1, D), lambda i: (0, 0)),
            pl.BlockSpec((D, D), lambda i: (0, 0)),
        ],
        out_specs=pl.BlockSpec((R, D), lambda i: (i, 0)),
        out_shape=jax.ShapeDtypeStruct((N, D), jnp.float32),
    )(agg_p, inv3, x, WlT, b.reshape(1, D), WrT)


def _tc_final(agg_p, inv3, h, WlT, b, WrT, batch3, WhTp, bhp):
    R = 1000
    nblk = N // R

    def body(agg_ref, inv_ref, h_ref, wl_ref, b_ref, wr_ref, bt_ref,
             wh_ref, bh_ref, o_ref, pool_ref, cnt_ref):
        i = pl.program_id(0)
        agg = agg_ref[0] + agg_ref[1]
        mean = agg * inv_ref[0, 0, :][:, None]
        h2 = jnp.dot(mean, wl_ref[...], preferred_element_type=jnp.float32)
        h2 += b_ref[0][None, :]
        h2 += jnp.dot(h_ref[...], wr_ref[...], preferred_element_type=jnp.float32)
        h2 = jnp.maximum(h2, 0.0)
        bt = bt_ref[0, 0, :]
        onehot = (bt[None, :] == lax.broadcasted_iota(jnp.int32, (G, R), 0)
                  ).astype(jnp.float32)
        contrib = jnp.dot(onehot, h2, preferred_element_type=jnp.float32)
        cnt = jnp.sum(onehot, axis=1)[:, None]

        @pl.when(i == 0)
        def _():
            pool_ref[...] = jnp.zeros_like(pool_ref)
            cnt_ref[...] = jnp.zeros_like(cnt_ref)

        pool_ref[...] += contrib
        cnt_ref[...] += jnp.broadcast_to(cnt, (G, D))

        @pl.when(i == nblk - 1)
        def _():
            pooled = pool_ref[...] / jnp.maximum(cnt_ref[...], 1.0)
            o_ref[...] = (jnp.dot(pooled, wh_ref[...],
                                  preferred_element_type=jnp.float32)
                          + bh_ref[0][None, :])

    return pl.pallas_call(
        body,
        grid=(nblk,),
        in_specs=[
            pl.BlockSpec((NC, R, D), lambda i: (0, i, 0)),
            pl.BlockSpec((1, 1, R), lambda i: (i, 0, 0)),
            pl.BlockSpec((R, D), lambda i: (i, 0)),
            pl.BlockSpec((D, D), lambda i: (0, 0)),
            pl.BlockSpec((1, D), lambda i: (0, 0)),
            pl.BlockSpec((D, D), lambda i: (0, 0)),
            pl.BlockSpec((1, 1, R), lambda i: (i, 0, 0)),
            pl.BlockSpec((D, D), lambda i: (0, 0)),
            pl.BlockSpec((1, D), lambda i: (0, 0)),
        ],
        out_specs=pl.BlockSpec((G, D), lambda i: (0, 0)),
        out_shape=jax.ShapeDtypeStruct((G, D), jnp.float32),
        scratch_shapes=[
            pltpu.VMEM((G, D), jnp.float32),
            pltpu.VMEM((G, D), jnp.float32),
        ],
    )(agg_p, inv3, h, WlT, b.reshape(1, D), WrT, batch3, WhTp, bhp)


def kernel(x, edge_index, batch, W1l, b1, W1r, W2l, b2, W2r, Wh, bh):
    E = edge_index.shape[1]
    epb = IB * CH
    nb = -(-E // (NW * epb))
    if nb % 2:
        nb += 1
    e_pad = NW * nb * epb

    src = edge_index[0]
    dst = edge_index[1]
    order = jnp.argsort(dst)
    dst_s = dst[order]
    pad = e_pad - E
    src_p = jnp.concatenate([src[order], jnp.zeros((pad,), jnp.int32)])
    dst_p = jnp.concatenate([dst_s, jnp.full((pad,), N, jnp.int32)])
    src4 = src_p.reshape(NW, nb, IB, CH)
    dst4 = dst_p.reshape(NW, nb, IB, CH)
    eidx = jnp.concatenate([src4, dst4], axis=2)

    ids = jnp.arange(N, dtype=jnp.int32)
    deg = (jnp.searchsorted(dst_s, ids, side="right")
           - jnp.searchsorted(dst_s, ids, side="left")).astype(jnp.float32)
    inv3 = (1.0 / jnp.maximum(deg, 1.0)).reshape(N // 1000, 1, 1000)

    z_d = jnp.zeros((RPW, D), jnp.float32)

    agg1_p = _make_sc_agg(nb)(x, eidx, z_d)
    h = _tc_layer(agg1_p, inv3, x, W1l.T, b1, W1r.T)
    agg2_p = _make_sc_agg(nb)(h, eidx, z_d)

    batch3 = batch.reshape(N // 1000, 1, 1000)
    WhTp = jnp.zeros((D, D), jnp.float32).at[:3, :].set(Wh).T
    bhp = jnp.zeros((1, D), jnp.float32).at[0, :3].set(bh)
    outp = _tc_final(agg2_p, inv3, h, W2l.T, b2, W2r.T, batch3, WhTp, bhp)
    return outp[:, :3]

# --- scband reference (transcript-rebuilt; emitter-appended) ---
"""Pipeline reference for scband-graph-sagenet-30081950941185 (READ-ONLY COPY).

The authoritative reference and input builder live on the scoring server;
editing this copy changes nothing except your own understanding.
"""

import jax, jax.numpy as jnp
import numpy as np

N = 10000
E = 320000
D = 128
H = 128
C = 3
G = 64


def _glorot_like(key, shape, fan_in):
    s = 1.0 / np.sqrt(fan_in)
    return jax.random.uniform(key, shape, minval=-s, maxval=s, dtype=jnp.float32)


def setup_inputs(seed: int = 0) -> dict:
    key = jax.random.key(seed)
    ks = jax.random.split(key, 12)
    x = jax.random.normal(ks[0], (N, D), dtype=jnp.float32)
    edge_index = jax.random.randint(ks[1], (2, E), 0, N, dtype=jnp.int32)
    batch = jnp.sort(jax.random.randint(ks[2], (N,), 0, G, dtype=jnp.int32))
    # SAGEConv params: lin_l (applied to mean-aggregated neighbors, with bias),
    # lin_r (applied to root/self features, no bias)
    W1l = _glorot_like(ks[3], (H, D), D)
    b1 = jnp.zeros((H,), dtype=jnp.float32)
    W1r = _glorot_like(ks[4], (H, D), D)
    W2l = _glorot_like(ks[5], (H, H), H)
    b2 = jnp.zeros((H,), dtype=jnp.float32)
    W2r = _glorot_like(ks[6], (H, H), H)
    Wh = _glorot_like(ks[7], (C, H), H)
    bh = jnp.zeros((C,), dtype=jnp.float32)
    return {
        "x": x, "edge_index": edge_index, "batch": batch,
        "W1l": W1l, "b1": b1, "W1r": W1r,
        "W2l": W2l, "b2": b2, "W2r": W2r,
        "Wh": Wh, "bh": bh,
    }


def _sage_conv(x, edge_index, Wl, bl, Wr):
    # PyG SAGEConv (aggr='mean'): out = lin_l(mean_j x_j) + lin_r(x_i)
    src = edge_index[0]
    dst = edge_index[1]
    msgs = jnp.take(x, src, axis=0)
    agg = jax.ops.segment_sum(msgs, dst, num_segments=N)
    deg = jax.ops.segment_sum(jnp.ones((E,), dtype=x.dtype), dst, num_segments=N)
    mean = agg / jnp.clip(deg, 1.0)[:, None]
    return mean @ Wl.T + bl + x @ Wr.T


def reference(x, edge_index, batch, W1l, b1, W1r, W2l, b2, W2r, Wh, bh):
    h = jax.nn.relu(_sage_conv(x, edge_index, W1l, b1, W1r))
    h = jax.nn.relu(_sage_conv(h, edge_index, W2l, b2, W2r))
    # global_mean_pool over graph segment ids
    summed = jax.ops.segment_sum(h, batch, num_segments=G)
    counts = jax.ops.segment_sum(jnp.ones((N,), dtype=h.dtype), batch, num_segments=G)
    pooled = summed / jnp.clip(counts, 1.0)[:, None]
    return pooled @ Wh.T + bh

if __name__ == "__main__":
    import jax
    _d = setup_inputs()
    print(jax.jit(kernel)(*tuple(_d.values())))

</pallas_src>

<mosaic_0001>
#map = affine_map<(d0, d1) -> (0, 0)>
#map1 = affine_map<(d0, d1) -> (0, 0, 0, 0)>
#map2 = affine_map<(d0, d1) -> (0, 0, 0)>
module attributes {stable_mosaic.version = 14 : i64} {
  func.func @body(%arg0: i32, %arg1: i32, %arg2: memref<10000x128xf32, #tpu.memory_space<hbm>>, %arg3: memref<32x40x4x128xi32, #tpu.memory_space<hbm>>, %arg4: memref<632x128xf32, #tpu.memory_space<hbm>>, %arg5: memref<2x10000x128xf32, #tpu.memory_space<hbm>>, %arg6: memref<4x128xi32, #tpu.memory_space<vmem>>, %arg7: memref<4x128xi32, #tpu.memory_space<vmem>>, %arg8: memref<128x128xf32, #tpu.memory_space<vmem>>, %arg9: memref<128x128xf32, #tpu.memory_space<vmem>>, %arg10: memref<10008x128xf32, #tpu.memory_space<vmem_shared>>, %arg11: memref<!tpu.dma_semaphore, #tpu.memory_space<semaphore_mem>>, %arg12: memref<!tpu.dma_semaphore, #tpu.memory_space<semaphore_mem>>, %arg13: memref<!tpu.dma_semaphore, #tpu.memory_space<semaphore_mem>>) attributes {dimension_semantics = [#tpu.dimension_semantics<core_parallel>, #tpu.dimension_semantics<subcore_parallel>], iteration_bounds = array<i64: 2, 16>, scalar_prefetch = 0 : i64, scratch_operands = 8 : i64, tpu.core_type = #tpu.core_type<sc_vector_subcore>, window_params = [{transform_indices = #map}, {transform_indices = #map1}, {transform_indices = #map}, {transform_indices = #map2}]} {
    %mul3A = arith.constant 16 : i32
    %mul3A_0 = arith.muli %arg0, %mul3A : i32
    %add3A = arith.addi %mul3A_0, %arg1 : i32
    %lt3A = arith.constant 15 : i32
    %lt3A_1 = arith.cmpi slt, %arg1, %lt3A : i32
    %convert_element_type3A = arith.extui %lt3A_1 : i1 to i32
    %cond3A = arith.constant 0 : i32
    %cond3A_2 = arith.cmpi ne, %convert_element_type3A, %cond3A : i32
    scf.if %cond3A_2 {
      %mul3A_22 = arith.constant 632 : i32
      %mul3A_23 = arith.muli %arg1, %mul3A_22 : i32
      "tpu.region"() ({
        %run_scoped3A_24 = tpu.sem_alloc : memref<!tpu.dma_semaphore, #tpu.memory_space<semaphore_mem>>
        %dma_start3A = arith.constant 0 : i32
        %dma_start3A_25 = tpu.memref_slice %arg10[%mul3A_23, %dma_start3A] : memref<10008x128xf32, #tpu.memory_space<vmem_shared>> -> memref<632x128xf32, #tpu.memory_space<vmem_shared>>
        tpu.enqueue_dma source(%arg4 : memref<632x128xf32, #tpu.memory_space<hbm>>) target(%dma_start3A_25 : memref<632x128xf32, #tpu.memory_space<vmem_shared>>) target_semaphore(%run_scoped3A_24 : memref<!tpu.dma_semaphore, #tpu.memory_space<semaphore_mem>>)
        %dma_wait3A = arith.constant 0 : i32
        %dma_wait3A_26 = tpu.memref_slice %arg10[%mul3A_23, %dma_wait3A] : memref<10008x128xf32, #tpu.memory_space<vmem_shared>> -> memref<632x128xf32, #tpu.memory_space<vmem_shared>>
        tpu.wait_dma2 semaphore(%run_scoped3A_24 : memref<!tpu.dma_semaphore, #tpu.memory_space<semaphore_mem>>) src(%arg4 : memref<632x128xf32, #tpu.memory_space<hbm>>) dst(%dma_wait3A_26 : memref<632x128xf32, #tpu.memory_space<vmem_shared>>)
        tpu.yield
      }) : () -> ()
    } else {
    }
    %eq3A = arith.constant 15 : i32
    %eq3A_3 = arith.cmpi eq, %arg1, %eq3A : i32
    %convert_element_type3A_4 = arith.extui %eq3A_3 : i1 to i32
    %cond3A_5 = arith.constant 0 : i32
    %cond3A_6 = arith.cmpi ne, %convert_element_type3A_4, %cond3A_5 : i32
    scf.if %cond3A_6 {
      %mul3A_22 = arith.constant 632 : i32
      %mul3A_23 = arith.muli %arg1, %mul3A_22 : i32
      "tpu.region"() ({
        %run_scoped3A_24 = tpu.sem_alloc : memref<!tpu.dma_semaphore, #tpu.memory_space<semaphore_mem>>
        %dma_start3A = arith.constant 0 : i32
        %dma_start3A_25 = tpu.memref_slice %arg10[%mul3A_23, %dma_start3A] : memref<10008x128xf32, #tpu.memory_space<vmem_shared>> -> memref<528x128xf32, #tpu.memory_space<vmem_shared>>
        %dma_start3A_26 = arith.constant 0 : i32
        %dma_start3A_27 = arith.constant 0 : i32
        %dma_start3A_28 = tpu.memref_slice %arg4[%dma_start3A_26, %dma_start3A_27] : memref<632x128xf32, #tpu.memory_space<hbm>> -> memref<528x128xf32, #tpu.memory_space<hbm>>
        tpu.enqueue_dma source(%dma_start3A_28 : memref<528x128xf32, #tpu.memory_space<hbm>>) target(%dma_start3A_25 : memref<528x128xf32, #tpu.memory_space<vmem_shared>>) target_semaphore(%run_scoped3A_24 : memref<!tpu.dma_semaphore, #tpu.memory_space<semaphore_mem>>)
        %dma_wait3A = arith.constant 0 : i32
        %dma_wait3A_29 = tpu.memref_slice %arg10[%mul3A_23, %dma_wait3A] : memref<10008x128xf32, #tpu.memory_space<vmem_shared>> -> memref<528x128xf32, #tpu.memory_space<vmem_shared>>
        %dma_wait3A_30 = arith.constant 0 : i32
        %dma_wait3A_31 = arith.constant 0 : i32
        %dma_wait3A_32 = tpu.memref_slice %arg4[%dma_wait3A_30, %dma_wait3A_31] : memref<632x128xf32, #tpu.memory_space<hbm>> -> memref<528x128xf32, #tpu.memory_space<hbm>>
        tpu.wait_dma2 semaphore(%run_scoped3A_24 : memref<!tpu.dma_semaphore, #tpu.memory_space<semaphore_mem>>) src(%dma_wait3A_32 : memref<528x128xf32, #tpu.memory_space<hbm>>) dst(%dma_wait3A_29 : memref<528x128xf32, #tpu.memory_space<vmem_shared>>)
        tpu.yield
      }) : () -> ()
    } else {
    }
    %run_scoped3A = arith.constant 0 : i32
    "tpu.region"() ({
      %run_scoped3A_22 = tpu.sem_alloc : memref<!tpu.dma_semaphore, #tpu.memory_space<semaphore_mem>>
      %dma_start3A = arith.constant 0 : i32
      %dma_start3A_23 = arith.constant 0 : i32
      %dma_start3A_24 = tpu.memref_slice %arg3[%add3A, %run_scoped3A, %dma_start3A, %dma_start3A_23] : memref<32x40x4x128xi32, #tpu.memory_space<hbm>> -> memref<1x1x4x128xi32, #tpu.memory_space<hbm>>
      %dma_start3A_25 = tpu.memref_squeeze %dma_start3A_24 : memref<1x1x4x128xi32, #tpu.memory_space<hbm>> -> memref<4x128xi32, #tpu.memory_space<hbm>>
      %dma_start3A_26 = arith.constant 0 : i32
      %dma_start3A_27 = arith.constant 0 : i32
      %dma_start3A_28 = tpu.memref_slice %arg3[%add3A, %run_scoped3A, %dma_start3A_26, %dma_start3A_27] : memref<32x40x4x128xi32, #tpu.memory_space<hbm>> -> memref<1x1x4x128xi32, #tpu.memory_space<hbm>>
      %dma_start3A_29 = tpu.memref_squeeze %dma_start3A_28 : memref<1x1x4x128xi32, #tpu.memory_space<hbm>> -> memref<4x128xi32, #tpu.memory_space<hbm>>
      tpu.enqueue_dma source(%dma_start3A_29 : memref<4x128xi32, #tpu.memory_space<hbm>>) target(%arg6 : memref<4x128xi32, #tpu.memory_space<vmem>>) target_semaphore(%run_scoped3A_22 : memref<!tpu.dma_semaphore, #tpu.memory_space<semaphore_mem>>)
      %dma_wait3A = arith.constant 0 : i32
      %dma_wait3A_30 = arith.constant 0 : i32
      %dma_wait3A_31 = tpu.memref_slice %arg3[%add3A, %run_scoped3A, %dma_wait3A, %dma_wait3A_30] : memref<32x40x4x128xi32, #tpu.memory_space<hbm>> -> memref<1x1x4x128xi32, #tpu.memory_space<hbm>>
      %dma_wait3A_32 = tpu.memref_squeeze %dma_wait3A_31 : memref<1x1x4x128xi32, #tpu.memory_space<hbm>> -> memref<4x128xi32, #tpu.memory_space<hbm>>
      %dma_wait3A_33 = arith.constant 0 : i32
      %dma_wait3A_34 = arith.constant 0 : i32
      %dma_wait3A_35 = tpu.memref_slice %arg3[%add3A, %run_scoped3A, %dma_wait3A_33, %dma_wait3A_34] : memref<32x40x4x128xi32, #tpu.memory_space<hbm>> -> memref<1x1x4x128xi32, #tpu.memory_space<hbm>>
      %dma_wait3A_36 = tpu.memref_squeeze %dma_wait3A_35 : memref<1x1x4x128xi32, #tpu.memory_space<hbm>> -> memref<4x128xi32, #tpu.memory_space<hbm>>
      tpu.wait_dma2 semaphore(%run_scoped3A_22 : memref<!tpu.dma_semaphore, #tpu.memory_space<semaphore_mem>>) src(%dma_wait3A_36 : memref<4x128xi32, #tpu.memory_space<hbm>>) dst(%arg6 : memref<4x128xi32, #tpu.memory_space<vmem>>)
      tpu.yield
    }) : () -> ()
    %scan3A = arith.constant 0 : i32
    %scan3A_7 = arith.constant 0 : i32
    %scan3A_8 = arith.constant 20 : i32
    %scan3A_9 = arith.addi %scan3A_7, %scan3A_8 : i32
    %scan3A_10 = arith.constant 1 : i32
    scf.for %scan3A_22 = %scan3A_7 to %scan3A_9 step %scan3A_10  : i32 {
      %mul3A_23 = arith.constant 2 : i32
      %mul3A_24 = arith.muli %mul3A_23, %scan3A_22 : i32
      %add3A_25 = arith.constant 1 : i32
      %add3A_26 = arith.addi %mul3A_24, %add3A_25 : i32
      %dma_start3A = arith.constant 0 : i32
      %dma_start3A_27 = arith.constant 0 : i32
      %dma_start3A_28 = tpu.memref_slice %arg3[%add3A, %add3A_26, %dma_start3A, %dma_start3A_27] : memref<32x40x4x128xi32, #tpu.memory_space<hbm>> -> memref<1x1x4x128xi32, #tpu.memory_space<hbm>>
      %dma_start3A_29 = tpu.memref_squeeze %dma_start3A_28 : memref<1x1x4x128xi32, #tpu.memory_space<hbm>> -> memref<4x128xi32, #tpu.memory_space<hbm>>
      %dma_start3A_30 = arith.constant 0 : i32
      %dma_start3A_31 = arith.constant 0 : i32
      %dma_start3A_32 = tpu.memref_slice %arg3[%add3A, %add3A_26, %dma_start3A_30, %dma_start3A_31] : memref<32x40x4x128xi32, #tpu.memory_space<hbm>> -> memref<1x1x4x128xi32, #tpu.memory_space<hbm>>
      %dma_start3A_33 = tpu.memref_squeeze %dma_start3A_32 : memref<1x1x4x128xi32, #tpu.memory_space<hbm>> -> memref<4x128xi32, #tpu.memory_space<hbm>>
      tpu.enqueue_dma source(%dma_start3A_33 : memref<4x128xi32, #tpu.memory_space<hbm>>) target(%arg7 : memref<4x128xi32, #tpu.memory_space<vmem>>) target_semaphore(%arg13 : memref<!tpu.dma_semaphore, #tpu.memory_space<semaphore_mem>>)
      %dma_start3A_34 = arith.constant 0 : i32
      %dma_start3A_35 = arith.constant 0 : i32
      %dma_start3A_36 = tpu.memref_slice %arg6[%dma_start3A_34, %dma_start3A_35] : memref<4x128xi32, #tpu.memory_space<vmem>> -> memref<1x128xi32, #tpu.memory_space<vmem>>
      %dma_start3A_37 = tpu.memref_squeeze %dma_start3A_36 : memref<1x128xi32, #tpu.memory_space<vmem>> -> memref<128xi32, #tpu.memory_space<vmem>>
      %dma_start3A_38 = arith.constant 0 : i32
      %dma_start3A_39 = arith.constant 0 : i32
      %dma_start3A_40 = tpu.memref_slice %arg2[%dma_start3A_38, %dma_start3A_39] : memref<10000x128xf32, #tpu.memory_space<hbm>> -> memref<10000x128xf32, #tpu.memory_space<hbm>>
      tpu.enqueue_indirect_dma source(%dma_start3A_40 : memref<10000x128xf32, #tpu.memory_space<hbm>>) target(%arg8 : memref<128x128xf32, #tpu.memory_space<vmem>>) offsets(%dma_start3A_37 : memref<128xi32, #tpu.memory_space<vmem>>) semaphore(%arg11 : memref<!tpu.dma_semaphore, #tpu.memory_space<semaphore_mem>>)
      %dma_start3A_41 = arith.constant 1 : i32
      %dma_start3A_42 = arith.constant 0 : i32
      %dma_start3A_43 = tpu.memref_slice %arg6[%dma_start3A_41, %dma_start3A_42] : memref<4x128xi32, #tpu.memory_space<vmem>> -> memref<1x128xi32, #tpu.memory_space<vmem>>
      %dma_start3A_44 = tpu.memref_squeeze %dma_start3A_43 : memref<1x128xi32, #tpu.memory_space<vmem>> -> memref<128xi32, #tpu.memory_space<vmem>>
      %dma_start3A_45 = arith.constant 0 : i32
      %dma_start3A_46 = arith.constant 0 : i32
      %dma_start3A_47 = tpu.memref_slice %arg2[%dma_start3A_45, %dma_start3A_46] : memref<10000x128xf32, #tpu.memory_space<hbm>> -> memref<10000x128xf32, #tpu.memory_space<hbm>>
      tpu.enqueue_indirect_dma source(%dma_start3A_47 : memref<10000x128xf32, #tpu.memory_space<hbm>>) target(%arg9 : memref<128x128xf32, #tpu.memory_space<vmem>>) offsets(%dma_start3A_44 : memref<128xi32, #tpu.memory_space<vmem>>) semaphore(%arg12 : memref<!tpu.dma_semaphore, #tpu.memory_space<semaphore_mem>>)
      %dma_wait3A = arith.constant 0 : i32
      %dma_wait3A_48 = arith.constant 0 : i32
      %dma_wait3A_49 = tpu.memref_slice %arg3[%add3A, %add3A_26, %dma_wait3A, %dma_wait3A_48] : memref<32x40x4x128xi32, #tpu.memory_space<hbm>> -> memref<1x1x4x128xi32, #tpu.memory_space<hbm>>
      %dma_wait3A_50 = tpu.memref_squeeze %dma_wait3A_49 : memref<1x1x4x128xi32, #tpu.memory_space<hbm>> -> memref<4x128xi32, #tpu.memory_space<hbm>>
      %dma_wait3A_51 = arith.constant 0 : i32
      %dma_wait3A_52 = arith.constant 0 : i32
      %dma_wait3A_53 = tpu.memref_slice %arg3[%add3A, %add3A_26, %dma_wait3A_51, %dma_wait3A_52] : memref<32x40x4x128xi32, #tpu.memory_space<hbm>> -> memref<1x1x4x128xi32, #tpu.memory_space<hbm>>
      %dma_wait3A_54 = tpu.memref_squeeze %dma_wait3A_53 : memref<1x1x4x128xi32, #tpu.memory_space<hbm>> -> memref<4x128xi32, #tpu.memory_space<hbm>>
      tpu.wait_dma2 semaphore(%arg13 : memref<!tpu.dma_semaphore, #tpu.memory_space<semaphore_mem>>) src(%dma_wait3A_54 : memref<4x128xi32, #tpu.memory_space<hbm>>) dst(%arg7 : memref<4x128xi32, #tpu.memory_space<vmem>>)
      %dma_wait3A_55 = arith.constant 0 : i32
      %dma_wait3A_56 = arith.constant 0 : i32
      %dma_wait3A_57 = tpu.memref_slice %arg6[%dma_wait3A_55, %dma_wait3A_56] : memref<4x128xi32, #tpu.memory_space<vmem>> -> memref<1x128xi32, #tpu.memory_space<vmem>>
      %dma_wait3A_58 = tpu.memref_squeeze %dma_wait3A_57 : memref<1x128xi32, #tpu.memory_space<vmem>> -> memref<128xi32, #tpu.memory_space<vmem>>
      %dma_wait3A_59 = arith.constant 0 : i32
      %dma_wait3A_60 = arith.constant 0 : i32
      %dma_wait3A_61 = tpu.memref_slice %arg2[%dma_wait3A_59, %dma_wait3A_60] : memref<10000x128xf32, #tpu.memory_space<hbm>> -> memref<10000x128xf32, #tpu.memory_space<hbm>>
      tpu.wait_indirect_dma semaphore(%arg11 : memref<!tpu.dma_semaphore, #tpu.memory_space<semaphore_mem>>) src(%dma_wait3A_61 : memref<10000x128xf32, #tpu.memory_space<hbm>>) dst(%arg8 : memref<128x128xf32, #tpu.memory_space<vmem>>)
      %dma_wait3A_62 = arith.constant 1 : i32
      %dma_wait3A_63 = arith.constant 0 : i32
      %dma_wait3A_64 = tpu.memref_slice %arg6[%dma_wait3A_62, %dma_wait3A_63] : memref<4x128xi32, #tpu.memory_space<vmem>> -> memref<1x128xi32, #tpu.memory_space<vmem>>
      %dma_wait3A_65 = tpu.memref_squeeze %dma_wait3A_64 : memref<1x128xi32, #tpu.memory_space<vmem>> -> memref<128xi32, #tpu.memory_space<vmem>>
      %dma_wait3A_66 = arith.constant 0 : i32
      %dma_wait3A_67 = arith.constant 0 : i32
      %dma_wait3A_68 = tpu.memref_slice %arg2[%dma_wait3A_66, %dma_wait3A_67] : memref<10000x128xf32, #tpu.memory_space<hbm>> -> memref<10000x128xf32, #tpu.memory_space<hbm>>
      tpu.wait_indirect_dma semaphore(%arg12 : memref<!tpu.dma_semaphore, #tpu.memory_space<semaphore_mem>>) src(%dma_wait3A_68 : memref<10000x128xf32, #tpu.memory_space<hbm>>) dst(%arg9 : memref<128x128xf32, #tpu.memory_space<vmem>>)
      %run_scoped3A_69 = arith.constant 2 : i32
      "tpu.region"() ({
        %run_scoped3A_120 = tpu.sem_alloc : memref<!tpu.dma_semaphore, #tpu.memory_space<semaphore_mem>>
        %dma_start3A_121 = arith.constant 0 : i32
        %dma_start3A_122 = tpu.memref_slice %arg6[%run_scoped3A_69, %dma_start3A_121] : memref<4x128xi32, #tpu.memory_space<vmem>> -> memref<1x128xi32, #tpu.memory_space<vmem>>
        %dma_start3A_123 = tpu.memref_squeeze %dma_start3A_122 : memref<1x128xi32, #tpu.memory_space<vmem>> -> memref<128xi32, #tpu.memory_space<vmem>>
        %dma_start3A_124 = arith.constant 0 : i32
        %dma_start3A_125 = arith.constant 0 : i32
        %dma_start3A_126 = tpu.memref_slice %arg10[%dma_start3A_124, %dma_start3A_125] : memref<10008x128xf32, #tpu.memory_space<vmem_shared>> -> memref<10008x128xf32, #tpu.memory_space<vmem_shared>>
        tpu.enqueue_indirect_dma source(%arg8 : memref<128x128xf32, #tpu.memory_space<vmem>>) target(%dma_start3A_126 : memref<10008x128xf32, #tpu.memory_space<vmem_shared>>) offsets(%dma_start3A_123 : memref<128xi32, #tpu.memory_space<vmem>>) semaphore(%run_scoped3A_120 : memref<!tpu.dma_semaphore, #tpu.memory_space<semaphore_mem>>) {add = true}
        %dma_wait3A_127 = arith.constant 0 : i32
        %dma_wait3A_128 = tpu.memref_slice %arg6[%run_scoped3A_69, %dma_wait3A_127] : memref<4x128xi32, #tpu.memory_space<vmem>> -> memref<1x128xi32, #tpu.memory_space<vmem>>
        %dma_wait3A_129 = tpu.memref_squeeze %dma_wait3A_128 : memref<1x128xi32, #tpu.memory_space<vmem>> -> memref<128xi32, #tpu.memory_space<vmem>>
        %dma_wait3A_130 = arith.constant 0 : i32
        %dma_wait3A_131 = arith.constant 0 : i32
        %dma_wait3A_132 = tpu.memref_slice %arg10[%dma_wait3A_130, %dma_wait3A_131] : memref<10008x128xf32, #tpu.memory_space<vmem_shared>> -> memref<10008x128xf32, #tpu.memory_space<vmem_shared>>
        tpu.wait_indirect_dma semaphore(%run_scoped3A_120 : memref<!tpu.dma_semaphore, #tpu.memory_space<semaphore_mem>>) src(%arg8 : memref<128x128xf32, #tpu.memory_space<vmem>>) dst(%dma_wait3A_132 : memref<10008x128xf32, #tpu.memory_space<vmem_shared>>)
        tpu.yield
      }) : () -> ()
      %run_scoped3A_70 = arith.constant 3 : i32
      "tpu.region"() ({
        %run_scoped3A_120 = tpu.sem_alloc : memref<!tpu.dma_semaphore, #tpu.memory_space<semaphore_mem>>
        %dma_start3A_121 = arith.constant 0 : i32
        %dma_start3A_122 = tpu.memref_slice %arg6[%run_scoped3A_70, %dma_start3A_121] : memref<4x128xi32, #tpu.memory_space<vmem>> -> memref<1x128xi32, #tpu.memory_space<vmem>>
        %dma_start3A_123 = tpu.memref_squeeze %dma_start3A_122 : memref<1x128xi32, #tpu.memory_space<vmem>> -> memref<128xi32, #tpu.memory_space<vmem>>
        %dma_start3A_124 = arith.constant 0 : i32
        %dma_start3A_125 = arith.constant 0 : i32
        %dma_start3A_126 = tpu.memref_slice %arg10[%dma_start3A_124, %dma_start3A_125] : memref<10008x128xf32, #tpu.memory_space<vmem_shared>> -> memref<10008x128xf32, #tpu.memory_space<vmem_shared>>
        tpu.enqueue_indirect_dma source(%arg9 : memref<128x128xf32, #tpu.memory_space<vmem>>) target(%dma_start3A_126 : memref<10008x128xf32, #tpu.memory_space<vmem_shared>>) offsets(%dma_start3A_123 : memref<128xi32, #tpu.memory_space<vmem>>) semaphore(%run_scoped3A_120 : memref<!tpu.dma_semaphore, #tpu.memory_space<semaphore_mem>>) {add = true}
        %dma_wait3A_127 = arith.constant 0 : i32
        %dma_wait3A_128 = tpu.memref_slice %arg6[%run_scoped3A_70, %dma_wait3A_127] : memref<4x128xi32, #tpu.memory_space<vmem>> -> memref<1x128xi32, #tpu.memory_space<vmem>>
        %dma_wait3A_129 = tpu.memref_squeeze %dma_wait3A_128 : memref<1x128xi32, #tpu.memory_space<vmem>> -> memref<128xi32, #tpu.memory_space<vmem>>
        %dma_wait3A_130 = arith.constant 0 : i32
        %dma_wait3A_131 = arith.constant 0 : i32
        %dma_wait3A_132 = tpu.memref_slice %arg10[%dma_wait3A_130, %dma_wait3A_131] : memref<10008x128xf32, #tpu.memory_space<vmem_shared>> -> memref<10008x128xf32, #tpu.memory_space<vmem_shared>>
        tpu.wait_indirect_dma semaphore(%run_scoped3A_120 : memref<!tpu.dma_semaphore, #tpu.memory_space<semaphore_mem>>) src(%arg9 : memref<128x128xf32, #tpu.memory_space<vmem>>) dst(%dma_wait3A_132 : memref<10008x128xf32, #tpu.memory_space<vmem_shared>>)
        tpu.yield
      }) : () -> ()
      %add3A_71 = arith.constant 2 : i32
      %add3A_72 = arith.addi %mul3A_24, %add3A_71 : i32
      %min3A = arith.constant 39 : i32
      %min3A_73 = arith.minsi %add3A_72, %min3A : i32
      %dma_start3A_74 = arith.constant 0 : i32
      %dma_start3A_75 = arith.constant 0 : i32
      %dma_start3A_76 = tpu.memref_slice %arg3[%add3A, %min3A_73, %dma_start3A_74, %dma_start3A_75] : memref<32x40x4x128xi32, #tpu.memory_space<hbm>> -> memref<1x1x4x128xi32, #tpu.memory_space<hbm>>
      %dma_start3A_77 = tpu.memref_squeeze %dma_start3A_76 : memref<1x1x4x128xi32, #tpu.memory_space<hbm>> -> memref<4x128xi32, #tpu.memory_space<hbm>>
      %dma_start3A_78 = arith.constant 0 : i32
      %dma_start3A_79 = arith.constant 0 : i32
      %dma_start3A_80 = tpu.memref_slice %arg3[%add3A, %min3A_73, %dma_start3A_78, %dma_start3A_79] : memref<32x40x4x128xi32, #tpu.memory_space<hbm>> -> memref<1x1x4x128xi32, #tpu.memory_space<hbm>>
      %dma_start3A_81 = tpu.memref_squeeze %dma_start3A_80 : memref<1x1x4x128xi32, #tpu.memory_space<hbm>> -> memref<4x128xi32, #tpu.memory_space<hbm>>
      tpu.enqueue_dma source(%dma_start3A_81 : memref<4x128xi32, #tpu.memory_space<hbm>>) target(%arg6 : memref<4x128xi32, #tpu.memory_space<vmem>>) target_semaphore(%arg13 : memref<!tpu.dma_semaphore, #tpu.memory_space<semaphore_mem>>)
      %dma_start3A_82 = arith.constant 0 : i32
      %dma_start3A_83 = arith.constant 0 : i32
      %dma_start3A_84 = tpu.memref_slice %arg7[%dma_start3A_82, %dma_start3A_83] : memref<4x128xi32, #tpu.memory_space<vmem>> -> memref<1x128xi32, #tpu.memory_space<vmem>>
      %dma_start3A_85 = tpu.memref_squeeze %dma_start3A_84 : memref<1x128xi32, #tpu.memory_space<vmem>> -> memref<128xi32, #tpu.memory_space<vmem>>
      %dma_start3A_86 = arith.constant 0 : i32
      %dma_start3A_87 = arith.constant 0 : i32
      %dma_start3A_88 = tpu.memref_slice %arg2[%dma_start3A_86, %dma_start3A_87] : memref<10000x128xf32, #tpu.memory_space<hbm>> -> memref<10000x128xf32, #tpu.memory_space<hbm>>
      tpu.enqueue_indirect_dma source(%dma_start3A_88 : memref<10000x128xf32, #tpu.memory_space<hbm>>) target(%arg8 : memref<128x128xf32, #tpu.memory_space<vmem>>) offsets(%dma_start3A_85 : memref<128xi32, #tpu.memory_space<vmem>>) semaphore(%arg11 : memref<!tpu.dma_semaphore, #tpu.memory_space<semaphore_mem>>)
      %dma_start3A_89 = arith.constant 1 : i32
      %dma_start3A_90 = arith.constant 0 : i32
      %dma_start3A_91 = tpu.memref_slice %arg7[%dma_start3A_89, %dma_start3A_90] : memref<4x128xi32, #tpu.memory_space<vmem>> -> memref<1x128xi32, #tpu.memory_space<vmem>>
      %dma_start3A_92 = tpu.memref_squeeze %dma_start3A_91 : memref<1x128xi32, #tpu.memory_space<vmem>> -> memref<128xi32, #tpu.memory_space<vmem>>
      %dma_start3A_93 = arith.constant 0 : i32
      %dma_start3A_94 = arith.constant 0 : i32
      %dma_start3A_95 = tpu.memref_slice %arg2[%dma_start3A_93, %dma_start3A_94] : memref<10000x128xf32, #tpu.memory_space<hbm>> -> memref<10000x128xf32, #tpu.memory_space<hbm>>
      tpu.enqueue_indirect_dma source(%dma_start3A_95 : memref<10000x128xf32, #tpu.memory_space<hbm>>) target(%arg9 : memref<128x128xf32, #tpu.memory_space<vmem>>) offsets(%dma_start3A_92 : memref<128xi32, #tpu.memory_space<vmem>>) semaphore(%arg12 : memref<!tpu.dma_semaphore, #tpu.memory_space<semaphore_mem>>)
      %dma_wait3A_96 = arith.constant 0 : i32
      %dma_wait3A_97 = arith.constant 0 : i32
      %dma_wait3A_98 = tpu.memref_slice %arg3[%add3A, %min3A_73, %dma_wait3A_96, %dma_wait3A_97] : memref<32x40x4x128xi32, #tpu.memory_space<hbm>> -> memref<1x1x4x128xi32, #tpu.memory_space<hbm>>
      %dma_wait3A_99 = tpu.memref_squeeze %dma_wait3A_98 : memref<1x1x4x128xi32, #tpu.memory_space<hbm>> -> memref<4x128xi32, #tpu.memory_space<hbm>>
      %dma_wait3A_100 = arith.constant 0 : i32
      %dma_wait3A_101 = arith.constant 0 : i32
      %dma_wait3A_102 = tpu.memref_slice %arg3[%add3A, %min3A_73, %dma_wait3A_100, %dma_wait3A_101] : memref<32x40x4x128xi32, #tpu.memory_space<hbm>> -> memref<1x1x4x128xi32, #tpu.memory_space<hbm>>
      %dma_wait3A_103 = tpu.memref_squeeze %dma_wait3A_102 : memref<1x1x4x128xi32, #tpu.memory_space<hbm>> -> memref<4x128xi32, #tpu.memory_space<hbm>>
      tpu.wait_dma2 semaphore(%arg13 : memref<!tpu.dma_semaphore, #tpu.memory_space<semaphore_mem>>) src(%dma_wait3A_103 : memref<4x128xi32, #tpu.memory_space<hbm>>) dst(%arg6 : memref<4x128xi32, #tpu.memory_space<vmem>>)
      %dma_wait3A_104 = arith.constant 0 : i32
      %dma_wait3A_105 = arith.constant 0 : i32
      %dma_wait3A_106 = tpu.memref_slice %arg7[%dma_wait3A_104, %dma_wait3A_105] : memref<4x128xi32, #tpu.memory_space<vmem>> -> memref<1x128xi32, #tpu.memory_space<vmem>>
      %dma_wait3A_107 = tpu.memref_squeeze %dma_wait3A_106 : memref<1x128xi32, #tpu.memory_space<vmem>> -> memref<128xi32, #tpu.memory_space<vmem>>
      %dma_wait3A_108 = arith.constant 0 : i32
      %dma_wait3A_109 = arith.constant 0 : i32
      %dma_wait3A_110 = tpu.memref_slice %arg2[%dma_wait3A_108, %dma_wait3A_109] : memref<10000x128xf32, #tpu.memory_space<hbm>> -> memref<10000x128xf32, #tpu.memory_space<hbm>>
      tpu.wait_indirect_dma semaphore(%arg11 : memref<!tpu.dma_semaphore, #tpu.memory_space<semaphore_mem>>) src(%dma_wait3A_110 : memref<10000x128xf32, #tpu.memory_space<hbm>>) dst(%arg8 : memref<128x128xf32, #tpu.memory_space<vmem>>)
      %dma_wait3A_111 = arith.constant 1 : i32
      %dma_wait3A_112 = arith.constant 0 : i32
      %dma_wait3A_113 = tpu.memref_slice %arg7[%dma_wait3A_111, %dma_wait3A_112] : memref<4x128xi32, #tpu.memory_space<vmem>> -> memref<1x128xi32, #tpu.memory_space<vmem>>
      %dma_wait3A_114 = tpu.memref_squeeze %dma_wait3A_113 : memref<1x128xi32, #tpu.memory_space<vmem>> -> memref<128xi32, #tpu.memory_space<vmem>>
      %dma_wait3A_115 = arith.constant 0 : i32
      %dma_wait3A_116 = arith.constant 0 : i32
      %dma_wait3A_117 = tpu.memref_slice %arg2[%dma_wait3A_115, %dma_wait3A_116] : memref<10000x128xf32, #tpu.memory_space<hbm>> -> memref<10000x128xf32, #tpu.memory_space<hbm>>
      tpu.wait_indirect_dma semaphore(%arg12 : memref<!tpu.dma_semaphore, #tpu.memory_space<semaphore_mem>>) src(%dma_wait3A_117 : memref<10000x128xf32, #tpu.memory_space<hbm>>) dst(%arg9 : memref<128x128xf32, #tpu.memory_space<vmem>>)
      %run_scoped3A_118 = arith.constant 2 : i32
      "tpu.region"() ({
        %run_scoped3A_120 = tpu.sem_alloc : memref<!tpu.dma_semaphore, #tpu.memory_space<semaphore_mem>>
        %dma_start3A_121 = arith.constant 0 : i32
        %dma_start3A_122 = tpu.memref_slice %arg7[%run_scoped3A_118, %dma_start3A_121] : memref<4x128xi32, #tpu.memory_space<vmem>> -> memref<1x128xi32, #tpu.memory_space<vmem>>
        %dma_start3A_123 = tpu.memref_squeeze %dma_start3A_122 : memref<1x128xi32, #tpu.memory_space<vmem>> -> memref<128xi32, #tpu.memory_space<vmem>>
        %dma_start3A_124 = arith.constant 0 : i32
        %dma_start3A_125 = arith.constant 0 : i32
        %dma_start3A_126 = tpu.memref_slice %arg10[%dma_start3A_124, %dma_start3A_125] : memref<10008x128xf32, #tpu.memory_space<vmem_shared>> -> memref<10008x128xf32, #tpu.memory_space<vmem_shared>>
        tpu.enqueue_indirect_dma source(%arg8 : memref<128x128xf32, #tpu.memory_space<vmem>>) target(%dma_start3A_126 : memref<10008x128xf32, #tpu.memory_space<vmem_shared>>) offsets(%dma_start3A_123 : memref<128xi32, #tpu.memory_space<vmem>>) semaphore(%run_scoped3A_120 : memref<!tpu.dma_semaphore, #tpu.memory_space<semaphore_mem>>) {add = true}
        %dma_wait3A_127 = arith.constant 0 : i32
        %dma_wait3A_128 = tpu.memref_slice %arg7[%run_scoped3A_118, %dma_wait3A_127] : memref<4x128xi32, #tpu.memory_space<vmem>> -> memref<1x128xi32, #tpu.memory_space<vmem>>
        %dma_wait3A_129 = tpu.memref_squeeze %dma_wait3A_128 : memref<1x128xi32, #tpu.memory_space<vmem>> -> memref<128xi32, #tpu.memory_space<vmem>>
        %dma_wait3A_130 = arith.constant 0 : i32
        %dma_wait3A_131 = arith.constant 0 : i32
        %dma_wait3A_132 = tpu.memref_slice %arg10[%dma_wait3A_130, %dma_wait3A_131] : memref<10008x128xf32, #tpu.memory_space<vmem_shared>> -> memref<10008x128xf32, #tpu.memory_space<vmem_shared>>
        tpu.wait_indirect_dma semaphore(%run_scoped3A_120 : memref<!tpu.dma_semaphore, #tpu.memory_space<semaphore_mem>>) src(%arg8 : memref<128x128xf32, #tpu.memory_space<vmem>>) dst(%dma_wait3A_132 : memref<10008x128xf32, #tpu.memory_space<vmem_shared>>)
        tpu.yield
      }) : () -> ()
      %run_scoped3A_119 = arith.constant 3 : i32
      "tpu.region"() ({
        %run_scoped3A_120 = tpu.sem_alloc : memref<!tpu.dma_semaphore, #tpu.memory_space<semaphore_mem>>
        %dma_start3A_121 = arith.constant 0 : i32
        %dma_start3A_122 = tpu.memref_slice %arg7[%run_scoped3A_119, %dma_start3A_121] : memref<4x128xi32, #tpu.memory_space<vmem>> -> memref<1x128xi32, #tpu.memory_space<vmem>>
        %dma_start3A_123 = tpu.memref_squeeze %dma_start3A_122 : memref<1x128xi32, #tpu.memory_space<vmem>> -> memref<128xi32, #tpu.memory_space<vmem>>
        %dma_start3A_124 = arith.constant 0 : i32
        %dma_start3A_125 = arith.constant 0 : i32
        %dma_start3A_126 = tpu.memref_slice %arg10[%dma_start3A_124, %dma_start3A_125] : memref<10008x128xf32, #tpu.memory_space<vmem_shared>> -> memref<10008x128xf32, #tpu.memory_space<vmem_shared>>
        tpu.enqueue_indirect_dma source(%arg9 : memref<128x128xf32, #tpu.memory_space<vmem>>) target(%dma_start3A_126 : memref<10008x128xf32, #tpu.memory_space<vmem_shared>>) offsets(%dma_start3A_123 : memref<128xi32, #tpu.memory_space<vmem>>) semaphore(%run_scoped3A_120 : memref<!tpu.dma_semaphore, #tpu.memory_space<semaphore_mem>>) {add = true}
        %dma_wait3A_127 = arith.constant 0 : i32
        %dma_wait3A_128 = tpu.memref_slice %arg7[%run_scoped3A_119, %dma_wait3A_127] : memref<4x128xi32, #tpu.memory_space<vmem>> -> memref<1x128xi32, #tpu.memory_space<vmem>>
        %dma_wait3A_129 = tpu.memref_squeeze %dma_wait3A_128 : memref<1x128xi32, #tpu.memory_space<vmem>> -> memref<128xi32, #tpu.memory_space<vmem>>
        %dma_wait3A_130 = arith.constant 0 : i32
        %dma_wait3A_131 = arith.constant 0 : i32
        %dma_wait3A_132 = tpu.memref_slice %arg10[%dma_wait3A_130, %dma_wait3A_131] : memref<10008x128xf32, #tpu.memory_space<vmem_shared>> -> memref<10008x128xf32, #tpu.memory_space<vmem_shared>>
        tpu.wait_indirect_dma semaphore(%run_scoped3A_120 : memref<!tpu.dma_semaphore, #tpu.memory_space<semaphore_mem>>) src(%arg9 : memref<128x128xf32, #tpu.memory_space<vmem>>) dst(%dma_wait3A_132 : memref<10008x128xf32, #tpu.memory_space<vmem_shared>>)
        tpu.yield
      }) : () -> ()
    }
    %scan3A_11 = arith.constant 20 : i32
    %barrier3A = arith.constant 0 : index
    tpu.barrier barrier_id(%barrier3A)
    %lt3A_12 = arith.constant 15 : i32
    %lt3A_13 = arith.cmpi slt, %arg1, %lt3A_12 : i32
    %convert_element_type3A_14 = arith.extui %lt3A_13 : i1 to i32
    %cond3A_15 = arith.constant 0 : i32
    %cond3A_16 = arith.cmpi ne, %convert_element_type3A_14, %cond3A_15 : i32
    scf.if %cond3A_16 {
      %mul3A_22 = arith.constant 632 : i32
      %mul3A_23 = arith.muli %arg1, %mul3A_22 : i32
      %mul3A_24 = arith.constant 632 : i32
      %mul3A_25 = arith.muli %arg1, %mul3A_24 : i32
      "tpu.region"() ({
        %run_scoped3A_26 = tpu.sem_alloc : memref<!tpu.dma_semaphore, #tpu.memory_space<semaphore_mem>>
        %dma_start3A = arith.constant 0 : i32
        %dma_start3A_27 = tpu.memref_slice %arg5[%arg0, %mul3A_25, %dma_start3A] : memref<2x10000x128xf32, #tpu.memory_space<hbm>> -> memref<1x632x128xf32, #tpu.memory_space<hbm>>
        %dma_start3A_28 = tpu.memref_squeeze %dma_start3A_27 : memref<1x632x128xf32, #tpu.memory_space<hbm>> -> memref<632x128xf32, #tpu.memory_space<hbm>>
        %dma_start3A_29 = arith.constant 0 : i32
        %dma_start3A_30 = tpu.memref_slice %arg10[%mul3A_23, %dma_start3A_29] : memref<10008x128xf32, #tpu.memory_space<vmem_shared>> -> memref<632x128xf32, #tpu.memory_space<vmem_shared>>
        tpu.enqueue_dma source(%dma_start3A_30 : memref<632x128xf32, #tpu.memory_space<vmem_shared>>) target(%dma_start3A_28 : memref<632x128xf32, #tpu.memory_space<hbm>>) target_semaphore(%run_scoped3A_26 : memref<!tpu.dma_semaphore, #tpu.memory_space<semaphore_mem>>)
        %dma_wait3A = arith.constant 0 : i32
        %dma_wait3A_31 = tpu.memref_slice %arg5[%arg0, %mul3A_25, %dma_wait3A] : memref<2x10000x128xf32, #tpu.memory_space<hbm>> -> memref<1x632x128xf32, #tpu.memory_space<hbm>>
        %dma_wait3A_32 = tpu.memref_squeeze %dma_wait3A_31 : memref<1x632x128xf32, #tpu.memory_space<hbm>> -> memref<632x128xf32, #tpu.memory_space<hbm>>
        %dma_wait3A_33 = arith.constant 0 : i32
        %dma_wait3A_34 = tpu.memref_slice %arg10[%mul3A_23, %dma_wait3A_33] : memref<10008x128xf32, #tpu.memory_space<vmem_shared>> -> memref<632x128xf32, #tpu.memory_space<vmem_shared>>
        tpu.wait_dma2 semaphore(%run_scoped3A_26 : memref<!tpu.dma_semaphore, #tpu.memory_space<semaphore_mem>>) src(%dma_wait3A_34 : memref<632x128xf32, #tpu.memory_space<vmem_shared>>) dst(%dma_wait3A_32 : memref<632x128xf32, #tpu.memory_space<hbm>>)
        tpu.yield
      }) : () -> ()
    } else {
    }
    %eq3A_17 = arith.constant 15 : i32
    %eq3A_18 = arith.cmpi eq, %arg1, %eq3A_17 : i32
    %convert_element_type3A_19 = arith.extui %eq3A_18 : i1 to i32
    %cond3A_20 = arith.constant 0 : i32
    %cond3A_21 = arith.cmpi ne, %convert_element_type3A_19, %cond3A_20 : i32
    scf.if %cond3A_21 {
      %mul3A_22 = arith.constant 632 : i32
      %mul3A_23 = arith.muli %arg1, %mul3A_22 : i32
      %mul3A_24 = arith.constant 632 : i32
      %mul3A_25 = arith.muli %arg1, %mul3A_24 : i32
      "tpu.region"() ({
        %run_scoped3A_26 = tpu.sem_alloc : memref<!tpu.dma_semaphore, #tpu.memory_space<semaphore_mem>>
        %dma_start3A = arith.constant 0 : i32
        %dma_start3A_27 = tpu.memref_slice %arg5[%arg0, %mul3A_25, %dma_start3A] : memref<2x10000x128xf32, #tpu.memory_space<hbm>> -> memref<1x520x128xf32, #tpu.memory_space<hbm>>
        %dma_start3A_28 = tpu.memref_squeeze %dma_start3A_27 : memref<1x520x128xf32, #tpu.memory_space<hbm>> -> memref<520x128xf32, #tpu.memory_space<hbm>>
        %dma_start3A_29 = arith.constant 0 : i32
        %dma_start3A_30 = tpu.memref_slice %arg10[%mul3A_23, %dma_start3A_29] : memref<10008x128xf32, #tpu.memory_space<vmem_shared>> -> memref<520x128xf32, #tpu.memory_space<vmem_shared>>
        tpu.enqueue_dma source(%dma_start3A_30 : memref<520x128xf32, #tpu.memory_space<vmem_shared>>) target(%dma_start3A_28 : memref<520x128xf32, #tpu.memory_space<hbm>>) target_semaphore(%run_scoped3A_26 : memref<!tpu.dma_semaphore, #tpu.memory_space<semaphore_mem>>)
        %dma_wait3A = arith.constant 0 : i32
        %dma_wait3A_31 = tpu.memref_slice %arg5[%arg0, %mul3A_25, %dma_wait3A] : memref<2x10000x128xf32, #tpu.memory_space<hbm>> -> memref<1x520x128xf32, #tpu.memory_space<hbm>>
        %dma_wait3A_32 = tpu.memref_squeeze %dma_wait3A_31 : memref<1x520x128xf32, #tpu.memory_space<hbm>> -> memref<520x128xf32, #tpu.memory_space<hbm>>
        %dma_wait3A_33 = arith.constant 0 : i32
        %dma_wait3A_34 = tpu.memref_slice %arg10[%mul3A_23, %dma_wait3A_33] : memref<10008x128xf32, #tpu.memory_space<vmem_shared>> -> memref<520x128xf32, #tpu.memory_space<vmem_shared>>
        tpu.wait_dma2 semaphore(%run_scoped3A_26 : memref<!tpu.dma_semaphore, #tpu.memory_space<semaphore_mem>>) src(%dma_wait3A_34 : memref<520x128xf32, #tpu.memory_space<vmem_shared>>) dst(%dma_wait3A_32 : memref<520x128xf32, #tpu.memory_space<hbm>>)
        tpu.yield
      }) : () -> ()
    } else {
    }
    return
  }
}

#map = affine_map<(d0, d1) -> (0, 0)>
#map1 = affine_map<(d0, d1) -> (0, 0, 0, 0)>
#map2 = affine_map<(d0, d1) -> (0, 0, 0)>
module attributes {stable_mosaic.version = 14 : i64} {
  func.func @body(%arg0: i32, %arg1: i32, %arg2: memref<10000x128xf32, #tpu.memory_space<hbm>>, %arg3: memref<32x40x4x128xi32, #tpu.memory_space<hbm>>, %arg4: memref<632x128xf32, #tpu.memory_space<hbm>>, %arg5: memref<2x10000x128xf32, #tpu.memory_space<hbm>>, %arg6: memref<4x128xi32, #tpu.memory_space<vmem>>, %arg7: memref<4x128xi32, #tpu.memory_space<vmem>>, %arg8: memref<128x128xf32, #tpu.memory_space<vmem>>, %arg9: memref<128x128xf32, #tpu.memory_space<vmem>>, %arg10: memref<10008x128xf32, #tpu.memory_space<vmem_shared>>, %arg11: memref<!tpu.dma_semaphore, #tpu.memory_space<semaphore_mem>>, %arg12: memref<!tpu.dma_semaphore, #tpu.memory_space<semaphore_mem>>, %arg13: memref<!tpu.dma_semaphore, #tpu.memory_space<semaphore_mem>>) attributes {dimension_semantics = [#tpu.dimension_semantics<core_parallel>, #tpu.dimension_semantics<subcore_parallel>], iteration_bounds = array<i64: 2, 16>, scalar_prefetch = 0 : i64, scratch_operands = 8 : i64, tpu.core_type = #tpu.core_type<sc_vector_subcore>, window_params = [{transform_indices = #map}, {transform_indices = #map1}, {transform_indices = #map}, {transform_indices = #map2}]} {
    %mul3A = arith.constant 16 : i32
    %mul3A_0 = arith.muli %arg0, %mul3A : i32
    %add3A = arith.addi %mul3A_0, %arg1 : i32
    %lt3A = arith.constant 15 : i32
    %lt3A_1 = arith.cmpi slt, %arg1, %lt3A : i32
    %convert_element_type3A = arith.extui %lt3A_1 : i1 to i32
    %cond3A = arith.constant 0 : i32
    %cond3A_2 = arith.cmpi ne, %convert_element_type3A, %cond3A : i32
    scf.if %cond3A_2 {
      %mul3A_22 = arith.constant 632 : i32
      %mul3A_23 = arith.muli %arg1, %mul3A_22 : i32
      "tpu.region"() ({
        %run_scoped3A_24 = tpu.sem_alloc : memref<!tpu.dma_semaphore, #tpu.memory_space<semaphore_mem>>
        %dma_start3A = arith.constant 0 : i32
        %dma_start3A_25 = tpu.memref_slice %arg10[%mul3A_23, %dma_start3A] : memref<10008x128xf32, #tpu.memory_space<vmem_shared>> -> memref<632x128xf32, #tpu.memory_space<vmem_shared>>
        tpu.enqueue_dma source(%arg4 : memref<632x128xf32, #tpu.memory_space<hbm>>) target(%dma_start3A_25 : memref<632x128xf32, #tpu.memory_space<vmem_shared>>) target_semaphore(%run_scoped3A_24 : memref<!tpu.dma_semaphore, #tpu.memory_space<semaphore_mem>>)
        %dma_wait3A = arith.constant 0 : i32
        %dma_wait3A_26 = tpu.memref_slice %arg10[%mul3A_23, %dma_wait3A] : memref<10008x128xf32, #tpu.memory_space<vmem_shared>> -> memref<632x128xf32, #tpu.memory_space<vmem_shared>>
        tpu.wait_dma2 semaphore(%run_scoped3A_24 : memref<!tpu.dma_semaphore, #tpu.memory_space<semaphore_mem>>) src(%arg4 : memref<632x128xf32, #tpu.memory_space<hbm>>) dst(%dma_wait3A_26 : memref<632x128xf32, #tpu.memory_space<vmem_shared>>)
        tpu.yield
      }) : () -> ()
    } else {
    }
    %eq3A = arith.constant 15 : i32
    %eq3A_3 = arith.cmpi eq, %arg1, %eq3A : i32
    %convert_element_type3A_4 = arith.extui %eq3A_3 : i1 to i32
    %cond3A_5 = arith.constant 0 : i32
    %cond3A_6 = arith.cmpi ne, %convert_element_type3A_4, %cond3A_5 : i32
    scf.if %cond3A_6 {
      %mul3A_22 = arith.constant 632 : i32
      %mul3A_23 = arith.muli %arg1, %mul3A_22 : i32
      "tpu.region"() ({
        %run_scoped3A_24 = tpu.sem_alloc : memref<!tpu.dma_semaphore, #tpu.memory_space<semaphore_mem>>
        %dma_start3A = arith.constant 0 : i32
        %dma_start3A_25 = tpu.memref_slice %arg10[%mul3A_23, %dma_start3A] : memref<10008x128xf32, #tpu.memory_space<vmem_shared>> -> memref<528x128xf32, #tpu.memory_space<vmem_shared>>
        %dma_start3A_26 = arith.constant 0 : i32
        %dma_start3A_27 = arith.constant 0 : i32
        %dma_start3A_28 = tpu.memref_slice %arg4[%dma_start3A_26, %dma_start3A_27] : memref<632x128xf32, #tpu.memory_space<hbm>> -> memref<528x128xf32, #tpu.memory_space<hbm>>
        tpu.enqueue_dma source(%dma_start3A_28 : memref<528x128xf32, #tpu.memory_space<hbm>>) target(%dma_start3A_25 : memref<528x128xf32, #tpu.memory_space<vmem_shared>>) target_semaphore(%run_scoped3A_24 : memref<!tpu.dma_semaphore, #tpu.memory_space<semaphore_mem>>)
        %dma_wait3A = arith.constant 0 : i32
        %dma_wait3A_29 = tpu.memref_slice %arg10[%mul3A_23, %dma_wait3A] : memref<10008x128xf32, #tpu.memory_space<vmem_shared>> -> memref<528x128xf32, #tpu.memory_space<vmem_shared>>
        %dma_wait3A_30 = arith.constant 0 : i32
        %dma_wait3A_31 = arith.constant 0 : i32
        %dma_wait3A_32 = tpu.memref_slice %arg4[%dma_wait3A_30, %dma_wait3A_31] : memref<632x128xf32, #tpu.memory_space<hbm>> -> memref<528x128xf32, #tpu.memory_space<hbm>>
        tpu.wait_dma2 semaphore(%run_scoped3A_24 : memref<!tpu.dma_semaphore, #tpu.memory_space<semaphore_mem>>) src(%dma_wait3A_32 : memref<528x128xf32, #tpu.memory_space<hbm>>) dst(%dma_wait3A_29 : memref<528x128xf32, #tpu.memory_space<vmem_shared>>)
        tpu.yield
      }) : () -> ()
    } else {
    }
    %run_scoped3A = arith.constant 0 : i32
    "tpu.region"() ({
      %run_scoped3A_22 = tpu.sem_alloc : memref<!tpu.dma_semaphore, #tpu.memory_space<semaphore_mem>>
      %dma_start3A = arith.constant 0 : i32
      %dma_start3A_23 = arith.constant 0 : i32
      %dma_start3A_24 = tpu.memref_slice %arg3[%add3A, %run_scoped3A, %dma_start3A, %dma_start3A_23] : memref<32x40x4x128xi32, #tpu.memory_space<hbm>> -> memref<1x1x4x128xi32, #tpu.memory_space<hbm>>
      %dma_start3A_25 = tpu.memref_squeeze %dma_start3A_24 : memref<1x1x4x128xi32, #tpu.memory_space<hbm>> -> memref<4x128xi32, #tpu.memory_space<hbm>>
      %dma_start3A_26 = arith.constant 0 : i32
      %dma_start3A_27 = arith.constant 0 : i32
      %dma_start3A_28 = tpu.memref_slice %arg3[%add3A, %run_scoped3A, %dma_start3A_26, %dma_start3A_27] : memref<32x40x4x128xi32, #tpu.memory_space<hbm>> -> memref<1x1x4x128xi32, #tpu.memory_space<hbm>>
      %dma_start3A_29 = tpu.memref_squeeze %dma_start3A_28 : memref<1x1x4x128xi32, #tpu.memory_space<hbm>> -> memref<4x128xi32, #tpu.memory_space<hbm>>
      tpu.enqueue_dma source(%dma_start3A_29 : memref<4x128xi32, #tpu.memory_space<hbm>>) target(%arg6 : memref<4x128xi32, #tpu.memory_space<vmem>>) target_semaphore(%run_scoped3A_22 : memref<!tpu.dma_semaphore, #tpu.memory_space<semaphore_mem>>)
      %dma_wait3A = arith.constant 0 : i32
      %dma_wait3A_30 = arith.constant 0 : i32
      %dma_wait3A_31 = tpu.memref_slice %arg3[%add3A, %run_scoped3A, %dma_wait3A, %dma_wait3A_30] : memref<32x40x4x128xi32, #tpu.memory_space<hbm>> -> memref<1x1x4x128xi32, #tpu.memory_space<hbm>>
      %dma_wait3A_32 = tpu.memref_squeeze %dma_wait3A_31 : memref<1x1x4x128xi32, #tpu.memory_space<hbm>> -> memref<4x128xi32, #tpu.memory_space<hbm>>
      %dma_wait3A_33 = arith.constant 0 : i32
      %dma_wait3A_34 = arith.constant 0 : i32
      %dma_wait3A_35 = tpu.memref_slice %arg3[%add3A, %run_scoped3A, %dma_wait3A_33, %dma_wait3A_34] : memref<32x40x4x128xi32, #tpu.memory_space<hbm>> -> memref<1x1x4x128xi32, #tpu.memory_space<hbm>>
      %dma_wait3A_36 = tpu.memref_squeeze %dma_wait3A_35 : memref<1x1x4x128xi32, #tpu.memory_space<hbm>> -> memref<4x128xi32, #tpu.memory_space<hbm>>
      tpu.wait_dma2 semaphore(%run_scoped3A_22 : memref<!tpu.dma_semaphore, #tpu.memory_space<semaphore_mem>>) src(%dma_wait3A_36 : memref<4x128xi32, #tpu.memory_space<hbm>>) dst(%arg6 : memref<4x128xi32, #tpu.memory_space<vmem>>)
      tpu.yield
    }) : () -> ()
    %scan3A = arith.constant 0 : i32
    %scan3A_7 = arith.constant 0 : i32
    %scan3A_8 = arith.constant 20 : i32
    %scan3A_9 = arith.addi %scan3A_7, %scan3A_8 : i32
    %scan3A_10 = arith.constant 1 : i32
    scf.for %scan3A_22 = %scan3A_7 to %scan3A_9 step %scan3A_10  : i32 {
      %mul3A_23 = arith.constant 2 : i32
      %mul3A_24 = arith.muli %mul3A_23, %scan3A_22 : i32
      %add3A_25 = arith.constant 1 : i32
      %add3A_26 = arith.addi %mul3A_24, %add3A_25 : i32
      %dma_start3A = arith.constant 0 : i32
      %dma_start3A_27 = arith.constant 0 : i32
      %dma_start3A_28 = tpu.memref_slice %arg3[%add3A, %add3A_26, %dma_start3A, %dma_start3A_27] : memref<32x40x4x128xi32, #tpu.memory_space<hbm>> -> memref<1x1x4x128xi32, #tpu.memory_space<hbm>>
      %dma_start3A_29 = tpu.memref_squeeze %dma_start3A_28 : memref<1x1x4x128xi32, #tpu.memory_space<hbm>> -> memref<4x128xi32, #tpu.memory_space<hbm>>
      %dma_start3A_30 = arith.constant 0 : i32
      %dma_start3A_31 = arith.constant 0 : i32
      %dma_start3A_32 = tpu.memref_slice %arg3[%add3A, %add3A_26, %dma_start3A_30, %dma_start3A_31] : memref<32x40x4x128xi32, #tpu.memory_space<hbm>> -> memref<1x1x4x128xi32, #tpu.memory_space<hbm>>
      %dma_start3A_33 = tpu.memref_squeeze %dma_start3A_32 : memref<1x1x4x128xi32, #tpu.memory_space<hbm>> -> memref<4x128xi32, #tpu.memory_space<hbm>>
      tpu.enqueue_dma source(%dma_start3A_33 : memref<4x128xi32, #tpu.memory_space<hbm>>) target(%arg7 : memref<4x128xi32, #tpu.memory_space<vmem>>) target_semaphore(%arg13 : memref<!tpu.dma_semaphore, #tpu.memory_space<semaphore_mem>>)
      %dma_start3A_34 = arith.constant 0 : i32
      %dma_start3A_35 = arith.constant 0 : i32
      %dma_start3A_36 = tpu.memref_slice %arg6[%dma_start3A_34, %dma_start3A_35] : memref<4x128xi32, #tpu.memory_space<vmem>> -> memref<1x128xi32, #tpu.memory_space<vmem>>
      %dma_start3A_37 = tpu.memref_squeeze %dma_start3A_36 : memref<1x128xi32, #tpu.memory_space<vmem>> -> memref<128xi32, #tpu.memory_space<vmem>>
      %dma_start3A_38 = arith.constant 0 : i32
      %dma_start3A_39 = arith.constant 0 : i32
      %dma_start3A_40 = tpu.memref_slice %arg2[%dma_start3A_38, %dma_start3A_39] : memref<10000x128xf32, #tpu.memory_space<hbm>> -> memref<10000x128xf32, #tpu.memory_space<hbm>>
      tpu.enqueue_indirect_dma source(%dma_start3A_40 : memref<10000x128xf32, #tpu.memory_space<hbm>>) target(%arg8 : memref<128x128xf32, #tpu.memory_space<vmem>>) offsets(%dma_start3A_37 : memref<128xi32, #tpu.memory_space<vmem>>) semaphore(%arg11 : memref<!tpu.dma_semaphore, #tpu.memory_space<semaphore_mem>>)
      %dma_start3A_41 = arith.constant 1 : i32
      %dma_start3A_42 = arith.constant 0 : i32
      %dma_start3A_43 = tpu.memref_slice %arg6[%dma_start3A_41, %dma_start3A_42] : memref<4x128xi32, #tpu.memory_space<vmem>> -> memref<1x128xi32, #tpu.memory_space<vmem>>
      %dma_start3A_44 = tpu.memref_squeeze %dma_start3A_43 : memref<1x128xi32, #tpu.memory_space<vmem>> -> memref<128xi32, #tpu.memory_space<vmem>>
      %dma_start3A_45 = arith.constant 0 : i32
      %dma_start3A_46 = arith.constant 0 : i32
      %dma_start3A_47 = tpu.memref_slice %arg2[%dma_start3A_45, %dma_start3A_46] : memref<10000x128xf32, #tpu.memory_space<hbm>> -> memref<10000x128xf32, #tpu.memory_space<hbm>>
      tpu.enqueue_indirect_dma source(%dma_start3A_47 : memref<10000x128xf32, #tpu.memory_space<hbm>>) target(%arg9 : memref<128x128xf32, #tpu.memory_space<vmem>>) offsets(%dma_start3A_44 : memref<128xi32, #tpu.memory_space<vmem>>) semaphore(%arg12 : memref<!tpu.dma_semaphore, #tpu.memory_space<semaphore_mem>>)
      %dma_wait3A = arith.constant 0 : i32
      %dma_wait3A_48 = arith.constant 0 : i32
      %dma_wait3A_49 = tpu.memref_slice %arg3[%add3A, %add3A_26, %dma_wait3A, %dma_wait3A_48] : memref<32x40x4x128xi32, #tpu.memory_space<hbm>> -> memref<1x1x4x128xi32, #tpu.memory_space<hbm>>
      %dma_wait3A_50 = tpu.memref_squeeze %dma_wait3A_49 : memref<1x1x4x128xi32, #tpu.memory_space<hbm>> -> memref<4x128xi32, #tpu.memory_space<hbm>>
      %dma_wait3A_51 = arith.constant 0 : i32
      %dma_wait3A_52 = arith.constant 0 : i32
      %dma_wait3A_53 = tpu.memref_slice %arg3[%add3A, %add3A_26, %dma_wait3A_51, %dma_wait3A_52] : memref<32x40x4x128xi32, #tpu.memory_space<hbm>> -> memref<1x1x4x128xi32, #tpu.memory_space<hbm>>
      %dma_wait3A_54 = tpu.memref_squeeze %dma_wait3A_53 : memref<1x1x4x128xi32, #tpu.memory_space<hbm>> -> memref<4x128xi32, #tpu.memory_space<hbm>>
      tpu.wait_dma2 semaphore(%arg13 : memref<!tpu.dma_semaphore, #tpu.memory_space<semaphore_mem>>) src(%dma_wait3A_54 : memref<4x128xi32, #tpu.memory_space<hbm>>) dst(%arg7 : memref<4x128xi32, #tpu.memory_space<vmem>>)
      %dma_wait3A_55 = arith.constant 0 : i32
      %dma_wait3A_56 = arith.constant 0 : i32
      %dma_wait3A_57 = tpu.memref_slice %arg6[%dma_wait3A_55, %dma_wait3A_56] : memref<4x128xi32, #tpu.memory_space<vmem>> -> memref<1x128xi32, #tpu.memory_space<vmem>>
      %dma_wait3A_58 = tpu.memref_squeeze %dma_wait3A_57 : memref<1x128xi32, #tpu.memory_space<vmem>> -> memref<128xi32, #tpu.memory_space<vmem>>
      %dma_wait3A_59 = arith.constant 0 : i32
      %dma_wait3A_60 = arith.constant 0 : i32
      %dma_wait3A_61 = tpu.memref_slice %arg2[%dma_wait3A_59, %dma_wait3A_60] : memref<10000x128xf32, #tpu.memory_space<hbm>> -> memref<10000x128xf32, #tpu.memory_space<hbm>>
      tpu.wait_indirect_dma semaphore(%arg11 : memref<!tpu.dma_semaphore, #tpu.memory_space<semaphore_mem>>) src(%dma_wait3A_61 : memref<10000x128xf32, #tpu.memory_space<hbm>>) dst(%arg8 : memref<128x128xf32, #tpu.memory_space<vmem>>)
      %dma_wait3A_62 = arith.constant 1 : i32
      %dma_wait3A_63 = arith.constant 0 : i32
      %dma_wait3A_64 = tpu.memref_slice %arg6[%dma_wait3A_62, %dma_wait3A_63] : memref<4x128xi32, #tpu.memory_space<vmem>> -> memref<1x128xi32, #tpu.memory_space<vmem>>
      %dma_wait3A_65 = tpu.memref_squeeze %dma_wait3A_64 : memref<1x128xi32, #tpu.memory_space<vmem>> -> memref<128xi32, #tpu.memory_space<vmem>>
      %dma_wait3A_66 = arith.constant 0 : i32
      %dma_wait3A_67 = arith.constant 0 : i32
      %dma_wait3A_68 = tpu.memref_slice %arg2[%dma_wait3A_66, %dma_wait3A_67] : memref<10000x128xf32, #tpu.memory_space<hbm>> -> memref<10000x128xf32, #tpu.memory_space<hbm>>
      tpu.wait_indirect_dma semaphore(%arg12 : memref<!tpu.dma_semaphore, #tpu.memory_space<semaphore_mem>>) src(%dma_wait3A_68 : memref<10000x128xf32, #tpu.memory_space<hbm>>) dst(%arg9 : memref<128x128xf32, #tpu.memory_space<vmem>>)
      %run_scoped3A_69 = arith.constant 2 : i32
      "tpu.region"() ({
        %run_scoped3A_120 = tpu.sem_alloc : memref<!tpu.dma_semaphore, #tpu.memory_space<semaphore_mem>>
        %dma_start3A_121 = arith.constant 0 : i32
        %dma_start3A_122 = tpu.memref_slice %arg6[%run_scoped3A_69, %dma_start3A_121] : memref<4x128xi32, #tpu.memory_space<vmem>> -> memref<1x128xi32, #tpu.memory_space<vmem>>
        %dma_start3A_123 = tpu.memref_squeeze %dma_start3A_122 : memref<1x128xi32, #tpu.memory_space<vmem>> -> memref<128xi32, #tpu.memory_space<vmem>>
        %dma_start3A_124 = arith.constant 0 : i32
        %dma_start3A_125 = arith.constant 0 : i32
        %dma_start3A_126 = tpu.memref_slice %arg10[%dma_start3A_124, %dma_start3A_125] : memref<10008x128xf32, #tpu.memory_space<vmem_shared>> -> memref<10008x128xf32, #tpu.memory_space<vmem_shared>>
        tpu.enqueue_indirect_dma source(%arg8 : memref<128x128xf32, #tpu.memory_space<vmem>>) target(%dma_start3A_126 : memref<10008x128xf32, #tpu.memory_space<vmem_shared>>) offsets(%dma_start3A_123 : memref<128xi32, #tpu.memory_space<vmem>>) semaphore(%run_scoped3A_120 : memref<!tpu.dma_semaphore, #tpu.memory_space<semaphore_mem>>) {add = true}
        %dma_wait3A_127 = arith.constant 0 : i32
        %dma_wait3A_128 = tpu.memref_slice %arg6[%run_scoped3A_69, %dma_wait3A_127] : memref<4x128xi32, #tpu.memory_space<vmem>> -> memref<1x128xi32, #tpu.memory_space<vmem>>
        %dma_wait3A_129 = tpu.memref_squeeze %dma_wait3A_128 : memref<1x128xi32, #tpu.memory_space<vmem>> -> memref<128xi32, #tpu.memory_space<vmem>>
        %dma_wait3A_130 = arith.constant 0 : i32
        %dma_wait3A_131 = arith.constant 0 : i32
        %dma_wait3A_132 = tpu.memref_slice %arg10[%dma_wait3A_130, %dma_wait3A_131] : memref<10008x128xf32, #tpu.memory_space<vmem_shared>> -> memref<10008x128xf32, #tpu.memory_space<vmem_shared>>
        tpu.wait_indirect_dma semaphore(%run_scoped3A_120 : memref<!tpu.dma_semaphore, #tpu.memory_space<semaphore_mem>>) src(%arg8 : memref<128x128xf32, #tpu.memory_space<vmem>>) dst(%dma_wait3A_132 : memref<10008x128xf32, #tpu.memory_space<vmem_shared>>)
        tpu.yield
      }) : () -> ()
      %run_scoped3A_70 = arith.constant 3 : i32
      "tpu.region"() ({
        %run_scoped3A_120 = tpu.sem_alloc : memref<!tpu.dma_semaphore, #tpu.memory_space<semaphore_mem>>
        %dma_start3A_121 = arith.constant 0 : i32
        %dma_start3A_122 = tpu.memref_slice %arg6[%run_scoped3A_70, %dma_start3A_121] : memref<4x128xi32, #tpu.memory_space<vmem>> -> memref<1x128xi32, #tpu.memory_space<vmem>>
        %dma_start3A_123 = tpu.memref_squeeze %dma_start3A_122 : memref<1x128xi32, #tpu.memory_space<vmem>> -> memref<128xi32, #tpu.memory_space<vmem>>
        %dma_start3A_124 = arith.constant 0 : i32
        %dma_start3A_125 = arith.constant 0 : i32
        %dma_start3A_126 = tpu.memref_slice %arg10[%dma_start3A_124, %dma_start3A_125] : memref<10008x128xf32, #tpu.memory_space<vmem_shared>> -> memref<10008x128xf32, #tpu.memory_space<vmem_shared>>
        tpu.enqueue_indirect_dma source(%arg9 : memref<128x128xf32, #tpu.memory_space<vmem>>) target(%dma_start3A_126 : memref<10008x128xf32, #tpu.memory_space<vmem_shared>>) offsets(%dma_start3A_123 : memref<128xi32, #tpu.memory_space<vmem>>) semaphore(%run_scoped3A_120 : memref<!tpu.dma_semaphore, #tpu.memory_space<semaphore_mem>>) {add = true}
        %dma_wait3A_127 = arith.constant 0 : i32
        %dma_wait3A_128 = tpu.memref_slice %arg6[%run_scoped3A_70, %dma_wait3A_127] : memref<4x128xi32, #tpu.memory_space<vmem>> -> memref<1x128xi32, #tpu.memory_space<vmem>>
        %dma_wait3A_129 = tpu.memref_squeeze %dma_wait3A_128 : memref<1x128xi32, #tpu.memory_space<vmem>> -> memref<128xi32, #tpu.memory_space<vmem>>
        %dma_wait3A_130 = arith.constant 0 : i32
        %dma_wait3A_131 = arith.constant 0 : i32
        %dma_wait3A_132 = tpu.memref_slice %arg10[%dma_wait3A_130, %dma_wait3A_131] : memref<10008x128xf32, #tpu.memory_space<vmem_shared>> -> memref<10008x128xf32, #tpu.memory_space<vmem_shared>>
        tpu.wait_indirect_dma semaphore(%run_scoped3A_120 : memref<!tpu.dma_semaphore, #tpu.memory_space<semaphore_mem>>) src(%arg9 : memref<128x128xf32, #tpu.memory_space<vmem>>) dst(%dma_wait3A_132 : memref<10008x128xf32, #tpu.memory_space<vmem_shared>>)
        tpu.yield
      }) : () -> ()
      %add3A_71 = arith.constant 2 : i32
      %add3A_72 = arith.addi %mul3A_24, %add3A_71 : i32
      %min3A = arith.constant 39 : i32
      %min3A_73 = arith.minsi %add3A_72, %min3A : i32
      %dma_start3A_74 = arith.constant 0 : i32
      %dma_start3A_75 = arith.constant 0 : i32
      %dma_start3A_76 = tpu.memref_slice %arg3[%add3A, %min3A_73, %dma_start3A_74, %dma_start3A_75] : memref<32x40x4x128xi32, #tpu.memory_space<hbm>> -> memref<1x1x4x128xi32, #tpu.memory_space<hbm>>
      %dma_start3A_77 = tpu.memref_squeeze %dma_start3A_76 : memref<1x1x4x128xi32, #tpu.memory_space<hbm>> -> memref<4x128xi32, #tpu.memory_space<hbm>>
      %dma_start3A_78 = arith.constant 0 : i32
      %dma_start3A_79 = arith.constant 0 : i32
      %dma_start3A_80 = tpu.memref_slice %arg3[%add3A, %min3A_73, %dma_start3A_78, %dma_start3A_79] : memref<32x40x4x128xi32, #tpu.memory_space<hbm>> -> memref<1x1x4x128xi32, #tpu.memory_space<hbm>>
      %dma_start3A_81 = tpu.memref_squeeze %dma_start3A_80 : memref<1x1x4x128xi32, #tpu.memory_space<hbm>> -> memref<4x128xi32, #tpu.memory_space<hbm>>
      tpu.enqueue_dma source(%dma_start3A_81 : memref<4x128xi32, #tpu.memory_space<hbm>>) target(%arg6 : memref<4x128xi32, #tpu.memory_space<vmem>>) target_semaphore(%arg13 : memref<!tpu.dma_semaphore, #tpu.memory_space<semaphore_mem>>)
      %dma_start3A_82 = arith.constant 0 : i32
      %dma_start3A_83 = arith.constant 0 : i32
      %dma_start3A_84 = tpu.memref_slice %arg7[%dma_start3A_82, %dma_start3A_83] : memref<4x128xi32, #tpu.memory_space<vmem>> -> memref<1x128xi32, #tpu.memory_space<vmem>>
      %dma_start3A_85 = tpu.memref_squeeze %dma_start3A_84 : memref<1x128xi32, #tpu.memory_space<vmem>> -> memref<128xi32, #tpu.memory_space<vmem>>
      %dma_start3A_86 = arith.constant 0 : i32
      %dma_start3A_87 = arith.constant 0 : i32
      %dma_start3A_88 = tpu.memref_slice %arg2[%dma_start3A_86, %dma_start3A_87] : memref<10000x128xf32, #tpu.memory_space<hbm>> -> memref<10000x128xf32, #tpu.memory_space<hbm>>
      tpu.enqueue_indirect_dma source(%dma_start3A_88 : memref<10000x128xf32, #tpu.memory_space<hbm>>) target(%arg8 : memref<128x128xf32, #tpu.memory_space<vmem>>) offsets(%dma_start3A_85 : memref<128xi32, #tpu.memory_space<vmem>>) semaphore(%arg11 : memref<!tpu.dma_semaphore, #tpu.memory_space<semaphore_mem>>)
      %dma_start3A_89 = arith.constant 1 : i32
      %dma_start3A_90 = arith.constant 0 : i32
      %dma_start3A_91 = tpu.memref_slice %arg7[%dma_start3A_89, %dma_start3A_90] : memref<4x128xi32, #tpu.memory_space<vmem>> -> memref<1x128xi32, #tpu.memory_space<vmem>>
      %dma_start3A_92 = tpu.memref_squeeze %dma_start3A_91 : memref<1x128xi32, #tpu.memory_space<vmem>> -> memref<128xi32, #tpu.memory_space<vmem>>
      %dma_start3A_93 = arith.constant 0 : i32
      %dma_start3A_94 = arith.constant 0 : i32
      %dma_start3A_95 = tpu.memref_slice %arg2[%dma_start3A_93, %dma_start3A_94] : memref<10000x128xf32, #tpu.memory_space<hbm>> -> memref<10000x128xf32, #tpu.memory_space<hbm>>
      tpu.enqueue_indirect_dma source(%dma_start3A_95 : memref<10000x128xf32, #tpu.memory_space<hbm>>) target(%arg9 : memref<128x128xf32, #tpu.memory_space<vmem>>) offsets(%dma_start3A_92 : memref<128xi32, #tpu.memory_space<vmem>>) semaphore(%arg12 : memref<!tpu.dma_semaphore, #tpu.memory_space<semaphore_mem>>)
      %dma_wait3A_96 = arith.constant 0 : i32
      %dma_wait3A_97 = arith.constant 0 : i32
      %dma_wait3A_98 = tpu.memref_slice %arg3[%add3A, %min3A_73, %dma_wait3A_96, %dma_wait3A_97] : memref<32x40x4x128xi32, #tpu.memory_space<hbm>> -> memref<1x1x4x128xi32, #tpu.memory_space<hbm>>
      %dma_wait3A_99 = tpu.memref_squeeze %dma_wait3A_98 : memref<1x1x4x128xi32, #tpu.memory_space<hbm>> -> memref<4x128xi32, #tpu.memory_space<hbm>>
      %dma_wait3A_100 = arith.constant 0 : i32
      %dma_wait3A_101 = arith.constant 0 : i32
      %dma_wait3A_102 = tpu.memref_slice %arg3[%add3A, %min3A_73, %dma_wait3A_100, %dma_wait3A_101] : memref<32x40x4x128xi32, #tpu.memory_space<hbm>> -> memref<1x1x4x128xi32, #tpu.memory_space<hbm>>
      %dma_wait3A_103 = tpu.memref_squeeze %dma_wait3A_102 : memref<1x1x4x128xi32, #tpu.memory_space<hbm>> -> memref<4x128xi32, #tpu.memory_space<hbm>>
      tpu.wait_dma2 semaphore(%arg13 : memref<!tpu.dma_semaphore, #tpu.memory_space<semaphore_mem>>) src(%dma_wait3A_103 : memref<4x128xi32, #tpu.memory_space<hbm>>) dst(%arg6 : memref<4x128xi32, #tpu.memory_space<vmem>>)
      %dma_wait3A_104 = arith.constant 0 : i32
      %dma_wait3A_105 = arith.constant 0 : i32
      %dma_wait3A_106 = tpu.memref_slice %arg7[%dma_wait3A_104, %dma_wait3A_105] : memref<4x128xi32, #tpu.memory_space<vmem>> -> memref<1x128xi32, #tpu.memory_space<vmem>>
      %dma_wait3A_107 = tpu.memref_squeeze %dma_wait3A_106 : memref<1x128xi32, #tpu.memory_space<vmem>> -> memref<128xi32, #tpu.memory_space<vmem>>
      %dma_wait3A_108 = arith.constant 0 : i32
      %dma_wait3A_109 = arith.constant 0 : i32
      %dma_wait3A_110 = tpu.memref_slice %arg2[%dma_wait3A_108, %dma_wait3A_109] : memref<10000x128xf32, #tpu.memory_space<hbm>> -> memref<10000x128xf32, #tpu.memory_space<hbm>>
      tpu.wait_indirect_dma semaphore(%arg11 : memref<!tpu.dma_semaphore, #tpu.memory_space<semaphore_mem>>) src(%dma_wait3A_110 : memref<10000x128xf32, #tpu.memory_space<hbm>>) dst(%arg8 : memref<128x128xf32, #tpu.memory_space<vmem>>)
      %dma_wait3A_111 = arith.constant 1 : i32
      %dma_wait3A_112 = arith.constant 0 : i32
      %dma_wait3A_113 = tpu.memref_slice %arg7[%dma_wait3A_111, %dma_wait3A_112] : memref<4x128xi32, #tpu.memory_space<vmem>> -> memref<1x128xi32, #tpu.memory_space<vmem>>
      %dma_wait3A_114 = tpu.memref_squeeze %dma_wait3A_113 : memref<1x128xi32, #tpu.memory_space<vmem>> -> memref<128xi32, #tpu.memory_space<vmem>>
      %dma_wait3A_115 = arith.constant 0 : i32
      %dma_wait3A_116 = arith.constant 0 : i32
      %dma_wait3A_117 = tpu.memref_slice %arg2[%dma_wait3A_115, %dma_wait3A_116] : memref<10000x128xf32, #tpu.memory_space<hbm>> -> memref<10000x128xf32, #tpu.memory_space<hbm>>
      tpu.wait_indirect_dma semaphore(%arg12 : memref<!tpu.dma_semaphore, #tpu.memory_space<semaphore_mem>>) src(%dma_wait3A_117 : memref<10000x128xf32, #tpu.memory_space<hbm>>) dst(%arg9 : memref<128x128xf32, #tpu.memory_space<vmem>>)
      %run_scoped3A_118 = arith.constant 2 : i32
      "tpu.region"() ({
        %run_scoped3A_120 = tpu.sem_alloc : memref<!tpu.dma_semaphore, #tpu.memory_space<semaphore_mem>>
        %dma_start3A_121 = arith.constant 0 : i32
        %dma_start3A_122 = tpu.memref_slice %arg7[%run_scoped3A_118, %dma_start3A_121] : memref<4x128xi32, #tpu.memory_space<vmem>> -> memref<1x128xi32, #tpu.memory_space<vmem>>
        %dma_start3A_123 = tpu.memref_squeeze %dma_start3A_122 : memref<1x128xi32, #tpu.memory_space<vmem>> -> memref<128xi32, #tpu.memory_space<vmem>>
        %dma_start3A_124 = arith.constant 0 : i32
        %dma_start3A_125 = arith.constant 0 : i32
        %dma_start3A_126 = tpu.memref_slice %arg10[%dma_start3A_124, %dma_start3A_125] : memref<10008x128xf32, #tpu.memory_space<vmem_shared>> -> memref<10008x128xf32, #tpu.memory_space<vmem_shared>>
        tpu.enqueue_indirect_dma source(%arg8 : memref<128x128xf32, #tpu.memory_space<vmem>>) target(%dma_start3A_126 : memref<10008x128xf32, #tpu.memory_space<vmem_shared>>) offsets(%dma_start3A_123 : memref<128xi32, #tpu.memory_space<vmem>>) semaphore(%run_scoped3A_120 : memref<!tpu.dma_semaphore, #tpu.memory_space<semaphore_mem>>) {add = true}
        %dma_wait3A_127 = arith.constant 0 : i32
        %dma_wait3A_128 = tpu.memref_slice %arg7[%run_scoped3A_118, %dma_wait3A_127] : memref<4x128xi32, #tpu.memory_space<vmem>> -> memref<1x128xi32, #tpu.memory_space<vmem>>
        %dma_wait3A_129 = tpu.memref_squeeze %dma_wait3A_128 : memref<1x128xi32, #tpu.memory_space<vmem>> -> memref<128xi32, #tpu.memory_space<vmem>>
        %dma_wait3A_130 = arith.constant 0 : i32
        %dma_wait3A_131 = arith.constant 0 : i32
        %dma_wait3A_132 = tpu.memref_slice %arg10[%dma_wait3A_130, %dma_wait3A_131] : memref<10008x128xf32, #tpu.memory_space<vmem_shared>> -> memref<10008x128xf32, #tpu.memory_space<vmem_shared>>
        tpu.wait_indirect_dma semaphore(%run_scoped3A_120 : memref<!tpu.dma_semaphore, #tpu.memory_space<semaphore_mem>>) src(%arg8 : memref<128x128xf32, #tpu.memory_space<vmem>>) dst(%dma_wait3A_132 : memref<10008x128xf32, #tpu.memory_space<vmem_shared>>)
        tpu.yield
      }) : () -> ()
      %run_scoped3A_119 = arith.constant 3 : i32
      "tpu.region"() ({
        %run_scoped3A_120 = tpu.sem_alloc : memref<!tpu.dma_semaphore, #tpu.memory_space<semaphore_mem>>
        %dma_start3A_121 = arith.constant 0 : i32
        %dma_start3A_122 = tpu.memref_slice %arg7[%run_scoped3A_119, %dma_start3A_121] : memref<4x128xi32, #tpu.memory_space<vmem>> -> memref<1x128xi32, #tpu.memory_space<vmem>>
        %dma_start3A_123 = tpu.memref_squeeze %dma_start3A_122 : memref<1x128xi32, #tpu.memory_space<vmem>> -> memref<128xi32, #tpu.memory_space<vmem>>
        %dma_start3A_124 = arith.constant 0 : i32
        %dma_start3A_125 = arith.constant 0 : i32
        %dma_start3A_126 = tpu.memref_slice %arg10[%dma_start3A_124, %dma_start3A_125] : memref<10008x128xf32, #tpu.memory_space<vmem_shared>> -> memref<10008x128xf32, #tpu.memory_space<vmem_shared>>
        tpu.enqueue_indirect_dma source(%arg9 : memref<128x128xf32, #tpu.memory_space<vmem>>) target(%dma_start3A_126 : memref<10008x128xf32, #tpu.memory_space<vmem_shared>>) offsets(%dma_start3A_123 : memref<128xi32, #tpu.memory_space<vmem>>) semaphore(%run_scoped3A_120 : memref<!tpu.dma_semaphore, #tpu.memory_space<semaphore_mem>>) {add = true}
        %dma_wait3A_127 = arith.constant 0 : i32
        %dma_wait3A_128 = tpu.memref_slice %arg7[%run_scoped3A_119, %dma_wait3A_127] : memref<4x128xi32, #tpu.memory_space<vmem>> -> memref<1x128xi32, #tpu.memory_space<vmem>>
        %dma_wait3A_129 = tpu.memref_squeeze %dma_wait3A_128 : memref<1x128xi32, #tpu.memory_space<vmem>> -> memref<128xi32, #tpu.memory_space<vmem>>
        %dma_wait3A_130 = arith.constant 0 : i32
        %dma_wait3A_131 = arith.constant 0 : i32
        %dma_wait3A_132 = tpu.memref_slice %arg10[%dma_wait3A_130, %dma_wait3A_131] : memref<10008x128xf32, #tpu.memory_space<vmem_shared>> -> memref<10008x128xf32, #tpu.memory_space<vmem_shared>>
        tpu.wait_indirect_dma semaphore(%run_scoped3A_120 : memref<!tpu.dma_semaphore, #tpu.memory_space<semaphore_mem>>) src(%arg9 : memref<128x128xf32, #tpu.memory_space<vmem>>) dst(%dma_wait3A_132 : memref<10008x128xf32, #tpu.memory_space<vmem_shared>>)
        tpu.yield
      }) : () -> ()
    }
    %scan3A_11 = arith.constant 20 : i32
    %barrier3A = arith.constant 0 : index
    tpu.barrier barrier_id(%barrier3A)
    %lt3A_12 = arith.constant 15 : i32
    %lt3A_13 = arith.cmpi slt, %arg1, %lt3A_12 : i32
    %convert_element_type3A_14 = arith.extui %lt3A_13 : i1 to i32
    %cond3A_15 = arith.constant 0 : i32
    %cond3A_16 = arith.cmpi ne, %convert_element_type3A_14, %cond3A_15 : i32
    scf.if %cond3A_16 {
      %mul3A_22 = arith.constant 632 : i32
      %mul3A_23 = arith.muli %arg1, %mul3A_22 : i32
      %mul3A_24 = arith.constant 632 : i32
      %mul3A_25 = arith.muli %arg1, %mul3A_24 : i32
      "tpu.region"() ({
        %run_scoped3A_26 = tpu.sem_alloc : memref<!tpu.dma_semaphore, #tpu.memory_space<semaphore_mem>>
        %dma_start3A = arith.constant 0 : i32
        %dma_start3A_27 = tpu.memref_slice %arg5[%arg0, %mul3A_25, %dma_start3A] : memref<2x10000x128xf32, #tpu.memory_space<hbm>> -> memref<1x632x128xf32, #tpu.memory_space<hbm>>
        %dma_start3A_28 = tpu.memref_squeeze %dma_start3A_27 : memref<1x632x128xf32, #tpu.memory_space<hbm>> -> memref<632x128xf32, #tpu.memory_space<hbm>>
        %dma_start3A_29 = arith.constant 0 : i32
        %dma_start3A_30 = tpu.memref_slice %arg10[%mul3A_23, %dma_start3A_29] : memref<10008x128xf32, #tpu.memory_space<vmem_shared>> -> memref<632x128xf32, #tpu.memory_space<vmem_shared>>
        tpu.enqueue_dma source(%dma_start3A_30 : memref<632x128xf32, #tpu.memory_space<vmem_shared>>) target(%dma_start3A_28 : memref<632x128xf32, #tpu.memory_space<hbm>>) target_semaphore(%run_scoped3A_26 : memref<!tpu.dma_semaphore, #tpu.memory_space<semaphore_mem>>)
        %dma_wait3A = arith.constant 0 : i32
        %dma_wait3A_31 = tpu.memref_slice %arg5[%arg0, %mul3A_25, %dma_wait3A] : memref<2x10000x128xf32, #tpu.memory_space<hbm>> -> memref<1x632x128xf32, #tpu.memory_space<hbm>>
        %dma_wait3A_32 = tpu.memref_squeeze %dma_wait3A_31 : memref<1x632x128xf32, #tpu.memory_space<hbm>> -> memref<632x128xf32, #tpu.memory_space<hbm>>
        %dma_wait3A_33 = arith.constant 0 : i32
        %dma_wait3A_34 = tpu.memref_slice %arg10[%mul3A_23, %dma_wait3A_33] : memref<10008x128xf32, #tpu.memory_space<vmem_shared>> -> memref<632x128xf32, #tpu.memory_space<vmem_shared>>
        tpu.wait_dma2 semaphore(%run_scoped3A_26 : memref<!tpu.dma_semaphore, #tpu.memory_space<semaphore_mem>>) src(%dma_wait3A_34 : memref<632x128xf32, #tpu.memory_space<vmem_shared>>) dst(%dma_wait3A_32 : memref<632x128xf32, #tpu.memory_space<hbm>>)
        tpu.yield
      }) : () -> ()
    } else {
    }
    %eq3A_17 = arith.constant 15 : i32
    %eq3A_18 = arith.cmpi eq, %arg1, %eq3A_17 : i32
    %convert_element_type3A_19 = arith.extui %eq3A_18 : i1 to i32
    %cond3A_20 = arith.constant 0 : i32
    %cond3A_21 = arith.cmpi ne, %convert_element_type3A_19, %cond3A_20 : i32
    scf.if %cond3A_21 {
      %mul3A_22 = arith.constant 632 : i32
      %mul3A_23 = arith.muli %arg1, %mul3A_22 : i32
      %mul3A_24 = arith.constant 632 : i32
      %mul3A_25 = arith.muli %arg1, %mul3A_24 : i32
      "tpu.region"() ({
        %run_scoped3A_26 = tpu.sem_alloc : memref<!tpu.dma_semaphore, #tpu.memory_space<semaphore_mem>>
        %dma_start3A = arith.constant 0 : i32
        %dma_start3A_27 = tpu.memref_slice %arg5[%arg0, %mul3A_25, %dma_start3A] : memref<2x10000x128xf32, #tpu.memory_space<hbm>> -> memref<1x520x128xf32, #tpu.memory_space<hbm>>
        %dma_start3A_28 = tpu.memref_squeeze %dma_start3A_27 : memref<1x520x128xf32, #tpu.memory_space<hbm>> -> memref<520x128xf32, #tpu.memory_space<hbm>>
        %dma_start3A_29 = arith.constant 0 : i32
        %dma_start3A_30 = tpu.memref_slice %arg10[%mul3A_23, %dma_start3A_29] : memref<10008x128xf32, #tpu.memory_space<vmem_shared>> -> memref<520x128xf32, #tpu.memory_space<vmem_shared>>
        tpu.enqueue_dma source(%dma_start3A_30 : memref<520x128xf32, #tpu.memory_space<vmem_shared>>) target(%dma_start3A_28 : memref<520x128xf32, #tpu.memory_space<hbm>>) target_semaphore(%run_scoped3A_26 : memref<!tpu.dma_semaphore, #tpu.memory_space<semaphore_mem>>)
        %dma_wait3A = arith.constant 0 : i32
        %dma_wait3A_31 = tpu.memref_slice %arg5[%arg0, %mul3A_25, %dma_wait3A] : memref<2x10000x128xf32, #tpu.memory_space<hbm>> -> memref<1x520x128xf32, #tpu.memory_space<hbm>>
        %dma_wait3A_32 = tpu.memref_squeeze %dma_wait3A_31 : memref<1x520x128xf32, #tpu.memory_space<hbm>> -> memref<520x128xf32, #tpu.memory_space<hbm>>
        %dma_wait3A_33 = arith.constant 0 : i32
        %dma_wait3A_34 = tpu.memref_slice %arg10[%mul3A_23, %dma_wait3A_33] : memref<10008x128xf32, #tpu.memory_space<vmem_shared>> -> memref<520x128xf32, #tpu.memory_space<vmem_shared>>
        tpu.wait_dma2 semaphore(%run_scoped3A_26 : memref<!tpu.dma_semaphore, #tpu.memory_space<semaphore_mem>>) src(%dma_wait3A_34 : memref<520x128xf32, #tpu.memory_space<vmem_shared>>) dst(%dma_wait3A_32 : memref<520x128xf32, #tpu.memory_space<hbm>>)
        tpu.yield
      }) : () -> ()
    } else {
    }
    return
  }
}

module attributes {stable_mosaic.version = 14 : i64} {
  func.func @body(%arg0: i32, %arg1: memref<2x1000x128xf32, #tpu.memory_space<vmem>>, %arg2: memref<1x1x1000xf32, #tpu.memory_space<vmem>>, %arg3: memref<1000x128xf32, #tpu.memory_space<vmem>>, %arg4: memref<128x128xf32, #tpu.memory_space<vmem>>, %arg5: memref<1x128xf32, #tpu.memory_space<vmem>>, %arg6: memref<128x128xf32, #tpu.memory_space<vmem>>, %arg7: memref<1000x128xf32, #tpu.memory_space<vmem>>) attributes {dimension_semantics = [#tpu.dimension_semantics<arbitrary>], iteration_bounds = array<i64: 10>, scalar_prefetch = 0 : i64, scratch_operands = 0 : i64, tpu.core_type = #tpu.core_type<tc>, window_params = [{transform_indices = @transform_0, window_bounds = array<i64: 2, 1000, 128>}, {transform_indices = @transform_1, window_bounds = array<i64: 1, 1, 1000>}, {transform_indices = @transform_2, window_bounds = array<i64: 1000, 128>}, {pipeline_mode = #tpu.pipeline_mode<synchronous>, transform_indices = @transform_3, window_bounds = array<i64: 128, 128>}, {pipeline_mode = #tpu.pipeline_mode<synchronous>, transform_indices = @transform_4, window_bounds = array<i64: 1, 128>}, {pipeline_mode = #tpu.pipeline_mode<synchronous>, transform_indices = @transform_5, window_bounds = array<i64: 128, 128>}, {transform_indices = @transform_6, window_bounds = array<i64: 1000, 128>}]} {
    %get3A = arith.constant 0 : index
    %get3A_0 = arith.constant 0 : index
    %get3A_1 = arith.constant 0 : index
    %get3A_2 = vector.load %arg1[%get3A, %get3A_0, %get3A_1] : memref<2x1000x128xf32, #tpu.memory_space<vmem>>, vector<1x1000x128xf32>
    %get3A_3 = vector.shape_cast %get3A_2 : vector<1x1000x128xf32> to vector<1000x128xf32>
    %get3A_4 = arith.constant 1 : index
    %get3A_5 = arith.constant 0 : index
    %get3A_6 = arith.constant 0 : index
    %get3A_7 = vector.load %arg1[%get3A_4, %get3A_5, %get3A_6] : memref<2x1000x128xf32, #tpu.memory_space<vmem>>, vector<1x1000x128xf32>
    %get3A_8 = vector.shape_cast %get3A_7 : vector<1x1000x128xf32> to vector<1000x128xf32>
    %add3A = arith.addf %get3A_3, %get3A_8 : vector<1000x128xf32>
    %get3A_9 = arith.constant 0 : index
    %get3A_10 = arith.constant 0 : index
    %get3A_11 = arith.constant 0 : index
    %get3A_12 = vector.load %arg2[%get3A_9, %get3A_10, %get3A_11] : memref<1x1x1000xf32, #tpu.memory_space<vmem>>, vector<1x1x1000xf32>
    %get3A_13 = vector.shape_cast %get3A_12 : vector<1x1x1000xf32> to vector<1000xf32>
    %broadcast_in_dim3A = vector.shape_cast %get3A_13 : vector<1000xf32> to vector<1000x1xf32>
    %mul3A = vector.broadcast %broadcast_in_dim3A : vector<1000x1xf32> to vector<1000x128xf32>
    %mul3A_14 = arith.mulf %add3A, %mul3A : vector<1000x128xf32>
    %get3A_15 = arith.constant 0 : index
    %get3A_16 = arith.constant 0 : index
    %get3A_17 = vector.load %arg4[%get3A_15, %get3A_16] : memref<128x128xf32, #tpu.memory_space<vmem>>, vector<128x128xf32>
    %dot_general3A = arith.constant dense<0.000000e+00> : vector<1000x128xf32>
    %dot_general3A_18 = tpu.matmul %mul3A_14, %get3A_17, %dot_general3A {dimension_numbers = #tpu.dot_dimension_numbers<[1], [0], [0], [1], [0, 0, 1, 1], [], []>, transpose_lhs_hint = false} : vector<1000x128xf32>, vector<128x128xf32>, vector<1000x128xf32> -> vector<1000x128xf32>
    %get3A_19 = arith.constant 0 : index
    %get3A_20 = arith.constant 0 : index
    %get3A_21 = vector.load %arg5[%get3A_19, %get3A_20] : memref<1x128xf32, #tpu.memory_space<vmem>>, vector<1x128xf32>
    %get3A_22 = vector.shape_cast %get3A_21 : vector<1x128xf32> to vector<128xf32>
    %broadcast_in_dim3A_23 = vector.shape_cast %get3A_22 : vector<128xf32> to vector<1x128xf32>
    %add3A_24 = vector.broadcast %broadcast_in_dim3A_23 : vector<1x128xf32> to vector<1000x128xf32>
    %add3A_25 = arith.addf %dot_general3A_18, %add3A_24 : vector<1000x128xf32>
    %get3A_26 = arith.constant 0 : index
    %get3A_27 = arith.constant 0 : index
    %get3A_28 = vector.load %arg3[%get3A_26, %get3A_27] : memref<1000x128xf32, #tpu.memory_space<vmem>>, vector<1000x128xf32>
    %get3A_29 = arith.constant 0 : index
    %get3A_30 = arith.constant 0 : index
    %get3A_31 = vector.load %arg6[%get3A_29, %get3A_30] : memref<128x128xf32, #tpu.memory_space<vmem>>, vector<128x128xf32>
    %dot_general3A_32 = arith.constant dense<0.000000e+00> : vector<1000x128xf32>
    %dot_general3A_33 = tpu.matmul %get3A_28, %get3A_31, %dot_general3A_32 {dimension_numbers = #tpu.dot_dimension_numbers<[1], [0], [0], [1], [0, 0, 1, 1], [], []>, transpose_lhs_hint = false} : vector<1000x128xf32>, vector<128x128xf32>, vector<1000x128xf32> -> vector<1000x128xf32>
    %add3A_34 = arith.addf %add3A_25, %dot_general3A_33 : vector<1000x128xf32>
    %max3A = arith.constant 0.000000e+00 : f32
    %max3A_35 = vector.broadcast %max3A : f32 to vector<1000x128xf32>
    %max3A_36 = arith.maximumf %add3A_34, %max3A_35 : vector<1000x128xf32>
    %swap3A = arith.constant 0 : index
    %swap3A_37 = arith.constant 0 : index
    %swap3A_38 = vector.load %arg7[%swap3A, %swap3A_37] : memref<1000x128xf32, #tpu.memory_space<vmem>>, vector<1000x128xf32>
    tpu.vector_store %arg7[%swap3A, %swap3A_37], %max3A_36 {strides = array<i32>} : memref<1000x128xf32, #tpu.memory_space<vmem>>, vector<1000x128xf32>,
    return
  }
  func.func @transform_0(%arg0: i32) -> (i32, i32, i32) {
    %c0_i32 = arith.constant 0 : i32
    %c0_i32_0 = arith.constant 0 : i32
    %c0_i32_1 = arith.constant 0 : i32
    return %c0_i32, %arg0, %c0_i32_0 : i32, i32, i32
  }
  func.func @transform_1(%arg0: i32) -> (i32, i32, i32) {
    %c0_i32 = arith.constant 0 : i32
    %c0_i32_0 = arith.constant 0 : i32
    %c0_i32_1 = arith.constant 0 : i32
    return %arg0, %c0_i32, %c0_i32_0 : i32, i32, i32
  }
  func.func @transform_2(%arg0: i32) -> (i32, i32) {
    %c0_i32 = arith.constant 0 : i32
    %c0_i32_0 = arith.constant 0 : i32
    return %arg0, %c0_i32 : i32, i32
  }
  func.func @transform_3(%arg0: i32) -> (i32, i32) {
    %c0_i32 = arith.constant 0 : i32
    %c0_i32_0 = arith.constant 0 : i32
    %c0_i32_1 = arith.constant 0 : i32
    return %c0_i32, %c0_i32_0 : i32, i32
  }
  func.func @transform_4(%arg0: i32) -> (i32, i32) {
    %c0_i32 = arith.constant 0 : i32
    %c0_i32_0 = arith.constant 0 : i32
    %c0_i32_1 = arith.constant 0 : i32
    return %c0_i32, %c0_i32_0 : i32, i32
  }
  func.func @transform_5(%arg0: i32) -> (i32, i32) {
    %c0_i32 = arith.constant 0 : i32
    %c0_i32_0 = arith.constant 0 : i32
    %c0_i32_1 = arith.constant 0 : i32
    return %c0_i32, %c0_i32_0 : i32, i32
  }
  func.func @transform_6(%arg0: i32) -> (i32, i32) {
    %c0_i32 = arith.constant 0 : i32
    %c0_i32_0 = arith.constant 0 : i32
    return %arg0, %c0_i32 : i32, i32
  }
}

module attributes {stable_mosaic.version = 14 : i64} {
  func.func @body(%arg0: i32, %arg1: memref<2x1000x128xf32, #tpu.memory_space<vmem>>, %arg2: memref<1x1x1000xf32, #tpu.memory_space<vmem>>, %arg3: memref<1000x128xf32, #tpu.memory_space<vmem>>, %arg4: memref<128x128xf32, #tpu.memory_space<vmem>>, %arg5: memref<1x128xf32, #tpu.memory_space<vmem>>, %arg6: memref<128x128xf32, #tpu.memory_space<vmem>>, %arg7: memref<1x1x1000xi32, #tpu.memory_space<vmem>>, %arg8: memref<128x128xf32, #tpu.memory_space<vmem>>, %arg9: memref<1x128xf32, #tpu.memory_space<vmem>>, %arg10: memref<64x128xf32, #tpu.memory_space<vmem>>, %arg11: memref<64x128xf32, #tpu.memory_space<vmem>>, %arg12: memref<64x128xf32, #tpu.memory_space<vmem>>) attributes {dimension_semantics = [#tpu.dimension_semantics<arbitrary>], iteration_bounds = array<i64: 10>, scalar_prefetch = 0 : i64, scratch_operands = 2 : i64, tpu.core_type = #tpu.core_type<tc>, window_params = [{transform_indices = @transform_0, window_bounds = array<i64: 2, 1000, 128>}, {transform_indices = @transform_1, window_bounds = array<i64: 1, 1, 1000>}, {transform_indices = @transform_2, window_bounds = array<i64: 1000, 128>}, {pipeline_mode = #tpu.pipeline_mode<synchronous>, transform_indices = @transform_3, window_bounds = array<i64: 128, 128>}, {pipeline_mode = #tpu.pipeline_mode<synchronous>, transform_indices = @transform_4, window_bounds = array<i64: 1, 128>}, {pipeline_mode = #tpu.pipeline_mode<synchronous>, transform_indices = @transform_5, window_bounds = array<i64: 128, 128>}, {transform_indices = @transform_6, window_bounds = array<i64: 1, 1, 1000>}, {pipeline_mode = #tpu.pipeline_mode<synchronous>, transform_indices = @transform_7, window_bounds = array<i64: 128, 128>}, {pipeline_mode = #tpu.pipeline_mode<synchronous>, transform_indices = @transform_8, window_bounds = array<i64: 1, 128>}, {pipeline_mode = #tpu.pipeline_mode<synchronous>, transform_indices = @transform_9, window_bounds = array<i64: 64, 128>}]} {
    %get3A = arith.constant 0 : index
    %get3A_0 = arith.constant 0 : index
    %get3A_1 = arith.constant 0 : index
    %get3A_2 = vector.load %arg1[%get3A, %get3A_0, %get3A_1] : memref<2x1000x128xf32, #tpu.memory_space<vmem>>, vector<1x1000x128xf32>
    %get3A_3 = vector.shape_cast %get3A_2 : vector<1x1000x128xf32> to vector<1000x128xf32>
    %get3A_4 = arith.constant 1 : index
    %get3A_5 = arith.constant 0 : index
    %get3A_6 = arith.constant 0 : index
    %get3A_7 = vector.load %arg1[%get3A_4, %get3A_5, %get3A_6] : memref<2x1000x128xf32, #tpu.memory_space<vmem>>, vector<1x1000x128xf32>
    %get3A_8 = vector.shape_cast %get3A_7 : vector<1x1000x128xf32> to vector<1000x128xf32>
    %add3A = arith.addf %get3A_3, %get3A_8 : vector<1000x128xf32>
    %get3A_9 = arith.constant 0 : index
    %get3A_10 = arith.constant 0 : index
    %get3A_11 = arith.constant 0 : index
    %get3A_12 = vector.load %arg2[%get3A_9, %get3A_10, %get3A_11] : memref<1x1x1000xf32, #tpu.memory_space<vmem>>, vector<1x1x1000xf32>
    %get3A_13 = vector.shape_cast %get3A_12 : vector<1x1x1000xf32> to vector<1000xf32>
    %broadcast_in_dim3A = vector.shape_cast %get3A_13 : vector<1000xf32> to vector<1000x1xf32>
    %mul3A = vector.broadcast %broadcast_in_dim3A : vector<1000x1xf32> to vector<1000x128xf32>
    %mul3A_14 = arith.mulf %add3A, %mul3A : vector<1000x128xf32>
    %get3A_15 = arith.constant 0 : index
    %get3A_16 = arith.constant 0 : index
    %get3A_17 = vector.load %arg4[%get3A_15, %get3A_16] : memref<128x128xf32, #tpu.memory_space<vmem>>, vector<128x128xf32>
    %dot_general3A = arith.constant dense<0.000000e+00> : vector<1000x128xf32>
    %dot_general3A_18 = tpu.matmul %mul3A_14, %get3A_17, %dot_general3A {dimension_numbers = #tpu.dot_dimension_numbers<[1], [0], [0], [1], [0, 0, 1, 1], [], []>, transpose_lhs_hint = false} : vector<1000x128xf32>, vector<128x128xf32>, vector<1000x128xf32> -> vector<1000x128xf32>
    %get3A_19 = arith.constant 0 : index
    %get3A_20 = arith.constant 0 : index
    %get3A_21 = vector.load %arg5[%get3A_19, %get3A_20] : memref<1x128xf32, #tpu.memory_space<vmem>>, vector<1x128xf32>
    %get3A_22 = vector.shape_cast %get3A_21 : vector<1x128xf32> to vector<128xf32>
    %broadcast_in_dim3A_23 = vector.shape_cast %get3A_22 : vector<128xf32> to vector<1x128xf32>
    %add3A_24 = vector.broadcast %broadcast_in_dim3A_23 : vector<1x128xf32> to vector<1000x128xf32>
    %add3A_25 = arith.addf %dot_general3A_18, %add3A_24 : vector<1000x128xf32>
    %get3A_26 = arith.constant 0 : index
    %get3A_27 = arith.constant 0 : index
    %get3A_28 = vector.load %arg3[%get3A_26, %get3A_27] : memref<1000x128xf32, #tpu.memory_space<vmem>>, vector<1000x128xf32>
    %get3A_29 = arith.constant 0 : index
    %get3A_30 = arith.constant 0 : index
    %get3A_31 = vector.load %arg6[%get3A_29, %get3A_30] : memref<128x128xf32, #tpu.memory_space<vmem>>, vector<128x128xf32>
    %dot_general3A_32 = arith.constant dense<0.000000e+00> : vector<1000x128xf32>
    %dot_general3A_33 = tpu.matmul %get3A_28, %get3A_31, %dot_general3A_32 {dimension_numbers = #tpu.dot_dimension_numbers<[1], [0], [0], [1], [0, 0, 1, 1], [], []>, transpose_lhs_hint = false} : vector<1000x128xf32>, vector<128x128xf32>, vector<1000x128xf32> -> vector<1000x128xf32>
    %add3A_34 = arith.addf %add3A_25, %dot_general3A_33 : vector<1000x128xf32>
    %max3A = arith.constant 0.000000e+00 : f32
    %max3A_35 = vector.broadcast %max3A : f32 to vector<1000x128xf32>
    %max3A_36 = arith.maximumf %add3A_34, %max3A_35 : vector<1000x128xf32>
    %get3A_37 = arith.constant 0 : index
    %get3A_38 = arith.constant 0 : index
    %get3A_39 = arith.constant 0 : index
    %get3A_40 = vector.load %arg7[%get3A_37, %get3A_38, %get3A_39] : memref<1x1x1000xi32, #tpu.memory_space<vmem>>, vector<1x1x1000xi32>
    %get3A_41 = vector.shape_cast %get3A_40 : vector<1x1x1000xi32> to vector<1000xi32>
    %broadcast_in_dim3A_42 = vector.shape_cast %get3A_41 : vector<1000xi32> to vector<1x1000xi32>
    %iota3A = tpu.iota {dimensions = array<i32: 0>} : vector<64x1000xi32>
    %eq3A = vector.broadcast %broadcast_in_dim3A_42 : vector<1x1000xi32> to vector<64x1000xi32>
    %eq3A_43 = arith.cmpi eq, %eq3A, %iota3A : vector<64x1000xi32>
    %convert_element_type3A = arith.extui %eq3A_43 : vector<64x1000xi1> to vector<64x1000xi32>
    %convert_element_type3A_44 = arith.sitofp %convert_element_type3A : vector<64x1000xi32> to vector<64x1000xf32>
    %dot_general3A_45 = arith.constant dense<0.000000e+00> : vector<64x128xf32>
    %dot_general3A_46 = tpu.matmul %convert_element_type3A_44, %max3A_36, %dot_general3A_45 {dimension_numbers = #tpu.dot_dimension_numbers<[1], [0], [0], [1], [0, 0, 1, 1], [], []>, transpose_lhs_hint = false} : vector<64x1000xf32>, vector<1000x128xf32>, vector<64x128xf32> -> vector<64x128xf32>
    %reduce_sum3A = arith.constant dense<0.000000e+00> : vector<64xf32>
    %reduce_sum3A_47 = vector.multi_reduction <add>, %convert_element_type3A_44, %reduce_sum3A [1] : vector<64x1000xf32> to vector<64xf32>
    %broadcast_in_dim3A_48 = vector.shape_cast %reduce_sum3A_47 : vector<64xf32> to vector<64x1xf32>
    %eq3A_49 = arith.constant 0 : i32
    %eq3A_50 = arith.cmpi eq, %arg0, %eq3A_49 : i32
    %convert_element_type3A_51 = arith.extui %eq3A_50 : i1 to i32
    %cond3A = arith.constant 0 : i32
    %cond3A_52 = arith.cmpi ne, %convert_element_type3A_51, %cond3A : i32
    scf.if %cond3A_52 {
      %broadcast_in_dim3A_73 = arith.constant 0.000000e+00 : f32
      %broadcast_in_dim3A_74 = vector.broadcast %broadcast_in_dim3A_73 : f32 to vector<64x128xf32>
      %swap3A_75 = arith.constant 0 : index
      %swap3A_76 = arith.constant 0 : index
      %swap3A_77 = vector.load %arg11[%swap3A_75, %swap3A_76] : memref<64x128xf32, #tpu.memory_space<vmem>>, vector<64x128xf32>
      tpu.vector_store %arg11[%swap3A_75, %swap3A_76], %broadcast_in_dim3A_74 {strides = array<i32>} : memref<64x128xf32, #tpu.memory_space<vmem>>, vector<64x128xf32>,
      %broadcast_in_dim3A_78 = arith.constant 0.000000e+00 : f32
      %broadcast_in_dim3A_79 = vector.broadcast %broadcast_in_dim3A_78 : f32 to vector<64x128xf32>
      %swap3A_80 = arith.constant 0 : index
      %swap3A_81 = arith.constant 0 : index
      %swap3A_82 = vector.load %arg12[%swap3A_80, %swap3A_81] : memref<64x128xf32, #tpu.memory_space<vmem>>, vector<64x128xf32>
      tpu.vector_store %arg12[%swap3A_80, %swap3A_81], %broadcast_in_dim3A_79 {strides = array<i32>} : memref<64x128xf32, #tpu.memory_space<vmem>>, vector<64x128xf32>,
    } else {
    }
    %get3A_53 = arith.constant 0 : index
    %get3A_54 = arith.constant 0 : index
    %get3A_55 = vector.load %arg11[%get3A_53, %get3A_54] : memref<64x128xf32, #tpu.memory_space<vmem>>, vector<64x128xf32>
    %add3A_56 = arith.addf %get3A_55, %dot_general3A_46 : vector<64x128xf32>
    %swap3A = arith.constant 0 : index
    %swap3A_57 = arith.constant 0 : index
    %swap3A_58 = vector.load %arg11[%swap3A, %swap3A_57] : memref<64x128xf32, #tpu.memory_space<vmem>>, vector<64x128xf32>
    tpu.vector_store %arg11[%swap3A, %swap3A_57], %add3A_56 {strides = array<i32>} : memref<64x128xf32, #tpu.memory_space<vmem>>, vector<64x128xf32>,
    %get3A_59 = arith.constant 0 : index
    %get3A_60 = arith.constant 0 : index
    %get3A_61 = vector.load %arg12[%get3A_59, %get3A_60] : memref<64x128xf32, #tpu.memory_space<vmem>>, vector<64x128xf32>
    %broadcast_in_dim3A_62 = vector.shape_cast %broadcast_in_dim3A_48 : vector<64x1xf32> to vector<64x1xf32>
    %broadcast_in_dim3A_63 = vector.broadcast %broadcast_in_dim3A_62 : vector<64x1xf32> to vector<64x128xf32>
    %add3A_64 = arith.addf %get3A_61, %broadcast_in_dim3A_63 : vector<64x128xf32>
    %swap3A_65 = arith.constant 0 : index
    %swap3A_66 = arith.constant 0 : index
    %swap3A_67 = vector.load %arg12[%swap3A_65, %swap3A_66] : memref<64x128xf32, #tpu.memory_space<vmem>>, vector<64x128xf32>
    tpu.vector_store %arg12[%swap3A_65, %swap3A_66], %add3A_64 {strides = array<i32>} : memref<64x128xf32, #tpu.memory_space<vmem>>, vector<64x128xf32>,
    %eq3A_68 = arith.constant 9 : i32
    %eq3A_69 = arith.cmpi eq, %arg0, %eq3A_68 : i32
    %convert_element_type3A_70 = arith.extui %eq3A_69 : i1 to i32
    %cond3A_71 = arith.constant 0 : i32
    %cond3A_72 = arith.cmpi ne, %convert_element_type3A_70, %cond3A_71 : i32
    scf.if %cond3A_72 {
      %get3A_73 = arith.constant 0 : index
      %get3A_74 = arith.constant 0 : index
      %get3A_75 = vector.load %arg11[%get3A_73, %get3A_74] : memref<64x128xf32, #tpu.memory_space<vmem>>, vector<64x128xf32>
      %get3A_76 = arith.constant 0 : index
      %get3A_77 = arith.constant 0 : index
      %get3A_78 = vector.load %arg12[%get3A_76, %get3A_77] : memref<64x128xf32, #tpu.memory_space<vmem>>, vector<64x128xf32>
      %max3A_79 = arith.constant 1.000000e+00 : f32
      %max3A_80 = vector.broadcast %max3A_79 : f32 to vector<64x128xf32>
      %max3A_81 = arith.maximumf %get3A_78, %max3A_80 : vector<64x128xf32>
      %div3A = arith.divf %get3A_75, %max3A_81 : vector<64x128xf32>
      %get3A_82 = arith.constant 0 : index
      %get3A_83 = arith.constant 0 : index
      %get3A_84 = vector.load %arg8[%get3A_82, %get3A_83] : memref<128x128xf32, #tpu.memory_space<vmem>>, vector<128x128xf32>
      %dot_general3A_85 = arith.constant dense<0.000000e+00> : vector<64x128xf32>
      %dot_general3A_86 = tpu.matmul %div3A, %get3A_84, %dot_general3A_85 {dimension_numbers = #tpu.dot_dimension_numbers<[1], [0], [0], [1], [0, 0, 1, 1], [], []>, transpose_lhs_hint = false} : vector<64x128xf32>, vector<128x128xf32>, vector<64x128xf32> -> vector<64x128xf32>
      %get3A_87 = arith.constant 0 : index
      %get3A_88 = arith.constant 0 : index
      %get3A_89 = vector.load %arg9[%get3A_87, %get3A_88] : memref<1x128xf32, #tpu.memory_space<vmem>>, vector<1x128xf32>
      %get3A_90 = vector.shape_cast %get3A_89 : vector<1x128xf32> to vector<128xf32>
      %broadcast_in_dim3A_91 = vector.shape_cast %get3A_90 : vector<128xf32> to vector<1x128xf32>
      %add3A_92 = vector.broadcast %broadcast_in_dim3A_91 : vector<1x128xf32> to vector<64x128xf32>
      %add3A_93 = arith.addf %dot_general3A_86, %add3A_92 : vector<64x128xf32>
      %swap3A_94 = arith.constant 0 : index
      %swap3A_95 = arith.constant 0 : index
      %swap3A_96 = vector.load %arg10[%swap3A_94, %swap3A_95] : memref<64x128xf32, #tpu.memory_space<vmem>>, vector<64x128xf32>
      tpu.vector_store %arg10[%swap3A_94, %swap3A_95], %add3A_93 {strides = array<i32>} : memref<64x128xf32, #tpu.memory_space<vmem>>, vector<64x128xf32>,
    } else {
    }
    return
  }
  func.func @transform_0(%arg0: i32) -> (i32, i32, i32) {
    %c0_i32 = arith.constant 0 : i32
    %c0_i32_0 = arith.constant 0 : i32
    %c0_i32_1 = arith.constant 0 : i32
    return %c0_i32, %arg0, %c0_i32_0 : i32, i32, i32
  }
  func.func @transform_1(%arg0: i32) -> (i32, i32, i32) {
    %c0_i32 = arith.constant 0 : i32
    %c0_i32_0 = arith.constant 0 : i32
    %c0_i32_1 = arith.constant 0 : i32
    return %arg0, %c0_i32, %c0_i32_0 : i32, i32, i32
  }
  func.func @transform_2(%arg0: i32) -> (i32, i32) {
    %c0_i32 = arith.constant 0 : i32
    %c0_i32_0 = arith.constant 0 : i32
    return %arg0, %c0_i32 : i32, i32
  }
  func.func @transform_3(%arg0: i32) -> (i32, i32) {
    %c0_i32 = arith.constant 0 : i32
    %c0_i32_0 = arith.constant 0 : i32
    %c0_i32_1 = arith.constant 0 : i32
    return %c0_i32, %c0_i32_0 : i32, i32
  }
  func.func @transform_4(%arg0: i32) -> (i32, i32) {
    %c0_i32 = arith.constant 0 : i32
    %c0_i32_0 = arith.constant 0 : i32
    %c0_i32_1 = arith.constant 0 : i32
    return %c0_i32, %c0_i32_0 : i32, i32
  }
  func.func @transform_5(%arg0: i32) -> (i32, i32) {
    %c0_i32 = arith.constant 0 : i32
    %c0_i32_0 = arith.constant 0 : i32
    %c0_i32_1 = arith.constant 0 : i32
    return %c0_i32, %c0_i32_0 : i32, i32
  }
  func.func @transform_6(%arg0: i32) -> (i32, i32, i32) {
    %c0_i32 = arith.constant 0 : i32
    %c0_i32_0 = arith.constant 0 : i32
    %c0_i32_1 = arith.constant 0 : i32
    return %arg0, %c0_i32, %c0_i32_0 : i32, i32, i32
  }
  func.func @transform_7(%arg0: i32) -> (i32, i32) {
    %c0_i32 = arith.constant 0 : i32
    %c0_i32_0 = arith.constant 0 : i32
    %c0_i32_1 = arith.constant 0 : i32
    return %c0_i32, %c0_i32_0 : i32, i32
  }
  func.func @transform_8(%arg0: i32) -> (i32, i32) {
    %c0_i32 = arith.constant 0 : i32
    %c0_i32_0 = arith.constant 0 : i32
    %c0_i32_1 = arith.constant 0 : i32
    return %c0_i32, %c0_i32_0 : i32, i32
  }
  func.func @transform_9(%arg0: i32) -> (i32, i32) {
    %c0_i32 = arith.constant 0 : i32
    %c0_i32_0 = arith.constant 0 : i32
    %c0_i32_1 = arith.constant 0 : i32
    return %c0_i32, %c0_i32_0 : i32, i32
  }
}

</mosaic_0001>

<sc_bundles>
// kernel: gather_offload_async_start.1
scs
__scs_entry_jumppad:
0x0: {  	(pc) =	sbr.rel $0x88, $3  }
0x1: {  	(tag) =	ssettag $0x0;
	lr =	simm.s32 $0x1  }
0x2: {  	[smem:$0x3F96] =	sst lr;
	_ =	strace $0xD0000000  }
0x3: {  	_ = 	snop  }
0x4: {  	_ = 	snop  }
0x5: {  	_ = 	snop  }
0x6: {  	_ = 	snop  }
0x7: {  	_ = 	snop  }
__scs_overlays_trampoline_lowered:
0x8: {  	[smem:$0x3FA5] =	sst s0  }
0x9: {  	[smem:$0x3FA6] =	sst s1  }
0xa: {  	[smem:$0x3FA7] =	sst s2  }
0xb: {  	[smem:$0x3FA8] =	sst s3  }
0xc: {  	[smem:$0x3FA9] =	sst s4  }
0xd: {  	[smem:$0x3FAA] =	sst s5  }
0xe: {  	[smem:$0x3FAB] =	sst s6  }
0xf: {  	[smem:$0x3FAC] =	sst s7  }
0x10: {  	[smem:$0x3FAD] =	sst s8  }
0x11: {  	[smem:$0x3FAE] =	sst s9;
	s0 =	simm.s32 @!p0 $0x0  }
0x12: {  	s1 =	sld [smem:$0x3F94];
	s0 =	simm.s32 @p0 $0x1  }
0x13: {  	[smem:$0x3FAF] =	sst s0;
	s0 =	simm.s32 @!p1 $0x0  }
0x14: {  	s2 =	sld [smem:$0x3F93];
	s0 =	simm.s32 @p1 $0x1  }
0x15: {  	[smem:$0x3FB0] =	sst s0;
	s0 =	simm.s32 @!p2 $0x0  }
0x16: {  	s3 =	sld [smem:$0x3FDB];
	s0 =	simm.s32 @p2 $0x1  }
0x17: {  	s4 =	simm.s32 $0x1BF5;
	[smem:$0x3FB2] =	sst s0  }
0x18: {  	s0 =	sld [smem:$0x3F95];
	_ =	swait.ge [sflag:s4], $0x0  }
0x19: {  	s7 =	sld [smem:$0x3F96]  }
0x1a: {  	s8 =	sadd.s32 $0xFFFFE003, lr  }
0x1b: {  	s9 =	sadd.s32 $0xFFFFFEF7, lr;
	s5 =	simm.s32 $0xFFFFFFFF;
	p2 =	slt.u32 s8, $0xFFFFF086  }
0x1c: {  	p1 =	slt.u32 s9, $0xF7A;
	s5 =	simm.s32 @!p2 $0x0  }
0x1d: {  	s5 =	simm.s32 @p1 $0x1;
	p0 =	seq.s32 s7, s2  }
0x1e: {  	s7 =	smul.u32 @!p0 $0xF7A, s2;
	p2 =	seq.s32 @!p0 s5, $0x0  }
0x1f: {  	s9 =	smul.u32 $0xF7A, s1;
	s8 =	simm.s32 @!p0 $0x1BF5;
	p2 =	por !p2, p0  }
0x20: {  	[sflag:s8] =	ssyncset.s32 @!p0 $0xFFFFF086;
	s6 =	sadd.s32 @!p0 s3, s7;
	s7 =	simm.s32 @!p0 $0x108  }
0x21: {  	s3 =	sadd.s32 s3, s9;
	s6 =	sadd.s32 @!p0 $0x88, s6;
	s7 =	simm.s32 @p2 $0x1082  }
0x22: {  	[simem:s7], [sflag:s8] =	dma.local @!p0 [hbm:s6], $0xF7A  }
0x23: {  	s9 =	sor.u32 $0xD0000000, s2;
	s6 =	simm.s32 $0x108;
	_ =	swait.ge @!p0 [sflag:s8], $0x0  }
0x24: {  	s3 =	sadd.s32 $0x88, s3;
	s6 =	simm.s32 @!p1 $0x1082;
	[sflag:s4] =	ssyncset.s32 $0xFFFFF086  }
0x25: {  	[simem:s6], [sflag:s4] =	dma.local [hbm:s3], $0xF7A  }
0x26: {  	[smem:$0x3F96] =	sst s1;
	(tag) =	ssettag s2;
	_ =	strace s9  }
0x27: {  	s1 =	sld [smem:$0x3FA6]  }
0x28: {  	s2 =	sld [smem:$0x3FA7]  }
0x29: {  	s4 =	sld [smem:$0x3FA9]  }
0x2a: {  	p0 =	seq.s32 s5, $0x0;
	s5 =	sld [smem:$0x3FAA]  }
0x2b: {  	s6 =	sld [smem:$0x3FAB]  }
0x2c: {  	s7 =	sld [smem:$0x3FAC]  }
0x2d: {  	s3 =	simm.s32 $0x108;
	s8 =	sld [smem:$0x3FAD]  }
0x2e: {  	s3 =	simm.s32 @!p0 $0x1082;
	s9 =	sld [smem:$0x3FAE]  }
0x2f: {  	lr =	sadd.s32 s0, s3;
	s0 =	sld [smem:$0x3FA5]  }
0x30: {  	s3 =	sld [smem:$0x3FA8]  }
0x31: {  	[smem:$0x3FB1] =	sst s10  }
0x32: {  	s10 =	sld [smem:$0x3FAF];
	_ =	sdelay $0x3  }
0x33: {  	p0 =	seq.s32 s10, $0x1;
	s10 =	sld [smem:$0x3FB1];
	_ =	sdelay $0x3  }
0x34: {  	[smem:$0x3FB1] =	sst s10  }
0x35: {  	s10 =	sld [smem:$0x3FB0];
	_ =	sdelay $0x3  }
0x36: {  	p1 =	seq.s32 s10, $0x1;
	s10 =	sld [smem:$0x3FB1];
	_ =	sdelay $0x3  }
0x37: {  	[smem:$0x3FB1] =	sst s10  }
0x38: {  	s10 =	sld [smem:$0x3FB2]  }
0x39: {  	_ = 	snop;
	(pc) =	sbr.ind lr, $3  }
0x3a: {  	_ = 	snop  }
0x3b: {  	_ = 	snop  }
0x3c: {  	p2 =	seq.s32 s10, $0x1;
	s10 =	sld [smem:$0x3FB1]  }
0x3d: {  	_ =	shalt  }
0x3e: {  	_ =	shalt  }
0x3f: {  	_ =	shalt  }
0x40: {  	_ =	shalt  }
0x41: {  	_ =	shalt  }
0x42: {  	_ =	shalt  }
0x43: {  	_ =	shalt  }
0x44: {  	_ =	shalt  }
0x45: {  	_ =	shalt  }
0x46: {  	_ =	shalt  }
0x47: {  	_ =	shalt  }
0x48: {  	_ =	shalt  }
0x49: {  	_ =	shalt  }
0x4a: {  	_ =	shalt  }
0x4b: {  	_ =	shalt  }
0x4c: {  	_ =	shalt  }
0x4d: {  	_ =	shalt  }
0x4e: {  	_ =	shalt  }
0x4f: {  	_ =	shalt  }
0x50: {  	_ =	shalt  }
0x51: {  	_ =	shalt  }
0x52: {  	_ =	shalt  }
0x53: {  	_ =	shalt  }
0x54: {  	_ =	shalt  }
0x55: {  	_ =	shalt  }
0x56: {  	_ =	shalt  }
0x57: {  	_ =	shalt  }
0x58: {  	_ =	shalt  }
0x59: {  	_ =	shalt  }
0x5a: {  	_ =	shalt  }
0x5b: {  	_ =	shalt  }
0x5c: {  	_ =	shalt  }
0x5d: {  	_ =	shalt  }
0x5e: {  	_ =	shalt  }
0x5f: {  	_ =	shalt  }
0x60: {  	_ =	shalt  }
0x61: {  	_ =	shalt  }
0x62: {  	_ =	shalt  }
0x63: {  	_ =	shalt  }
0x64: {  	_ =	shalt  }
0x65: {  	_ =	shalt  }
0x66: {  	_ =	shalt  }
0x67: {  	_ =	shalt  }
0x68: {  	_ =	shalt  }
0x69: {  	_ =	shalt  }
0x6a: {  	_ =	shalt  }
0x6b: {  	_ =	shalt  }
0x6c: {  	_ =	shalt  }
0x6d: {  	_ =	shalt  }
0x6e: {  	_ =	shalt  }
0x6f: {  	_ =	shalt  }
0x70: {  	_ =	shalt  }
0x71: {  	_ =	shalt  }
0x72: {  	_ =	shalt  }
0x73: {  	_ =	shalt  }
0x74: {  	_ =	shalt  }
0x75: {  	_ =	shalt  }
0x76: {  	_ =	shalt  }
0x77: {  	_ =	shalt  }
0x78: {  	_ =	shalt  }
0x79: {  	_ =	shalt  }
0x7a: {  	_ =	shalt  }
0x7b: {  	_ =	shalt  }
0x7c: {  	_ =	shalt  }
0x7d: {  	_ =	shalt  }
0x7e: {  	_ =	shalt  }
0x7f: {  	_ =	shalt  }
0x80: {  	_ =	shalt  }
0x81: {  	_ =	shalt  }
0x82: {  	_ =	shalt  }
0x83: {  	_ =	shalt  }
0x84: {  	_ =	shalt  }
0x85: {  	_ =	shalt  }
0x86: {  	_ =	shalt  }
0x87: {  	_ =	shalt  }
.Lfunc_end0:
.L_simem_size_0:
called_computation.1_lowered:
.L_overlay_start_0:
0x88: {  	s0 =	sld [smem:$0x3FD9]  }
0x89: {  	s1 =	sld [smem:$0x3FFE];
	_ =	sdelay $0x3  }
0x8a: {  	s0 =	sadd.s32 s1, s0  }
0x8b: {  	[smem:$0x3FBD] =	sst s0  }
0x8c: {  	_ = 	snop  }
0x8d: {  	(tm) =	ssettm $0x1  }
0x8e: {  	s15 =	sld [smem:$0x3FFB];
	_ =	sdelay $0x3  }
0x8f: {  	_ =	strace s15  }
0x90: {  	s0 =	sld [smem:$0x3FFC];
	_ =	sdelay $0x3  }
0x91: {  	_ =	strace s0  }
0x92: {  	s0 =	sld [smem:$0x3FFD];
	_ =	sdelay $0x3  }
0x93: {  	_ =	strace s0  }
0x94: {  	_ =	strace $0x8FFFFFFF  }
0x95: {  	s16 =	sld [smem:$0x3FDB];
	_ =	sdelay $0x1  }
0x96: {  	s17 =	simm.s32 $_scs_section_size  }
0x97: {  	s2 =	simm.s32 $_size__tile_overlayer_lowered;
	s3 =	simm.s32 $_tile_overlayer_lowered  }
0x98: {  	s20 =	simm.s32 $0x1BFF;
	s19 =	sshll.u32 s3, $0x1;
	s0 =	sadd.s32 s17, s16  }
0x99: {  	s4 =	simm.s32 $0x0;
	s18 =	sshll.u32 s2, $0x1;
	s2 =	sadd.s32 s19, s0  }
0x9a: {  	[timem:s4], [sflag:s20] =	dma.local [hbm:s2], s18  }
0x9b: {  	_ =	swait.ge [sflag:s20], s18  }
0x9c: {  	s1 =	ssub.s32 $0x0, s18;
	[sflag:s20] =	ssyncset.done $0x0  }
0x9d: {  	[sflag:s20] =	ssyncadd.s32 s1;
	_ =	sdelay $0x1  }
0x9e: {  	s21 =	simm.s32 $0x1B8B  }
0x9f: {  	_ =	swait.ge [sflag:s21], $0x1  }
0xa0: {  	[sflag:s21] =	ssyncset.done $0x0  }
0xa1: {  	s23 =	simm.s32 $0x1B8E;
	s22 =	sld [smem:$0x3FFE];
	[sflag:s21] =	ssyncadd.s32 $0xFFFFFFFF  }
0xa2: {  	s24 =	simm.s32 $execute0_lowered;
	[smem:$0x3FD2] =	sst s23  }
0xa3: {  	s2 =	sshll.u32 s24, $0x1;
	_ =	strace $0x80000055;
	[dreg:$0x1] =	wrdreg $0xFFFFFFFF  }
0xa4: {  	s25 =	simm.s32 $_size_execute0_lowered;
	s0 =	sadd.s32 s0, s2;
	[dreg:$0x0] =	wrdreg $0x0  }
0xa5: {  	s2 =	sshll.u32 s25, $0x1;
	[dreg:$0x2] =	wrdreg s0  }
0xa6: {  	[dreg:$0x3] =	wrdreg s2  }
0xa7: {  	[dreg:$0x4] =	wrdreg $0xC0  }
0xa8: {  	_ =	task [dreg:s4], $0x5FFFF  }
0xa9: {  	[dreg:$0x1] =	wrdreg $0xFFFFFFFF  }
0xaa: {  	[dreg:$0x0] =	wrdreg $0x60  }
0xab: {  	[dreg:$0x2] =	wrdreg s22  }
0xac: {  	[dreg:$0x3] =	wrdreg $0x9  }
0xad: {  	_ =	task.clear_ibuf [dreg:s4], $0x4FFFF;
	_ =	strace $0x90000055  }
0xae: {  	s26 =	simm.s32 $0x9;
	_ =	strace $0x80000057  }
0xaf: {  	_ =	swait.ge [sflag:s26], $0x1  }
0xb0: {  	[sflag:s26] =	ssyncadd.s32 $0xFFFFFFFF  }
0xb1: {  	_ =	strace $0x90000057  }
0xb2: {  	_ =	sfence  }
0xb3: {  	s28 =	sld [smem:$0x0];
	_ =	sdelay $0x1  }
0xb4: {  	s29 =	srdreg.scid  }
0xb5: {  	s30 =	sshll.u32 s29, $0xD;
	s31 =	sshrl.u32 s29, $0x2  }
0xb6: {  	s1 =	sand.u32 $0x1, s29;
	s2 =	sand.u32 $0x4000, s30;
	s0 =	sadd.s32 s31, s28  }
0xb7: {  	s1 =	sor.u32 s2, s1;
	s0 =	sshll.u32 s0, $0x11  }
0xb8: {  	s0 =	sor.u32 s0, s1  }
0xb9: {  	s0 =	sadd.s32 $0x8F2B, s0  }
0xba: {  	[sflag:s0] =	ssyncadd.remote.s32 $0x1  }
0xbb: {  	_ =	sfence.sel $0xFFFF  }
0xbc: {  	[dreg:$0x0] =	wrdreg $0xFFFFFFFF;
	(pc) =	sbr.abs _section_cstart, $3  }
0xbd: {  	[dreg:$0x1] =	wrdreg $0xFFFFFFFF  }
0xbe: {  	_ =	task.clear_ibuf [dreg:s4], $0x2FFFF;
	_ =	strace $0x9FFFFFFF  }
0xbf: {  	(tm) =	ssettm $0x7FFFFFFF  }
tec
execute0_lowered:
.L_overlay_start_1:
0x0: {  	(tag) =	ssettag $0x1  }
0x1: {  	s8 =	rddreg [dreg:$0x0]  }
0x2: {  	s0 =	rddreg [dreg:$0x1];
	_ =	strace $0x80000056  }
0x3: {  	s4 =	simm.s32 $0x1;
	s1 =	stileid.u32;
	s7 =	simm.s32 $0x1  }
0x4: {  	s9 =	simm.s32 $0x1;
	s6 =	simm.s32 $0x2;
	s10 =	simm.s32 $0x3  }
0x5: {  	s13 =	simm.s32 $0x0;
	s12 =	simm.s32 $0x0;
	s2 =	sadd.s32 $0x20600, s8  }
.Ltmp0:
0x6: {  	s3 =	sadd.s32 $0x19400, s8;
	p0 =	slt.u32 s1, $0xA;
	(pc) =	sbr.rel .LBB2_1-.Ltmp0, $4  }
0x7: {  	[sflag:s4] =	ssyncpa.u1 $0x0;
	s7 =	simm.s32 @!p0 $0x0;
	p0 =	sne.s32 s1, $0x9  }
0x8: {  	s5 =	smul.u32 $0x190, s1;
	[sflag:s6] =	ssyncpa.u1 $0x0;
	s9 =	simm.s32 @!p0 $0x0  }
0x9: {  	s8 =	sadd.s32 $0x19A00, s8;
	[sflag:s10] =	ssyncpa.u1 $0x0;
	s7 =	sadd.s32 s9, s7  }
0xa: {  	vm0 =	vmmov $0xffff;
	s10 =	simm.s32 $0x0;
	s11 =	smov.u32 s5;
	s9 =	sadd.s32 $0x1, s7  }
.LBB2_4:
0xb: {  	v2 =	vnsel vm1, $0x0, v2  }
0xc: {  	vm1 =	vgt.s32 v0, $0x0;
	v2 =	vmin.u32 v2, $0x4E1FF  }
0xd: {  	v0 =	vnsel vm1, $0x0, v0  }
0xe: {  	v0 =	vmin.u32 v0, $0x4E1FF  }
0xf: {  	[tilespmem:s18], [sflag:$0x1] =	stream.indirect_vreg.gather [hbm4b:s2+s10], $0x1, v1, vm0, $0x4038;
	[tilespmem:$0x640] =	vst v63  }
0x10: {  	(ifvalue) =	ssetifvalue $0x7FFFFFFF  }
0x11: {  	[tilespmem:s15], [sflag:$0x1] =	stream.indirect_vreg.gather [hbm4b:s2+s10], $0x1, v2, vm0, $0x4038;
	[tilespmem:$0x640] =	vst v63  }
0x12: {  	s29 =	sadd.s32 $0x10, s15;
	(ifvalue) =	ssetifvalue $0x7FFFFFFF  }
0x13: {  	[tilespmem:s29], [sflag:$0x1] =	stream.indirect_vreg.gather [hbm4b:s2+s10], $0x1, v0, vm0, $0x4038;
	[tilespmem:$0x640] =	vst v63  }
0x14: {  	_ =	swait.ge [sflag:s4], $0x190  }
0x15: {  	s30 =	sshrl.u32 s13, $0x3;
	[sflag:s4] =	ssyncset.done $0x0  }
0x16: {  	s31 =	sand.u32 $0x7, s13;
	s15 =	sadd.s32 s8, s30;
	[sflag:s4] =	ssyncadd.s32 $0xFFFFFE70  }
0x17: {  	[hbm4b:s15+s31] =	stream.linear.scatter [tilespmem:s14], [sflag:$0x3], $0x190, $0x38;
	[tilespmem:$0x640] =	vst v63  }
.LBB2_5:
0x18: {  	s15 =	sadd.s32 $0x1900, s11  }
0x19: {  	p1 =	sgt.s32 s15, $0x270F  }
0x1a: {  	s15 =	smov.u32 @p1 s5;
	p1 =	sne.s32 s12, s9  }
.Ltmp1:
0x1b: {  	p0 =	slt.u32 s12, $0x2;
	(pc) =	sbr.rel @!p1 .LBB2_6-.Ltmp1, $4  }
0x1c: {  	s14 =	simm.s32 @!p0 $0x3  }
0x1d: {  	_ =	swait.ge @!p0 [sflag:s14], $0x190  }
0x1e: {  	s16 =	sadd.s32 $0x1, s12;
	s13 =	smov.u32 s11;
	[sflag:s14] =	ssyncset.done @!p0 $0x0  }
0x1f: {  	s12 =	smov.u32 s16;
	s11 =	smov.u32 s15;
	[sflag:s14] =	ssyncadd.s32 @!p0 $0xFFFFFE70  }
.LBB2_1:
0x20: {  	p0 =	sge.u32 s12, s7  }
0x21: {  	s14 =	sxor.u32 @!p0 $0x1, s12  }
0x22: {  	s14 =	smul.u32 @!p0 $0x640, s14  }
0x23: {  	s31 =	sadd.s32 $0xFFFFFFFF, s12;
	s15 =	sshrl.u32 @!p0 s11, $0x3  }
0x24: {  	s16 =	sand.u32 @!p0 $0x7, s11;
	s15 =	sadd.s32 @!p0 s3, s15;
	s14 =	sshra.s32 @!p0 s14, $0x2  }
0x25: {  	[tilespmem:s14], [sflag:$0x2] =	stream.linear.gather @!p0 [hbm4b:s15+s16], $0x190, $0x38;
	[tilespmem:$0x640] =	vst v63  }
0x26: {  	p0 =	sge.u32 s31, s7  }
.Ltmp2:
0x27: {  	_ = 	snop;
	(pc) =	sbr.rel @p0 .LBB2_5-.Ltmp2, $1  }
0x28: {  	_ =	sdelay $0x3  }
0x29: {  	s14 =	sand.u32 $0x1, s12  }
0x2a: {  	_ =	swait.ge [sflag:s6], $0x190;
	p0 =	seq.s32 s14, $0x1;
	s14 =	simm.s32 $0x190  }
0x2b: {  	[sflag:s6] =	ssyncset.done $0x0;
	s14 =	simm.s32 @!p0 $0x0  }
0x2c: {  	[sflag:s6] =	ssyncadd.s32 $0xFFFFFE70;
	(ifvalue) =	ssetifvalue $0x7FFFFFFF;
	v0 =	vld.msk [tilespmem:s14+$0x0 ss:$0x1], $0xffff;
	_ =	sdelay $0x4  }
0x2d: {  	s15 =	sadd.s32 $0x10, s14;
	vm1 =	vgt.s32 v0, $0x0  }
0x2e: {  	v2 =	vld.msk [tilespmem:s15+$0x0 ss:$0x1], $0xffff;
	v1 =	vnsel vm1, $0x0, v0  }
0x2f: {  	v1 =	vmin.u32 v1, $0x4E1FF;
	_ =	sdelay $0x2  }
0x30: {  	s17 =	simm.s32 $0x20;
	s14 =	sadd.s32 $0x320, s14;
	s16 =	sadd.s32 $0x10, s15  }
0x31: {  	s15 =	sadd.s32 $0x10, s14;
	s18 =	smov.u32 s14;
	v0 =	vld.msk [tilespmem:s16+$0x0 ss:$0x1], $0xffff;
	vm1 =	vgt.s32 v2, $0x0;
	(ifvalue) =	ssetifvalue $0x7FFFFFFF  }
.LBB2_3:
0x32: {  	[tilespmem:s18], [sflag:$0x1] =	stream.indirect_vreg.gather [hbm4b:s2+s10], $0x1, v1, vm0, $0x4038;
	[tilespmem:$0x640] =	vst v63  }
0x33: {  	s17 =	sadd.s32 $0x10, s17  }
0x34: {  	v2 =	vnsel vm1, $0x0, v2;
	p0 =	slt.u32 s17, $0x180  }
.Ltmp3:
0x35: {  	s18 =	smov.u32 s15;
	v1 =	vmin.u32 v2, $0x4E1FF;
	(pc) =	sbr.rel @p0 .LBB2_3-.Ltmp3, $3  }
0x36: {  	_ =	sdelay $0x1  }
0x37: {  	s16 =	sadd.s32 $0x10, s16  }
0x38: {  	vm1 =	vgt.s32 v0, $0x0;
	s15 =	sadd.s32 $0x10, s15;
	v2 =	vmov v0;
	(ifvalue) =	ssetifvalue $0x7FFFFFFF;
	v0 =	vld.msk [tilespmem:s16+$0x0 ss:$0x1], $0xffff  }
.Ltmp4:
0x39: {  	_ = 	snop;
	(pc) =	sbr.rel .LBB2_4-.Ltmp4, $1  }
0x3a: {  	_ =	sdelay $0x3  }
.LBB2_6:
0x3b: {  	_ =	sfence.sel $0x180000  }
0x3c: {  	s2 =	simm.s32 $0x2;
	[bflag:$0x0] =	sbarrier.arrive $0xFFFF  }
0x3d: {  	s30 =	simm.s32 $0x3;
	[sflag:s2] =	ssyncpa.u1 $0x1  }
0x3e: {  	s31 =	simm.s32 $0x1;
	[sflag:s30] =	ssyncpa.u1 $0x1  }
0x3f: {  	[sflag:s31] =	ssyncpa.u1 $0x1  }
0x40: {  	p0 =	sne.s32 s1, $0x0;
	_ =	strace $0x90000056  }
0x41: {  	s0 =	sadd.s32 @!p0 $0x100000, s0;
	[bflag:$0x2] =	sbarrier.arrive $0xFFFF  }
0x42: {  	[sflag:s0] =	ssyncadd.tile.s32 @!p0 $0x1;
	_ =	shalt  }
.Lfunc_end2:
_tile_overlayer_lowered:
.L_overlay_start_2:
0x43: {  	(tag) =	ssettag $0x2  }
0x44: {  	s0 =	rddreg [dreg:$0x0];
	s2 =	stileid.u32  }
0x45: {  	s1 =	rddreg [dreg:$0x1];
	p0 =	sne.s32 s2, $0x0  }
0x46: {  	s3 =	rddreg [dreg:$0x2];
	[bflag:$0x3] =	sbarrier.arrive $0xFFFF;
	s2 =	simm.s32 @!p0 $0x1C01  }
0x47: {  	[timem:s3], [sflag:s2] =	dma.local @!p0 [hbm:s0], s1  }
0x48: {  	s0 =	simm.s32 @!p0 $0x1  }
0x49: {  	_ =	swait.ge @!p0 [sflag:s0], s1  }
0x4a: {  	s1 =	ssub.s32 @!p0 $0x0, s1;
	[sflag:s0] =	ssyncset.done @!p0 $0x0  }
0x4b: {  	[sflag:s0] =	ssyncadd.s32 @!p0 s1  }
0x4c: {  	[bflag:$0x3] =	sbarrier.arrive $0xFFFF  }
0x4d: {  	_ =	shalt  }

// kernel: gather_offload_async_start.2
scs
__scs_entry_jumppad:
0x0: {  	(pc) =	sbr.rel $0x88, $3  }
0x1: {  	(tag) =	ssettag $0x0;
	lr =	simm.s32 $0x1  }
0x2: {  	[smem:$0x3F96] =	sst lr;
	_ =	strace $0xD0000000  }
0x3: {  	_ = 	snop  }
0x4: {  	_ = 	snop  }
0x5: {  	_ = 	snop  }
0x6: {  	_ = 	snop  }
0x7: {  	_ = 	snop  }
__scs_overlays_trampoline_lowered:
0x8: {  	[smem:$0x3FA5] =	sst s0  }
0x9: {  	[smem:$0x3FA6] =	sst s1  }
0xa: {  	[smem:$0x3FA7] =	sst s2  }
0xb: {  	[smem:$0x3FA8] =	sst s3  }
0xc: {  	[smem:$0x3FA9] =	sst s4  }
0xd: {  	[smem:$0x3FAA] =	sst s5  }
0xe: {  	[smem:$0x3FAB] =	sst s6  }
0xf: {  	[smem:$0x3FAC] =	sst s7  }
0x10: {  	[smem:$0x3FAD] =	sst s8  }
0x11: {  	[smem:$0x3FAE] =	sst s9;
	s0 =	simm.s32 @!p0 $0x0  }
0x12: {  	s1 =	sld [smem:$0x3F94];
	s0 =	simm.s32 @p0 $0x1  }
0x13: {  	[smem:$0x3FAF] =	sst s0;
	s0 =	simm.s32 @!p1 $0x0  }
0x14: {  	s2 =	sld [smem:$0x3F93];
	s0 =	simm.s32 @p1 $0x1  }
0x15: {  	[smem:$0x3FB0] =	sst s0;
	s0 =	simm.s32 @!p2 $0x0  }
0x16: {  	s3 =	sld [smem:$0x3FDB];
	s0 =	simm.s32 @p2 $0x1  }
0x17: {  	s4 =	simm.s32 $0x1BF5;
	[smem:$0x3FB2] =	sst s0  }
0x18: {  	s0 =	sld [smem:$0x3F95];
	_ =	swait.ge [sflag:s4], $0x0  }
0x19: {  	s7 =	sld [smem:$0x3F96]  }
0x1a: {  	s8 =	sadd.s32 $0xFFFFE003, lr  }
0x1b: {  	s9 =	sadd.s32 $0xFFFFFEF7, lr;
	s5 =	simm.s32 $0xFFFFFFFF;
	p2 =	slt.u32 s8, $0xFFFFF086  }
0x1c: {  	p1 =	slt.u32 s9, $0xF7A;
	s5 =	simm.s32 @!p2 $0x0  }
0x1d: {  	s5 =	simm.s32 @p1 $0x1;
	p0 =	seq.s32 s7, s2  }
0x1e: {  	s7 =	smul.u32 @!p0 $0xF7A, s2;
	p2 =	seq.s32 @!p0 s5, $0x0  }
0x1f: {  	s9 =	smul.u32 $0xF7A, s1;
	s8 =	simm.s32 @!p0 $0x1BF5;
	p2 =	por !p2, p0  }
0x20: {  	[sflag:s8] =	ssyncset.s32 @!p0 $0xFFFFF086;
	s6 =	sadd.s32 @!p0 s3, s7;
	s7 =	simm.s32 @!p0 $0x108  }
0x21: {  	s3 =	sadd.s32 s3, s9;
	s6 =	sadd.s32 @!p0 $0x88, s6;
	s7 =	simm.s32 @p2 $0x1082  }
0x22: {  	[simem:s7], [sflag:s8] =	dma.local @!p0 [hbm:s6], $0xF7A  }
0x23: {  	s9 =	sor.u32 $0xD0000000, s2;
	s6 =	simm.s32 $0x108;
	_ =	swait.ge @!p0 [sflag:s8], $0x0  }
0x24: {  	s3 =	sadd.s32 $0x88, s3;
	s6 =	simm.s32 @!p1 $0x1082;
	[sflag:s4] =	ssyncset.s32 $0xFFFFF086  }
0x25: {  	[simem:s6], [sflag:s4] =	dma.local [hbm:s3], $0xF7A  }
0x26: {  	[smem:$0x3F96] =	sst s1;
	(tag) =	ssettag s2;
	_ =	strace s9  }
0x27: {  	s1 =	sld [smem:$0x3FA6]  }
0x28: {  	s2 =	sld [smem:$0x3FA7]  }
0x29: {  	s4 =	sld [smem:$0x3FA9]  }
0x2a: {  	p0 =	seq.s32 s5, $0x0;
	s5 =	sld [smem:$0x3FAA]  }
0x2b: {  	s6 =	sld [smem:$0x3FAB]  }
0x2c: {  	s7 =	sld [smem:$0x3FAC]  }
0x2d: {  	s3 =	simm.s32 $0x108;
	s8 =	sld [smem:$0x3FAD]  }
0x2e: {  	s3 =	simm.s32 @!p0 $0x1082;
	s9 =	sld [smem:$0x3FAE]  }
0x2f: {  	lr =	sadd.s32 s0, s3;
	s0 =	sld [smem:$0x3FA5]  }
0x30: {  	s3 =	sld [smem:$0x3FA8]  }
0x31: {  	[smem:$0x3FB1] =	sst s10  }
0x32: {  	s10 =	sld [smem:$0x3FAF];
	_ =	sdelay $0x3  }
0x33: {  	p0 =	seq.s32 s10, $0x1;
	s10 =	sld [smem:$0x3FB1];
	_ =	sdelay $0x3  }
0x34: {  	[smem:$0x3FB1] =	sst s10  }
0x35: {  	s10 =	sld [smem:$0x3FB0];
	_ =	sdelay $0x3  }
0x36: {  	p1 =	seq.s32 s10, $0x1;
	s10 =	sld [smem:$0x3FB1];
	_ =	sdelay $0x3  }
0x37: {  	[smem:$0x3FB1] =	sst s10  }
0x38: {  	s10 =	sld [smem:$0x3FB2]  }
0x39: {  	_ = 	snop;
	(pc) =	sbr.ind lr, $3  }
0x3a: {  	_ = 	snop  }
0x3b: {  	_ = 	snop  }
0x3c: {  	p2 =	seq.s32 s10, $0x1;
	s10 =	sld [smem:$0x3FB1]  }
0x3d: {  	_ =	shalt  }
0x3e: {  	_ =	shalt  }
0x3f: {  	_ =	shalt  }
0x40: {  	_ =	shalt  }
0x41: {  	_ =	shalt  }
0x42: {  	_ =	shalt  }
0x43: {  	_ =	shalt  }
0x44: {  	_ =	shalt  }
0x45: {  	_ =	shalt  }
0x46: {  	_ =	shalt  }
0x47: {  	_ =	shalt  }
0x48: {  	_ =	shalt  }
0x49: {  	_ =	shalt  }
0x4a: {  	_ =	shalt  }
0x4b: {  	_ =	shalt  }
0x4c: {  	_ =	shalt  }
0x4d: {  	_ =	shalt  }
0x4e: {  	_ =	shalt  }
0x4f: {  	_ =	shalt  }
0x50: {  	_ =	shalt  }
0x51: {  	_ =	shalt  }
0x52: {  	_ =	shalt  }
0x53: {  	_ =	shalt  }
0x54: {  	_ =	shalt  }
0x55: {  	_ =	shalt  }
0x56: {  	_ =	shalt  }
0x57: {  	_ =	shalt  }
0x58: {  	_ =	shalt  }
0x59: {  	_ =	shalt  }
0x5a: {  	_ =	shalt  }
0x5b: {  	_ =	shalt  }
0x5c: {  	_ =	shalt  }
0x5d: {  	_ =	shalt  }
0x5e: {  	_ =	shalt  }
0x5f: {  	_ =	shalt  }
0x60: {  	_ =	shalt  }
0x61: {  	_ =	shalt  }
0x62: {  	_ =	shalt  }
0x63: {  	_ =	shalt  }
0x64: {  	_ =	shalt  }
0x65: {  	_ =	shalt  }
0x66: {  	_ =	shalt  }
0x67: {  	_ =	shalt  }
0x68: {  	_ =	shalt  }
0x69: {  	_ =	shalt  }
0x6a: {  	_ =	shalt  }
0x6b: {  	_ =	shalt  }
0x6c: {  	_ =	shalt  }
0x6d: {  	_ =	shalt  }
0x6e: {  	_ =	shalt  }
0x6f: {  	_ =	shalt  }
0x70: {  	_ =	shalt  }
0x71: {  	_ =	shalt  }
0x72: {  	_ =	shalt  }
0x73: {  	_ =	shalt  }
0x74: {  	_ =	shalt  }
0x75: {  	_ =	shalt  }
0x76: {  	_ =	shalt  }
0x77: {  	_ =	shalt  }
0x78: {  	_ =	shalt  }
0x79: {  	_ =	shalt  }
0x7a: {  	_ =	shalt  }
0x7b: {  	_ =	shalt  }
0x7c: {  	_ =	shalt  }
0x7d: {  	_ =	shalt  }
0x7e: {  	_ =	shalt  }
0x7f: {  	_ =	shalt  }
0x80: {  	_ =	shalt  }
0x81: {  	_ =	shalt  }
0x82: {  	_ =	shalt  }
0x83: {  	_ =	shalt  }
0x84: {  	_ =	shalt  }
0x85: {  	_ =	shalt  }
0x86: {  	_ =	shalt  }
0x87: {  	_ =	shalt  }
.Lfunc_end0:
.L_simem_size_0:
called_computation.2_lowered:
.L_overlay_start_0:
0x88: {  	s2 =	sld [smem:$0x3FD9]  }
0x89: {  	s3 =	sld [smem:$0x3FFE];
	_ =	sdelay $0x1  }
0x8a: {  	s1 =	srdreg.scid  }
0x8b: {  	s0 =	sand.u32 $0x1, s1  }
0x8c: {  	s16 =	sshll.u32 s0, $0xA;
	s2 =	sadd.s32 s3, s2  }
0x8d: {  	s2 =	sadd.s32 s2, s16  }
0x8e: {  	[smem:$0x3FBD] =	sst s2  }
0x8f: {  	_ = 	snop  }
0x90: {  	(tm) =	ssettm $0x1  }
0x91: {  	s17 =	sld [smem:$0x3FFB];
	_ =	sdelay $0x3  }
0x92: {  	_ =	strace s17  }
0x93: {  	s2 =	sld [smem:$0x3FFC];
	_ =	sdelay $0x3  }
0x94: {  	_ =	strace s2  }
0x95: {  	s2 =	sld [smem:$0x3FFD];
	_ =	sdelay $0x3  }
0x96: {  	_ =	strace s2  }
0x97: {  	_ =	strace $0x8FFFFFFF  }
0x98: {  	s18 =	sld [smem:$0x3FDB];
	_ =	sdelay $0x1  }
0x99: {  	s19 =	simm.s32 $_scs_section_size  }
0x9a: {  	s4 =	simm.s32 $_size__tile_overlayer_lowered;
	s5 =	simm.s32 $_tile_overlayer_lowered  }
0x9b: {  	s22 =	simm.s32 $0x1BFF;
	s21 =	sshll.u32 s5, $0x1;
	s2 =	sadd.s32 s19, s18  }
0x9c: {  	s6 =	simm.s32 $0x0;
	s20 =	sshll.u32 s4, $0x1;
	s4 =	sadd.s32 s21, s2  }
0x9d: {  	[timem:s6], [sflag:s22] =	dma.local [hbm:s4], s20  }
0x9e: {  	_ =	swait.ge [sflag:s22], s20  }
0x9f: {  	s3 =	ssub.s32 $0x0, s20;
	[sflag:s22] =	ssyncset.done $0x0  }
0xa0: {  	[sflag:s22] =	ssyncadd.s32 s3;
	_ =	sdelay $0x1  }
0xa1: {  	s23 =	simm.s32 $0x1B8B  }
0xa2: {  	_ =	swait.ge [sflag:s23], $0x1  }
0xa3: {  	[sflag:s23] =	ssyncset.done $0x0  }
0xa4: {  	s25 =	simm.s32 $0x1B8E;
	s24 =	sld [smem:$0x3FFE];
	[sflag:s23] =	ssyncadd.s32 $0xFFFFFFFF  }
0xa5: {  	s26 =	simm.s32 $execute0_lowered;
	[smem:$0x3FD2] =	sst s25  }
0xa6: {  	s4 =	sshll.u32 s26, $0x1;
	_ =	strace $0x80000046;
	[dreg:$0x1] =	wrdreg $0xFFFFFFFF  }
0xa7: {  	s28 =	simm.s32 $_size_execute0_lowered;
	s2 =	sadd.s32 s2, s4;
	[dreg:$0x0] =	wrdreg $0x0  }
0xa8: {  	s4 =	sshll.u32 s28, $0x1;
	[dreg:$0x2] =	wrdreg s2  }
0xa9: {  	[dreg:$0x3] =	wrdreg s4  }
0xaa: {  	[dreg:$0x4] =	wrdreg $0xC0  }
0xab: {  	_ =	task [dreg:s6], $0x5FFFF  }
0xac: {  	[dreg:$0x1] =	wrdreg $0xFFFFFFFF  }
0xad: {  	[dreg:$0x0] =	wrdreg $0x60  }
0xae: {  	[dreg:$0x2] =	wrdreg s24  }
0xaf: {  	[dreg:$0x3] =	wrdreg $0x9  }
0xb0: {  	_ =	task.clear_ibuf [dreg:s6], $0x4FFFF;
	_ =	strace $0x90000046  }
0xb1: {  	s29 =	simm.s32 $0x9;
	_ =	strace $0x80000048  }
0xb2: {  	_ =	swait.ge [sflag:s29], $0x1  }
0xb3: {  	[sflag:s29] =	ssyncadd.s32 $0xFFFFFFFF  }
0xb4: {  	_ =	strace $0x90000048  }
0xb5: {  	_ =	sfence  }
0xb6: {  	s30 =	sld [smem:$0x0];
	_ =	sdelay $0x2  }
0xb7: {  	s31 =	sshll.u32 s1, $0xD;
	s1 =	sshrl.u32 s1, $0x2  }
0xb8: {  	s3 =	sand.u32 $0x4000, s31;
	s1 =	sadd.s32 s1, s30  }
0xb9: {  	s0 =	sor.u32 s3, s0;
	s1 =	sshll.u32 s1, $0x11  }
0xba: {  	s0 =	sor.u32 s1, s0  }
0xbb: {  	s0 =	sadd.s32 $0x8F2B, s0  }
0xbc: {  	[sflag:s0] =	ssyncadd.remote.s32 $0x1  }
0xbd: {  	_ =	sfence.sel $0xFFFF  }
0xbe: {  	[dreg:$0x0] =	wrdreg $0xFFFFFFFF;
	(pc) =	sbr.abs _section_cstart, $3  }
0xbf: {  	[dreg:$0x1] =	wrdreg $0xFFFFFFFF  }
0xc0: {  	_ =	task.clear_ibuf [dreg:s6], $0x2FFFF;
	_ =	strace $0x9FFFFFFF  }
0xc1: {  	(tm) =	ssettm $0x7FFFFFFF  }
tec
execute0_lowered:
.L_overlay_start_1:
0x0: {  	(tag) =	ssettag $0x1  }
0x1: {  	s8 =	rddreg [dreg:$0x0]  }
0x2: {  	s0 =	rddreg [dreg:$0x1];
	_ =	strace $0x80000047;
	s1 =	stileid.u32  }
0x3: {  	s3 =	srdreg.scid;
	s4 =	simm.s32 $0x1;
	s7 =	simm.s32 $0x1  }
0x4: {  	s9 =	simm.s32 $0x1;
	s10 =	simm.s32 $0x3;
	s13 =	simm.s32 $0x0  }
0x5: {  	s12 =	simm.s32 $0x0;
	s5 =	sand.u32 $0x1, s3;
	s6 =	sshll.u32 s1, $0x1  }
0x6: {  	s2 =	sadd.s32 $0xCA00, s8;
	s3 =	sadd.s32 $0x16800, s8;
	s5 =	sor.u32 s6, s5  }
.Ltmp0:
0x7: {  	[sflag:s4] =	ssyncpa.u1 $0x0;
	p0 =	slt.u32 s5, $0x9;
	(pc) =	sbr.rel .LBB2_1-.Ltmp0, $4  }
0x8: {  	s6 =	simm.s32 $0x2;
	s7 =	simm.s32 @!p0 $0x0;
	p0 =	sne.s32 s5, $0x8  }
0x9: {  	[sflag:s6] =	ssyncpa.u1 $0x0;
	s5 =	smul.u32 $0x1F40, s5;
	s9 =	simm.s32 @!p0 $0x0  }
0xa: {  	s8 =	sadd.s32 $0x20600, s8;
	[sflag:s10] =	ssyncpa.u1 $0x0;
	s7 =	sadd.s32 s9, s7  }
0xb: {  	vm0 =	vmmov $0xffff;
	s10 =	simm.s32 $0x0;
	s11 =	smov.u32 s5;
	s9 =	sadd.s32 $0x1, s7  }
.LBB2_4:
0xc: {  	v2 =	vnsel vm1, $0x0, v2  }
0xd: {  	vm1 =	vgt.s32 v0, $0x0;
	v2 =	vmin.u32 v2, $0x4E1FF  }
0xe: {  	v0 =	vnsel vm1, $0x0, v0  }
0xf: {  	v0 =	vmin.u32 v0, $0x4E1FF  }
0x10: {  	[tilespmem:s18], [sflag:$0x1] =	stream.indirect_vreg.gather [hbm4b:s2+s10], $0x1, v1, vm0, $0x4038;
	[tilespmem:$0x7D00] =	vst v63  }
0x11: {  	(ifvalue) =	ssetifvalue $0x7FFFFFFF  }
0x12: {  	[tilespmem:s15], [sflag:$0x1] =	stream.indirect_vreg.gather [hbm4b:s2+s10], $0x1, v2, vm0, $0x4038;
	[tilespmem:$0x7D00] =	vst v63  }
0x13: {  	s29 =	sadd.s32 $0x10, s15;
	(ifvalue) =	ssetifvalue $0x7FFFFFFF  }
0x14: {  	[tilespmem:s29], [sflag:$0x1] =	stream.indirect_vreg.gather [hbm4b:s2+s10], $0x1, v0, vm0, $0x4038;
	[tilespmem:$0x7D00] =	vst v63  }
0x15: {  	_ =	swait.ge [sflag:s4], $0x1F40  }
0x16: {  	s30 =	sshrl.u32 s13, $0x3;
	[sflag:s4] =	ssyncset.done $0x0  }
0x17: {  	s31 =	sand.u32 $0x7, s13;
	s15 =	sadd.s32 s8, s30;
	[sflag:s4] =	ssyncadd.s32 $0xFFFFE0C0  }
0x18: {  	[hbm4b:s15+s31] =	stream.linear.scatter [tilespmem:s14], [sflag:$0x3], $0x1F40, $0x38;
	[tilespmem:$0x7D00] =	vst v63  }
.LBB2_5:
0x19: {  	s15 =	sadd.s32 $0x3E800, s11  }
0x1a: {  	p1 =	sgt.s32 s15, $0x4E1FF  }
0x1b: {  	s15 =	smov.u32 @p1 s5;
	p1 =	sne.s32 s12, s9  }
.Ltmp1:
0x1c: {  	p0 =	slt.u32 s12, $0x2;
	(pc) =	sbr.rel @!p1 .LBB2_6-.Ltmp1, $4  }
0x1d: {  	s14 =	simm.s32 @!p0 $0x3  }
0x1e: {  	_ =	swait.ge @!p0 [sflag:s14], $0x1F40  }
0x1f: {  	s16 =	sadd.s32 $0x1, s12;
	s13 =	smov.u32 s11;
	[sflag:s14] =	ssyncset.done @!p0 $0x0  }
0x20: {  	s12 =	smov.u32 s16;
	s11 =	smov.u32 s15;
	[sflag:s14] =	ssyncadd.s32 @!p0 $0xFFFFE0C0  }
.LBB2_1:
0x21: {  	p0 =	sge.u32 s12, s7  }
0x22: {  	s14 =	sxor.u32 @!p0 $0x1, s12  }
0x23: {  	s14 =	smul.u32 @!p0 $0x7D00, s14  }
0x24: {  	s31 =	sadd.s32 $0xFFFFFFFF, s12;
	s15 =	sshrl.u32 @!p0 s11, $0x3  }
0x25: {  	s16 =	sand.u32 @!p0 $0x7, s11;
	s15 =	sadd.s32 @!p0 s3, s15;
	s14 =	sshra.s32 @!p0 s14, $0x2  }
0x26: {  	[tilespmem:s14], [sflag:$0x2] =	stream.linear.gather @!p0 [hbm4b:s15+s16], $0x1F40, $0x38;
	[tilespmem:$0x7D00] =	vst v63  }
0x27: {  	p0 =	sge.u32 s31, s7  }
.Ltmp2:
0x28: {  	_ = 	snop;
	(pc) =	sbr.rel @p0 .LBB2_5-.Ltmp2, $1  }
0x29: {  	_ =	sdelay $0x3  }
0x2a: {  	s14 =	sand.u32 $0x1, s12  }
0x2b: {  	_ =	swait.ge [sflag:s6], $0x1F40;
	p0 =	seq.s32 s14, $0x1;
	s14 =	simm.s32 $0x1F40  }
0x2c: {  	[sflag:s6] =	ssyncset.done $0x0;
	s14 =	simm.s32 @!p0 $0x0  }
0x2d: {  	[sflag:s6] =	ssyncadd.s32 $0xFFFFE0C0;
	(ifvalue) =	ssetifvalue $0x7FFFFFFF;
	v0 =	vld.msk [tilespmem:s14+$0x0 ss:$0x1], $0xffff;
	_ =	sdelay $0x4  }
0x2e: {  	s15 =	sadd.s32 $0x10, s14;
	vm1 =	vgt.s32 v0, $0x0  }
0x2f: {  	v2 =	vld.msk [tilespmem:s15+$0x0 ss:$0x1], $0xffff;
	v1 =	vnsel vm1, $0x0, v0  }
0x30: {  	v1 =	vmin.u32 v1, $0x4E1FF;
	_ =	sdelay $0x2  }
0x31: {  	s17 =	simm.s32 $0x20;
	s14 =	sadd.s32 $0x3E80, s14;
	s16 =	sadd.s32 $0x10, s15  }
0x32: {  	s15 =	sadd.s32 $0x10, s14;
	s18 =	smov.u32 s14;
	v0 =	vld.msk [tilespmem:s16+$0x0 ss:$0x1], $0xffff;
	vm1 =	vgt.s32 v2, $0x0;
	(ifvalue) =	ssetifvalue $0x7FFFFFFF  }
.LBB2_3:
0x33: {  	[tilespmem:s18], [sflag:$0x1] =	stream.indirect_vreg.gather [hbm4b:s2+s10], $0x1, v1, vm0, $0x4038;
	[tilespmem:$0x7D00] =	vst v63  }
0x34: {  	s17 =	sadd.s32 $0x10, s17  }
0x35: {  	v2 =	vnsel vm1, $0x0, v2;
	p0 =	slt.u32 s17, $0x1F30  }
.Ltmp3:
0x36: {  	s18 =	smov.u32 s15;
	v1 =	vmin.u32 v2, $0x4E1FF;
	(pc) =	sbr.rel @p0 .LBB2_3-.Ltmp3, $3  }
0x37: {  	_ =	sdelay $0x1  }
0x38: {  	s16 =	sadd.s32 $0x10, s16  }
0x39: {  	vm1 =	vgt.s32 v0, $0x0;
	s15 =	sadd.s32 $0x10, s15;
	v2 =	vmov v0;
	(ifvalue) =	ssetifvalue $0x7FFFFFFF;
	v0 =	vld.msk [tilespmem:s16+$0x0 ss:$0x1], $0xffff  }
.Ltmp4:
0x3a: {  	_ = 	snop;
	(pc) =	sbr.rel .LBB2_4-.Ltmp4, $1  }
0x3b: {  	_ =	sdelay $0x3  }
.LBB2_6:
0x3c: {  	_ =	sfence.sel $0x180000  }
0x3d: {  	s2 =	simm.s32 $0x2;
	[bflag:$0x0] =	sbarrier.arrive $0xFFFF  }
0x3e: {  	s30 =	simm.s32 $0x3;
	[sflag:s2] =	ssyncpa.u1 $0x1  }
0x3f: {  	s31 =	simm.s32 $0x1;
	[sflag:s30] =	ssyncpa.u1 $0x1  }
0x40: {  	[sflag:s31] =	ssyncpa.u1 $0x1  }
0x41: {  	p0 =	sne.s32 s1, $0x0;
	_ =	strace $0x90000047  }
0x42: {  	s0 =	sadd.s32 @!p0 $0x100000, s0;
	[bflag:$0x2] =	sbarrier.arrive $0xFFFF  }
0x43: {  	[sflag:s0] =	ssyncadd.tile.s32 @!p0 $0x1;
	_ =	shalt  }
.Lfunc_end2:
_tile_overlayer_lowered:
.L_overlay_start_2:
0x44: {  	(tag) =	ssettag $0x2  }
0x45: {  	s0 =	rddreg [dreg:$0x0];
	s2 =	stileid.u32  }
0x46: {  	s1 =	rddreg [dreg:$0x1];
	p0 =	sne.s32 s2, $0x0  }
0x47: {  	s3 =	rddreg [dreg:$0x2];
	[bflag:$0x3] =	sbarrier.arrive $0xFFFF;
	s2 =	simm.s32 @!p0 $0x1C01  }
0x48: {  	[timem:s3], [sflag:s2] =	dma.local @!p0 [hbm:s0], s1  }
0x49: {  	s0 =	simm.s32 @!p0 $0x1  }
0x4a: {  	_ =	swait.ge @!p0 [sflag:s0], s1  }
0x4b: {  	s1 =	ssub.s32 @!p0 $0x0, s1;
	[sflag:s0] =	ssyncset.done @!p0 $0x0  }
0x4c: {  	[sflag:s0] =	ssyncadd.s32 @!p0 s1  }
0x4d: {  	[bflag:$0x3] =	sbarrier.arrive $0xFFFF  }
0x4e: {  	_ =	shalt  }

// kernel: gather_offload_async_start.3
scs
__scs_entry_jumppad:
0x0: {  	(pc) =	sbr.rel $0x88, $3  }
0x1: {  	(tag) =	ssettag $0x0;
	lr =	simm.s32 $0x1  }
0x2: {  	[smem:$0x3F96] =	sst lr;
	_ =	strace $0xD0000000  }
0x3: {  	_ = 	snop  }
0x4: {  	_ = 	snop  }
0x5: {  	_ = 	snop  }
0x6: {  	_ = 	snop  }
0x7: {  	_ = 	snop  }
__scs_overlays_trampoline_lowered:
0x8: {  	[smem:$0x3FA5] =	sst s0  }
0x9: {  	[smem:$0x3FA6] =	sst s1  }
0xa: {  	[smem:$0x3FA7] =	sst s2  }
0xb: {  	[smem:$0x3FA8] =	sst s3  }
0xc: {  	[smem:$0x3FA9] =	sst s4  }
0xd: {  	[smem:$0x3FAA] =	sst s5  }
0xe: {  	[smem:$0x3FAB] =	sst s6  }
0xf: {  	[smem:$0x3FAC] =	sst s7  }
0x10: {  	[smem:$0x3FAD] =	sst s8  }
0x11: {  	[smem:$0x3FAE] =	sst s9;
	s0 =	simm.s32 @!p0 $0x0  }
0x12: {  	s1 =	sld [smem:$0x3F94];
	s0 =	simm.s32 @p0 $0x1  }
0x13: {  	[smem:$0x3FAF] =	sst s0;
	s0 =	simm.s32 @!p1 $0x0  }
0x14: {  	s2 =	sld [smem:$0x3F93];
	s0 =	simm.s32 @p1 $0x1  }
0x15: {  	[smem:$0x3FB0] =	sst s0;
	s0 =	simm.s32 @!p2 $0x0  }
0x16: {  	s3 =	sld [smem:$0x3FDB];
	s0 =	simm.s32 @p2 $0x1  }
0x17: {  	s4 =	simm.s32 $0x1BF5;
	[smem:$0x3FB2] =	sst s0  }
0x18: {  	s0 =	sld [smem:$0x3F95];
	_ =	swait.ge [sflag:s4], $0x0  }
0x19: {  	s7 =	sld [smem:$0x3F96]  }
0x1a: {  	s8 =	sadd.s32 $0xFFFFE003, lr  }
0x1b: {  	s9 =	sadd.s32 $0xFFFFFEF7, lr;
	s5 =	simm.s32 $0xFFFFFFFF;
	p2 =	slt.u32 s8, $0xFFFFF086  }
0x1c: {  	p1 =	slt.u32 s9, $0xF7A;
	s5 =	simm.s32 @!p2 $0x0  }
0x1d: {  	s5 =	simm.s32 @p1 $0x1;
	p0 =	seq.s32 s7, s2  }
0x1e: {  	s7 =	smul.u32 @!p0 $0xF7A, s2;
	p2 =	seq.s32 @!p0 s5, $0x0  }
0x1f: {  	s9 =	smul.u32 $0xF7A, s1;
	s8 =	simm.s32 @!p0 $0x1BF5;
	p2 =	por !p2, p0  }
0x20: {  	[sflag:s8] =	ssyncset.s32 @!p0 $0xFFFFF086;
	s6 =	sadd.s32 @!p0 s3, s7;
	s7 =	simm.s32 @!p0 $0x108  }
0x21: {  	s3 =	sadd.s32 s3, s9;
	s6 =	sadd.s32 @!p0 $0x88, s6;
	s7 =	simm.s32 @p2 $0x1082  }
0x22: {  	[simem:s7], [sflag:s8] =	dma.local @!p0 [hbm:s6], $0xF7A  }
0x23: {  	s9 =	sor.u32 $0xD0000000, s2;
	s6 =	simm.s32 $0x108;
	_ =	swait.ge @!p0 [sflag:s8], $0x0  }
0x24: {  	s3 =	sadd.s32 $0x88, s3;
	s6 =	simm.s32 @!p1 $0x1082;
	[sflag:s4] =	ssyncset.s32 $0xFFFFF086  }
0x25: {  	[simem:s6], [sflag:s4] =	dma.local [hbm:s3], $0xF7A  }
0x26: {  	[smem:$0x3F96] =	sst s1;
	(tag) =	ssettag s2;
	_ =	strace s9  }
0x27: {  	s1 =	sld [smem:$0x3FA6]  }
0x28: {  	s2 =	sld [smem:$0x3FA7]  }
0x29: {  	s4 =	sld [smem:$0x3FA9]  }
0x2a: {  	p0 =	seq.s32 s5, $0x0;
	s5 =	sld [smem:$0x3FAA]  }
0x2b: {  	s6 =	sld [smem:$0x3FAB]  }
0x2c: {  	s7 =	sld [smem:$0x3FAC]  }
0x2d: {  	s3 =	simm.s32 $0x108;
	s8 =	sld [smem:$0x3FAD]  }
0x2e: {  	s3 =	simm.s32 @!p0 $0x1082;
	s9 =	sld [smem:$0x3FAE]  }
0x2f: {  	lr =	sadd.s32 s0, s3;
	s0 =	sld [smem:$0x3FA5]  }
0x30: {  	s3 =	sld [smem:$0x3FA8]  }
0x31: {  	[smem:$0x3FB1] =	sst s10  }
0x32: {  	s10 =	sld [smem:$0x3FAF];
	_ =	sdelay $0x3  }
0x33: {  	p0 =	seq.s32 s10, $0x1;
	s10 =	sld [smem:$0x3FB1];
	_ =	sdelay $0x3  }
0x34: {  	[smem:$0x3FB1] =	sst s10  }
0x35: {  	s10 =	sld [smem:$0x3FB0];
	_ =	sdelay $0x3  }
0x36: {  	p1 =	seq.s32 s10, $0x1;
	s10 =	sld [smem:$0x3FB1];
	_ =	sdelay $0x3  }
0x37: {  	[smem:$0x3FB1] =	sst s10  }
0x38: {  	s10 =	sld [smem:$0x3FB2]  }
0x39: {  	_ = 	snop;
	(pc) =	sbr.ind lr, $3  }
0x3a: {  	_ = 	snop  }
0x3b: {  	_ = 	snop  }
0x3c: {  	p2 =	seq.s32 s10, $0x1;
	s10 =	sld [smem:$0x3FB1]  }
0x3d: {  	_ =	shalt  }
0x3e: {  	_ =	shalt  }
0x3f: {  	_ =	shalt  }
0x40: {  	_ =	shalt  }
0x41: {  	_ =	shalt  }
0x42: {  	_ =	shalt  }
0x43: {  	_ =	shalt  }
0x44: {  	_ =	shalt  }
0x45: {  	_ =	shalt  }
0x46: {  	_ =	shalt  }
0x47: {  	_ =	shalt  }
0x48: {  	_ =	shalt  }
0x49: {  	_ =	shalt  }
0x4a: {  	_ =	shalt  }
0x4b: {  	_ =	shalt  }
0x4c: {  	_ =	shalt  }
0x4d: {  	_ =	shalt  }
0x4e: {  	_ =	shalt  }
0x4f: {  	_ =	shalt  }
0x50: {  	_ =	shalt  }
0x51: {  	_ =	shalt  }
0x52: {  	_ =	shalt  }
0x53: {  	_ =	shalt  }
0x54: {  	_ =	shalt  }
0x55: {  	_ =	shalt  }
0x56: {  	_ =	shalt  }
0x57: {  	_ =	shalt  }
0x58: {  	_ =	shalt  }
0x59: {  	_ =	shalt  }
0x5a: {  	_ =	shalt  }
0x5b: {  	_ =	shalt  }
0x5c: {  	_ =	shalt  }
0x5d: {  	_ =	shalt  }
0x5e: {  	_ =	shalt  }
0x5f: {  	_ =	shalt  }
0x60: {  	_ =	shalt  }
0x61: {  	_ =	shalt  }
0x62: {  	_ =	shalt  }
0x63: {  	_ =	shalt  }
0x64: {  	_ =	shalt  }
0x65: {  	_ =	shalt  }
0x66: {  	_ =	shalt  }
0x67: {  	_ =	shalt  }
0x68: {  	_ =	shalt  }
0x69: {  	_ =	shalt  }
0x6a: {  	_ =	shalt  }
0x6b: {  	_ =	shalt  }
0x6c: {  	_ =	shalt  }
0x6d: {  	_ =	shalt  }
0x6e: {  	_ =	shalt  }
0x6f: {  	_ =	shalt  }
0x70: {  	_ =	shalt  }
0x71: {  	_ =	shalt  }
0x72: {  	_ =	shalt  }
0x73: {  	_ =	shalt  }
0x74: {  	_ =	shalt  }
0x75: {  	_ =	shalt  }
0x76: {  	_ =	shalt  }
0x77: {  	_ =	shalt  }
0x78: {  	_ =	shalt  }
0x79: {  	_ =	shalt  }
0x7a: {  	_ =	shalt  }
0x7b: {  	_ =	shalt  }
0x7c: {  	_ =	shalt  }
0x7d: {  	_ =	shalt  }
0x7e: {  	_ =	shalt  }
0x7f: {  	_ =	shalt  }
0x80: {  	_ =	shalt  }
0x81: {  	_ =	shalt  }
0x82: {  	_ =	shalt  }
0x83: {  	_ =	shalt  }
0x84: {  	_ =	shalt  }
0x85: {  	_ =	shalt  }
0x86: {  	_ =	shalt  }
0x87: {  	_ =	shalt  }
.Lfunc_end0:
.L_simem_size_0:
called_computation.3_lowered:
.L_overlay_start_0:
0x88: {  	s2 =	sld [smem:$0x3FD9]  }
0x89: {  	s3 =	sld [smem:$0x3FFE];
	_ =	sdelay $0x1  }
0x8a: {  	s1 =	srdreg.scid  }
0x8b: {  	s0 =	sand.u32 $0x1, s1  }
0x8c: {  	s17 =	sshll.u32 s0, $0xA;
	s2 =	sadd.s32 s3, s2  }
0x8d: {  	s2 =	sadd.s32 s2, s17  }
0x8e: {  	[smem:$0x3FBD] =	sst s2  }
0x8f: {  	_ = 	snop  }
0x90: {  	(tm) =	ssettm $0x1  }
0x91: {  	s18 =	sld [smem:$0x3FFB];
	_ =	sdelay $0x3  }
0x92: {  	_ =	strace s18  }
0x93: {  	s2 =	sld [smem:$0x3FFC];
	_ =	sdelay $0x3  }
0x94: {  	_ =	strace s2  }
0x95: {  	s2 =	sld [smem:$0x3FFD];
	_ =	sdelay $0x3  }
0x96: {  	_ =	strace s2  }
0x97: {  	_ =	strace $0x8FFFFFFF  }
0x98: {  	s19 =	sld [smem:$0x3FDB];
	_ =	sdelay $0x1  }
0x99: {  	s20 =	simm.s32 $_scs_section_size  }
0x9a: {  	s4 =	simm.s32 $_size__tile_overlayer_lowered;
	s5 =	simm.s32 $_tile_overlayer_lowered  }
0x9b: {  	s6 =	simm.s32 $0x1BFF;
	s21 =	sshll.u32 s5, $0x1;
	s3 =	sadd.s32 s20, s19  }
0x9c: {  	s22 =	simm.s32 $0x0;
	s4 =	sshll.u32 s4, $0x1;
	s5 =	sadd.s32 s21, s3  }
0x9d: {  	[timem:s22], [sflag:s6] =	dma.local [hbm:s5], s4  }
0x9e: {  	_ =	swait.ge [sflag:s6], s4  }
0x9f: {  	s4 =	ssub.s32 $0x0, s4;
	[sflag:s6] =	ssyncset.done $0x0  }
0xa0: {  	[sflag:s6] =	ssyncadd.s32 s4;
	_ =	sdelay $0x1  }
0xa1: {  	s23 =	simm.s32 $0x1B8B  }
0xa2: {  	_ =	swait.ge [sflag:s23], $0x1  }
0xa3: {  	[sflag:s23] =	ssyncset.done $0x0  }
0xa4: {  	[sflag:s23] =	ssyncadd.s32 $0xFFFFFFFF  }
0xa5: {  	s4 =	sld [smem:$0x0]  }
0xa6: {  	s5 =	sand.u32 $0xFFFFFFFE, s1  }
0xa7: {  	p0 =	sne.s32 s1, s5  }
0xa8: {  	s5 =	sshll.u32 @p0 s5, $0xE  }
0xa9: {  	s5 =	sadd.s32 @p0 $0x11B8D, s5;
	s6 =	sshll.u32 @p0 s4, $0x11  }
0xaa: {  	s5 =	sor.u32 @p0 s6, s5  }
0xab: {  	[sflag:s5] =	ssyncadd.remote.s32 @p0 $0x1;
	_ =	sdelay $0x1  }
0xac: {  	s5 =	simm.s32 @p0 $0x1B8D  }
0xad: {  	_ =	swait.eq @p0 [sflag:s5], $0x1  }
0xae: {  	[sflag:s5] =	ssyncadd.s32 @p0 $0xFFFFFFFF  }
0xaf: {  	s6 =	sshll.u32 @!p0 s1, $0xE  }
0xb0: {  	s6 =	sor.u32 @!p0 $0x4000, s6;
	s5 =	simm.s32 @!p0 $0x1B8D  }
0xb1: {  	s4 =	sshll.u32 @!p0 s4, $0x11;
	s6 =	sadd.s32 @!p0 $0x11B8D, s6;
	_ =	swait.eq @!p0 [sflag:s5], $0x1  }
0xb2: {  	s4 =	sor.u32 @!p0 s4, s6;
	[sflag:s5] =	ssyncadd.s32 @!p0 $0xFFFFFFFF  }
0xb3: {  	s25 =	simm.s32 $0x1B8E;
	s24 =	sld [smem:$0x3FFE];
	[sflag:s4] =	ssyncadd.remote.s32 @!p0 $0x1  }
0xb4: {  	s26 =	simm.s32 $execute0_lowered;
	[smem:$0x3FD2] =	sst s25  }
0xb5: {  	s5 =	sshll.u32 s26, $0x1;
	_ =	strace $0x80000049;
	[dreg:$0x1] =	wrdreg $0xFFFFFFFF  }
0xb6: {  	s28 =	simm.s32 $_size_execute0_lowered;
	s3 =	sadd.s32 s3, s5;
	[dreg:$0x0] =	wrdreg $0x0  }
0xb7: {  	s5 =	sshll.u32 s28, $0x1;
	[dreg:$0x2] =	wrdreg s3  }
0xb8: {  	[dreg:$0x3] =	wrdreg s5  }
0xb9: {  	[dreg:$0x4] =	wrdreg $0xC0  }
0xba: {  	_ =	task [dreg:s22], $0x5FFFF  }
0xbb: {  	[dreg:$0x1] =	wrdreg $0xFFFFFFFF  }
0xbc: {  	[dreg:$0x0] =	wrdreg $0x60  }
0xbd: {  	[dreg:$0x2] =	wrdreg s24  }
0xbe: {  	[dreg:$0x3] =	wrdreg $0xA  }
0xbf: {  	_ =	task.clear_ibuf [dreg:s22], $0x4FFFF;
	_ =	strace $0x90000049  }
0xc0: {  	s29 =	simm.s32 $0xA;
	_ =	strace $0x8000004B  }
0xc1: {  	_ =	swait.ge [sflag:s29], $0x1  }
0xc2: {  	[sflag:s29] =	ssyncadd.s32 $0xFFFFFFFF  }
0xc3: {  	_ =	strace $0x9000004B  }
0xc4: {  	_ =	sfence  }
0xc5: {  	s30 =	sld [smem:$0x0];
	_ =	sdelay $0x2  }
0xc6: {  	s31 =	sshll.u32 s1, $0xD;
	s1 =	sshrl.u32 s1, $0x2  }
0xc7: {  	s4 =	sand.u32 $0x4000, s31;
	s1 =	sadd.s32 s1, s30  }
0xc8: {  	s0 =	sor.u32 s4, s0;
	s1 =	sshll.u32 s1, $0x11  }
0xc9: {  	s0 =	sor.u32 s1, s0  }
0xca: {  	s0 =	sadd.s32 $0x8F2B, s0  }
0xcb: {  	[sflag:s0] =	ssyncadd.remote.s32 $0x1  }
0xcc: {  	_ =	sfence.sel $0xFFFF  }
0xcd: {  	[dreg:$0x0] =	wrdreg $0xFFFFFFFF;
	(pc) =	sbr.abs _section_cstart, $3  }
0xce: {  	[dreg:$0x1] =	wrdreg $0xFFFFFFFF  }
0xcf: {  	_ =	task.clear_ibuf [dreg:s22], $0x2FFFF;
	_ =	strace $0x9FFFFFFF  }
0xd0: {  	(tm) =	ssettm $0x7FFFFFFF  }
0xd1: {  	_ =	shalt  }
tec
execute0_lowered:
.L_overlay_start_1:
0x0: {  	(tag) =	ssettag $0x1  }
0x1: {  	s8 =	rddreg [dreg:$0x0]  }
0x2: {  	s0 =	rddreg [dreg:$0x1];
	_ =	strace $0x8000004A;
	s1 =	stileid.u32  }
0x3: {  	s3 =	srdreg.scid;
	s4 =	simm.s32 $0x1;
	s7 =	simm.s32 $0x1  }
0x4: {  	s9 =	simm.s32 $0x1;
	s10 =	simm.s32 $0x3;
	s13 =	simm.s32 $0x0  }
0x5: {  	s12 =	simm.s32 $0x0;
	s5 =	sand.u32 $0x1, s3;
	s6 =	sshll.u32 s1, $0x1  }
0x6: {  	s2 =	sadd.s32 $0x2C00, s8;
	s3 =	sadd.s32 $0x16800, s8;
	s5 =	sor.u32 s6, s5  }
.Ltmp0:
0x7: {  	[sflag:s4] =	ssyncpa.u1 $0x0;
	p0 =	slt.u32 s5, $0x9;
	(pc) =	sbr.rel .LBB2_1-.Ltmp0, $4  }
0x8: {  	s6 =	simm.s32 $0x2;
	s7 =	simm.s32 @!p0 $0x0;
	p0 =	sne.s32 s5, $0x8  }
0x9: {  	[sflag:s6] =	ssyncpa.u1 $0x0;
	s5 =	smul.u32 $0x1F40, s5;
	s9 =	simm.s32 @!p0 $0x0  }
0xa: {  	s8 =	sadd.s32 $0x2A400, s8;
	[sflag:s10] =	ssyncpa.u1 $0x0;
	s7 =	sadd.s32 s9, s7  }
0xb: {  	vm0 =	vmmov $0xffff;
	s10 =	simm.s32 $0x0;
	s11 =	smov.u32 s5;
	s9 =	sadd.s32 $0x1, s7  }
.LBB2_4:
0xc: {  	v2 =	vnsel vm1, $0x0, v2  }
0xd: {  	vm1 =	vgt.s32 v0, $0x0;
	v2 =	vmin.u32 v2, $0x4E1FF  }
0xe: {  	v0 =	vnsel vm1, $0x0, v0  }
0xf: {  	v0 =	vmin.u32 v0, $0x4E1FF  }
0x10: {  	[tilespmem:s18], [sflag:$0x1] =	stream.indirect_vreg.gather [hbm4b:s2+s10], $0x1, v1, vm0, $0x4038;
	[tilespmem:$0x7D00] =	vst v63  }
0x11: {  	(ifvalue) =	ssetifvalue $0x7FFFFFFF  }
0x12: {  	[tilespmem:s15], [sflag:$0x1] =	stream.indirect_vreg.gather [hbm4b:s2+s10], $0x1, v2, vm0, $0x4038;
	[tilespmem:$0x7D00] =	vst v63  }
0x13: {  	s29 =	sadd.s32 $0x10, s15;
	(ifvalue) =	ssetifvalue $0x7FFFFFFF  }
0x14: {  	[tilespmem:s29], [sflag:$0x1] =	stream.indirect_vreg.gather [hbm4b:s2+s10], $0x1, v0, vm0, $0x4038;
	[tilespmem:$0x7D00] =	vst v63  }
0x15: {  	_ =	swait.ge [sflag:s4], $0x1F40  }
0x16: {  	s30 =	sshrl.u32 s13, $0x3;
	[sflag:s4] =	ssyncset.done $0x0  }
0x17: {  	s31 =	sand.u32 $0x7, s13;
	s15 =	sadd.s32 s8, s30;
	[sflag:s4] =	ssyncadd.s32 $0xFFFFE0C0  }
0x18: {  	[hbm4b:s15+s31] =	stream.linear.scatter [tilespmem:s14], [sflag:$0x3], $0x1F40, $0x38;
	[tilespmem:$0x7D00] =	vst v63  }
.LBB2_5:
0x19: {  	s15 =	sadd.s32 $0x3E800, s11  }
0x1a: {  	p1 =	sgt.s32 s15, $0x4E1FF  }
0x1b: {  	s15 =	smov.u32 @p1 s5;
	p1 =	sne.s32 s12, s9  }
.Ltmp1:
0x1c: {  	p0 =	slt.u32 s12, $0x2;
	(pc) =	sbr.rel @!p1 .LBB2_6-.Ltmp1, $4  }
0x1d: {  	s14 =	simm.s32 @!p0 $0x3  }
0x1e: {  	_ =	swait.ge @!p0 [sflag:s14], $0x1F40  }
0x1f: {  	s16 =	sadd.s32 $0x1, s12;
	s13 =	smov.u32 s11;
	[sflag:s14] =	ssyncset.done @!p0 $0x0  }
0x20: {  	s12 =	smov.u32 s16;
	s11 =	smov.u32 s15;
	[sflag:s14] =	ssyncadd.s32 @!p0 $0xFFFFE0C0  }
.LBB2_1:
0x21: {  	p0 =	sge.u32 s12, s7  }
0x22: {  	s14 =	sxor.u32 @!p0 $0x1, s12  }
0x23: {  	s14 =	smul.u32 @!p0 $0x7D00, s14  }
0x24: {  	s31 =	sadd.s32 $0xFFFFFFFF, s12;
	s15 =	sshrl.u32 @!p0 s11, $0x3  }
0x25: {  	s16 =	sand.u32 @!p0 $0x7, s11;
	s15 =	sadd.s32 @!p0 s3, s15;
	s14 =	sshra.s32 @!p0 s14, $0x2  }
0x26: {  	[tilespmem:s14], [sflag:$0x2] =	stream.linear.gather @!p0 [hbm4b:s15+s16], $0x1F40, $0x38;
	[tilespmem:$0x7D00] =	vst v63  }
0x27: {  	p0 =	sge.u32 s31, s7  }
.Ltmp2:
0x28: {  	_ = 	snop;
	(pc) =	sbr.rel @p0 .LBB2_5-.Ltmp2, $1  }
0x29: {  	_ =	sdelay $0x3  }
0x2a: {  	s14 =	sand.u32 $0x1, s12  }
0x2b: {  	_ =	swait.ge [sflag:s6], $0x1F40;
	p0 =	seq.s32 s14, $0x1;
	s14 =	simm.s32 $0x1F40  }
0x2c: {  	[sflag:s6] =	ssyncset.done $0x0;
	s14 =	simm.s32 @!p0 $0x0  }
0x2d: {  	[sflag:s6] =	ssyncadd.s32 $0xFFFFE0C0;
	(ifvalue) =	ssetifvalue $0x7FFFFFFF;
	v0 =	vld.msk [tilespmem:s14+$0x0 ss:$0x1], $0xffff;
	_ =	sdelay $0x4  }
0x2e: {  	s15 =	sadd.s32 $0x10, s14;
	vm1 =	vgt.s32 v0, $0x0  }
0x2f: {  	v2 =	vld.msk [tilespmem:s15+$0x0 ss:$0x1], $0xffff;
	v1 =	vnsel vm1, $0x0, v0  }
0x30: {  	v1 =	vmin.u32 v1, $0x4E1FF;
	_ =	sdelay $0x2  }
0x31: {  	s17 =	simm.s32 $0x20;
	s14 =	sadd.s32 $0x3E80, s14;
	s16 =	sadd.s32 $0x10, s15  }
0x32: {  	s15 =	sadd.s32 $0x10, s14;
	s18 =	smov.u32 s14;
	v0 =	vld.msk [tilespmem:s16+$0x0 ss:$0x1], $0xffff;
	vm1 =	vgt.s32 v2, $0x0;
	(ifvalue) =	ssetifvalue $0x7FFFFFFF  }
.LBB2_3:
0x33: {  	[tilespmem:s18], [sflag:$0x1] =	stream.indirect_vreg.gather [hbm4b:s2+s10], $0x1, v1, vm0, $0x4038;
	[tilespmem:$0x7D00] =	vst v63  }
0x34: {  	s17 =	sadd.s32 $0x10, s17  }
0x35: {  	v2 =	vnsel vm1, $0x0, v2;
	p0 =	slt.u32 s17, $0x1F30  }
.Ltmp3:
0x36: {  	s18 =	smov.u32 s15;
	v1 =	vmin.u32 v2, $0x4E1FF;
	(pc) =	sbr.rel @p0 .LBB2_3-.Ltmp3, $3  }
0x37: {  	_ =	sdelay $0x1  }
0x38: {  	s16 =	sadd.s32 $0x10, s16  }
0x39: {  	vm1 =	vgt.s32 v0, $0x0;
	s15 =	sadd.s32 $0x10, s15;
	v2 =	vmov v0;
	(ifvalue) =	ssetifvalue $0x7FFFFFFF;
	v0 =	vld.msk [tilespmem:s16+$0x0 ss:$0x1], $0xffff  }
.Ltmp4:
0x3a: {  	_ = 	snop;
	(pc) =	sbr.rel .LBB2_4-.Ltmp4, $1  }
0x3b: {  	_ =	sdelay $0x3  }
.LBB2_6:
0x3c: {  	_ =	sfence.sel $0x180000  }
0x3d: {  	s2 =	simm.s32 $0x2;
	[bflag:$0x0] =	sbarrier.arrive $0xFFFF  }
0x3e: {  	s30 =	simm.s32 $0x3;
	[sflag:s2] =	ssyncpa.u1 $0x1  }
0x3f: {  	s31 =	simm.s32 $0x1;
	[sflag:s30] =	ssyncpa.u1 $0x1  }
0x40: {  	[sflag:s31] =	ssyncpa.u1 $0x1  }
0x41: {  	p0 =	sne.s32 s1, $0x0;
	_ =	strace $0x9000004A  }
0x42: {  	s0 =	sadd.s32 @!p0 $0x100000, s0;
	[bflag:$0x2] =	sbarrier.arrive $0xFFFF  }
0x43: {  	[sflag:s0] =	ssyncadd.tile.s32 @!p0 $0x1;
	_ =	shalt  }
.Lfunc_end2:
_tile_overlayer_lowered:
.L_overlay_start_2:
0x44: {  	(tag) =	ssettag $0x2  }
0x45: {  	s0 =	rddreg [dreg:$0x0];
	s2 =	stileid.u32  }
0x46: {  	s1 =	rddreg [dreg:$0x1];
	p0 =	sne.s32 s2, $0x0  }
0x47: {  	s3 =	rddreg [dreg:$0x2];
	[bflag:$0x3] =	sbarrier.arrive $0xFFFF;
	s2 =	simm.s32 @!p0 $0x1C01  }
0x48: {  	[timem:s3], [sflag:s2] =	dma.local @!p0 [hbm:s0], s1  }
0x49: {  	s0 =	simm.s32 @!p0 $0x1  }
0x4a: {  	_ =	swait.ge @!p0 [sflag:s0], s1  }
0x4b: {  	s1 =	ssub.s32 @!p0 $0x0, s1;
	[sflag:s0] =	ssyncset.done @!p0 $0x0  }
0x4c: {  	[sflag:s0] =	ssyncadd.s32 @!p0 s1  }
0x4d: {  	[bflag:$0x3] =	sbarrier.arrive $0xFFFF  }
0x4e: {  	_ =	shalt  }

// kernel: gather_offload_async_start
scs
__scs_entry_jumppad:
0x0: {  	(pc) =	sbr.rel $0x88, $3  }
0x1: {  	(tag) =	ssettag $0x0;
	lr =	simm.s32 $0x1  }
0x2: {  	[smem:$0x3F96] =	sst lr;
	_ =	strace $0xD0000000  }
0x3: {  	_ = 	snop  }
0x4: {  	_ = 	snop  }
0x5: {  	_ = 	snop  }
0x6: {  	_ = 	snop  }
0x7: {  	_ = 	snop  }
__scs_overlays_trampoline_lowered:
0x8: {  	[smem:$0x3FA5] =	sst s0  }
0x9: {  	[smem:$0x3FA6] =	sst s1  }
0xa: {  	[smem:$0x3FA7] =	sst s2  }
0xb: {  	[smem:$0x3FA8] =	sst s3  }
0xc: {  	[smem:$0x3FA9] =	sst s4  }
0xd: {  	[smem:$0x3FAA] =	sst s5  }
0xe: {  	[smem:$0x3FAB] =	sst s6  }
0xf: {  	[smem:$0x3FAC] =	sst s7  }
0x10: {  	[smem:$0x3FAD] =	sst s8  }
0x11: {  	[smem:$0x3FAE] =	sst s9;
	s0 =	simm.s32 @!p0 $0x0  }
0x12: {  	s1 =	sld [smem:$0x3F94];
	s0 =	simm.s32 @p0 $0x1  }
0x13: {  	[smem:$0x3FAF] =	sst s0;
	s0 =	simm.s32 @!p1 $0x0  }
0x14: {  	s2 =	sld [smem:$0x3F93];
	s0 =	simm.s32 @p1 $0x1  }
0x15: {  	[smem:$0x3FB0] =	sst s0;
	s0 =	simm.s32 @!p2 $0x0  }
0x16: {  	s3 =	sld [smem:$0x3FDB];
	s0 =	simm.s32 @p2 $0x1  }
0x17: {  	s4 =	simm.s32 $0x1BF5;
	[smem:$0x3FB2] =	sst s0  }
0x18: {  	s0 =	sld [smem:$0x3F95];
	_ =	swait.ge [sflag:s4], $0x0  }
0x19: {  	s7 =	sld [smem:$0x3F96]  }
0x1a: {  	s8 =	sadd.s32 $0xFFFFE003, lr  }
0x1b: {  	s9 =	sadd.s32 $0xFFFFFEF7, lr;
	s5 =	simm.s32 $0xFFFFFFFF;
	p2 =	slt.u32 s8, $0xFFFFF086  }
0x1c: {  	p1 =	slt.u32 s9, $0xF7A;
	s5 =	simm.s32 @!p2 $0x0  }
0x1d: {  	s5 =	simm.s32 @p1 $0x1;
	p0 =	seq.s32 s7, s2  }
0x1e: {  	s7 =	smul.u32 @!p0 $0xF7A, s2;
	p2 =	seq.s32 @!p0 s5, $0x0  }
0x1f: {  	s9 =	smul.u32 $0xF7A, s1;
	s8 =	simm.s32 @!p0 $0x1BF5;
	p2 =	por !p2, p0  }
0x20: {  	[sflag:s8] =	ssyncset.s32 @!p0 $0xFFFFF086;
	s6 =	sadd.s32 @!p0 s3, s7;
	s7 =	simm.s32 @!p0 $0x108  }
0x21: {  	s3 =	sadd.s32 s3, s9;
	s6 =	sadd.s32 @!p0 $0x88, s6;
	s7 =	simm.s32 @p2 $0x1082  }
0x22: {  	[simem:s7], [sflag:s8] =	dma.local @!p0 [hbm:s6], $0xF7A  }
0x23: {  	s9 =	sor.u32 $0xD0000000, s2;
	s6 =	simm.s32 $0x108;
	_ =	swait.ge @!p0 [sflag:s8], $0x0  }
0x24: {  	s3 =	sadd.s32 $0x88, s3;
	s6 =	simm.s32 @!p1 $0x1082;
	[sflag:s4] =	ssyncset.s32 $0xFFFFF086  }
0x25: {  	[simem:s6], [sflag:s4] =	dma.local [hbm:s3], $0xF7A  }
0x26: {  	[smem:$0x3F96] =	sst s1;
	(tag) =	ssettag s2;
	_ =	strace s9  }
0x27: {  	s1 =	sld [smem:$0x3FA6]  }
0x28: {  	s2 =	sld [smem:$0x3FA7]  }
0x29: {  	s4 =	sld [smem:$0x3FA9]  }
0x2a: {  	p0 =	seq.s32 s5, $0x0;
	s5 =	sld [smem:$0x3FAA]  }
0x2b: {  	s6 =	sld [smem:$0x3FAB]  }
0x2c: {  	s7 =	sld [smem:$0x3FAC]  }
0x2d: {  	s3 =	simm.s32 $0x108;
	s8 =	sld [smem:$0x3FAD]  }
0x2e: {  	s3 =	simm.s32 @!p0 $0x1082;
	s9 =	sld [smem:$0x3FAE]  }
0x2f: {  	lr =	sadd.s32 s0, s3;
	s0 =	sld [smem:$0x3FA5]  }
0x30: {  	s3 =	sld [smem:$0x3FA8]  }
0x31: {  	[smem:$0x3FB1] =	sst s10  }
0x32: {  	s10 =	sld [smem:$0x3FAF];
	_ =	sdelay $0x3  }
0x33: {  	p0 =	seq.s32 s10, $0x1;
	s10 =	sld [smem:$0x3FB1];
	_ =	sdelay $0x3  }
0x34: {  	[smem:$0x3FB1] =	sst s10  }
0x35: {  	s10 =	sld [smem:$0x3FB0];
	_ =	sdelay $0x3  }
0x36: {  	p1 =	seq.s32 s10, $0x1;
	s10 =	sld [smem:$0x3FB1];
	_ =	sdelay $0x3  }
0x37: {  	[smem:$0x3FB1] =	sst s10  }
0x38: {  	s10 =	sld [smem:$0x3FB2]  }
0x39: {  	_ = 	snop;
	(pc) =	sbr.ind lr, $3  }
0x3a: {  	_ = 	snop  }
0x3b: {  	_ = 	snop  }
0x3c: {  	p2 =	seq.s32 s10, $0x1;
	s10 =	sld [smem:$0x3FB1]  }
0x3d: {  	_ =	shalt  }
0x3e: {  	_ =	shalt  }
0x3f: {  	_ =	shalt  }
0x40: {  	_ =	shalt  }
0x41: {  	_ =	shalt  }
0x42: {  	_ =	shalt  }
0x43: {  	_ =	shalt  }
0x44: {  	_ =	shalt  }
0x45: {  	_ =	shalt  }
0x46: {  	_ =	shalt  }
0x47: {  	_ =	shalt  }
0x48: {  	_ =	shalt  }
0x49: {  	_ =	shalt  }
0x4a: {  	_ =	shalt  }
0x4b: {  	_ =	shalt  }
0x4c: {  	_ =	shalt  }
0x4d: {  	_ =	shalt  }
0x4e: {  	_ =	shalt  }
0x4f: {  	_ =	shalt  }
0x50: {  	_ =	shalt  }
0x51: {  	_ =	shalt  }
0x52: {  	_ =	shalt  }
0x53: {  	_ =	shalt  }
0x54: {  	_ =	shalt  }
0x55: {  	_ =	shalt  }
0x56: {  	_ =	shalt  }
0x57: {  	_ =	shalt  }
0x58: {  	_ =	shalt  }
0x59: {  	_ =	shalt  }
0x5a: {  	_ =	shalt  }
0x5b: {  	_ =	shalt  }
0x5c: {  	_ =	shalt  }
0x5d: {  	_ =	shalt  }
0x5e: {  	_ =	shalt  }
0x5f: {  	_ =	shalt  }
0x60: {  	_ =	shalt  }
0x61: {  	_ =	shalt  }
0x62: {  	_ =	shalt  }
0x63: {  	_ =	shalt  }
0x64: {  	_ =	shalt  }
0x65: {  	_ =	shalt  }
0x66: {  	_ =	shalt  }
0x67: {  	_ =	shalt  }
0x68: {  	_ =	shalt  }
0x69: {  	_ =	shalt  }
0x6a: {  	_ =	shalt  }
0x6b: {  	_ =	shalt  }
0x6c: {  	_ =	shalt  }
0x6d: {  	_ =	shalt  }
0x6e: {  	_ =	shalt  }
0x6f: {  	_ =	shalt  }
0x70: {  	_ =	shalt  }
0x71: {  	_ =	shalt  }
0x72: {  	_ =	shalt  }
0x73: {  	_ =	shalt  }
0x74: {  	_ =	shalt  }
0x75: {  	_ =	shalt  }
0x76: {  	_ =	shalt  }
0x77: {  	_ =	shalt  }
0x78: {  	_ =	shalt  }
0x79: {  	_ =	shalt  }
0x7a: {  	_ =	shalt  }
0x7b: {  	_ =	shalt  }
0x7c: {  	_ =	shalt  }
0x7d: {  	_ =	shalt  }
0x7e: {  	_ =	shalt  }
0x7f: {  	_ =	shalt  }
0x80: {  	_ =	shalt  }
0x81: {  	_ =	shalt  }
0x82: {  	_ =	shalt  }
0x83: {  	_ =	shalt  }
0x84: {  	_ =	shalt  }
0x85: {  	_ =	shalt  }
0x86: {  	_ =	shalt  }
0x87: {  	_ =	shalt  }
.Lfunc_end0:
.L_simem_size_0:
called_computation_lowered:
.L_overlay_start_0:
0x88: {  	s0 =	sld [smem:$0x3FD9]  }
0x89: {  	s1 =	sld [smem:$0x3FFE];
	_ =	sdelay $0x3  }
0x8a: {  	s0 =	sadd.s32 s1, s0  }
0x8b: {  	[smem:$0x3FBD] =	sst s0  }
0x8c: {  	_ = 	snop  }
0x8d: {  	(tm) =	ssettm $0x1  }
0x8e: {  	s15 =	sld [smem:$0x3FFB];
	_ =	sdelay $0x3  }
0x8f: {  	_ =	strace s15  }
0x90: {  	s0 =	sld [smem:$0x3FFC];
	_ =	sdelay $0x3  }
0x91: {  	_ =	strace s0  }
0x92: {  	s0 =	sld [smem:$0x3FFD];
	_ =	sdelay $0x3  }
0x93: {  	_ =	strace s0  }
0x94: {  	_ =	strace $0x8FFFFFFF  }
0x95: {  	s16 =	sld [smem:$0x3FDB];
	_ =	sdelay $0x1  }
0x96: {  	s17 =	simm.s32 $_scs_section_size  }
0x97: {  	s2 =	simm.s32 $_size__tile_overlayer_lowered;
	s3 =	simm.s32 $_tile_overlayer_lowered  }
0x98: {  	s20 =	simm.s32 $0x1BFF;
	s19 =	sshll.u32 s3, $0x1;
	s0 =	sadd.s32 s17, s16  }
0x99: {  	s4 =	simm.s32 $0x0;
	s18 =	sshll.u32 s2, $0x1;
	s2 =	sadd.s32 s19, s0  }
0x9a: {  	[timem:s4], [sflag:s20] =	dma.local [hbm:s2], s18  }
0x9b: {  	_ =	swait.ge [sflag:s20], s18  }
0x9c: {  	s1 =	ssub.s32 $0x0, s18;
	[sflag:s20] =	ssyncset.done $0x0  }
0x9d: {  	[sflag:s20] =	ssyncadd.s32 s1;
	_ =	sdelay $0x1  }
0x9e: {  	s21 =	simm.s32 $0x1B8B  }
0x9f: {  	_ =	swait.ge [sflag:s21], $0x1  }
0xa0: {  	[sflag:s21] =	ssyncset.done $0x0  }
0xa1: {  	s23 =	simm.s32 $0x1B8E;
	s22 =	sld [smem:$0x3FFE];
	[sflag:s21] =	ssyncadd.s32 $0xFFFFFFFF  }
0xa2: {  	s24 =	simm.s32 $execute0_lowered;
	[smem:$0x3FD2] =	sst s23  }
0xa3: {  	s2 =	sshll.u32 s24, $0x1;
	_ =	strace $0x80000052;
	[dreg:$0x1] =	wrdreg $0xFFFFFFFF  }
0xa4: {  	s25 =	simm.s32 $_size_execute0_lowered;
	s0 =	sadd.s32 s0, s2;
	[dreg:$0x0] =	wrdreg $0x0  }
0xa5: {  	s2 =	sshll.u32 s25, $0x1;
	[dreg:$0x2] =	wrdreg s0  }
0xa6: {  	[dreg:$0x3] =	wrdreg s2  }
0xa7: {  	[dreg:$0x4] =	wrdreg $0xC0  }
0xa8: {  	_ =	task [dreg:s4], $0x5FFFF  }
0xa9: {  	[dreg:$0x1] =	wrdreg $0xFFFFFFFF  }
0xaa: {  	[dreg:$0x0] =	wrdreg $0x60  }
0xab: {  	[dreg:$0x2] =	wrdreg s22  }
0xac: {  	[dreg:$0x3] =	wrdreg $0x9  }
0xad: {  	_ =	task.clear_ibuf [dreg:s4], $0x4FFFF;
	_ =	strace $0x90000052  }
0xae: {  	s26 =	simm.s32 $0x9;
	_ =	strace $0x80000054  }
0xaf: {  	_ =	swait.ge [sflag:s26], $0x1  }
0xb0: {  	[sflag:s26] =	ssyncadd.s32 $0xFFFFFFFF  }
0xb1: {  	_ =	strace $0x90000054  }
0xb2: {  	_ =	sfence  }
0xb3: {  	s28 =	sld [smem:$0x0];
	_ =	sdelay $0x1  }
0xb4: {  	s29 =	srdreg.scid  }
0xb5: {  	s30 =	sshll.u32 s29, $0xD;
	s31 =	sshrl.u32 s29, $0x2  }
0xb6: {  	s1 =	sand.u32 $0x1, s29;
	s2 =	sand.u32 $0x4000, s30;
	s0 =	sadd.s32 s31, s28  }
0xb7: {  	s1 =	sor.u32 s2, s1;
	s0 =	sshll.u32 s0, $0x11  }
0xb8: {  	s0 =	sor.u32 s0, s1  }
0xb9: {  	s0 =	sadd.s32 $0x8F2B, s0  }
0xba: {  	[sflag:s0] =	ssyncadd.remote.s32 $0x1  }
0xbb: {  	_ =	sfence.sel $0xFFFF  }
0xbc: {  	[dreg:$0x0] =	wrdreg $0xFFFFFFFF;
	(pc) =	sbr.abs _section_cstart, $3  }
0xbd: {  	[dreg:$0x1] =	wrdreg $0xFFFFFFFF  }
0xbe: {  	_ =	task.clear_ibuf [dreg:s4], $0x2FFFF;
	_ =	strace $0x9FFFFFFF  }
0xbf: {  	(tm) =	ssettm $0x7FFFFFFF  }
tec
execute0_lowered:
.L_overlay_start_1:
0x0: {  	(tag) =	ssettag $0x1  }
0x1: {  	s8 =	rddreg [dreg:$0x0]  }
0x2: {  	s0 =	rddreg [dreg:$0x1];
	_ =	strace $0x80000053  }
0x3: {  	s4 =	simm.s32 $0x1;
	s1 =	stileid.u32;
	s7 =	simm.s32 $0x1  }
0x4: {  	s9 =	simm.s32 $0x1;
	s6 =	simm.s32 $0x2;
	s10 =	simm.s32 $0x3  }
0x5: {  	s13 =	simm.s32 $0x0;
	s12 =	simm.s32 $0x0;
	s2 =	sadd.s32 $0x20600, s8  }
.Ltmp0:
0x6: {  	s3 =	sadd.s32 $0x1B200, s8;
	p0 =	slt.u32 s1, $0xA;
	(pc) =	sbr.rel .LBB2_1-.Ltmp0, $4  }
0x7: {  	[sflag:s4] =	ssyncpa.u1 $0x0;
	s7 =	simm.s32 @!p0 $0x0;
	p0 =	sne.s32 s1, $0x9  }
0x8: {  	s5 =	smul.u32 $0x190, s1;
	[sflag:s6] =	ssyncpa.u1 $0x0;
	s9 =	simm.s32 @!p0 $0x0  }
0x9: {  	s8 =	sadd.s32 $0x1B800, s8;
	[sflag:s10] =	ssyncpa.u1 $0x0;
	s7 =	sadd.s32 s9, s7  }
0xa: {  	vm0 =	vmmov $0xffff;
	s10 =	simm.s32 $0x0;
	s11 =	smov.u32 s5;
	s9 =	sadd.s32 $0x1, s7  }
.LBB2_4:
0xb: {  	v2 =	vnsel vm1, $0x0, v2  }
0xc: {  	vm1 =	vgt.s32 v0, $0x0;
	v2 =	vmin.u32 v2, $0x4E1FF  }
0xd: {  	v0 =	vnsel vm1, $0x0, v0  }
0xe: {  	v0 =	vmin.u32 v0, $0x4E1FF  }
0xf: {  	[tilespmem:s18], [sflag:$0x1] =	stream.indirect_vreg.gather [hbm4b:s2+s10], $0x1, v1, vm0, $0x4038;
	[tilespmem:$0x640] =	vst v63  }
0x10: {  	(ifvalue) =	ssetifvalue $0x7FFFFFFF  }
0x11: {  	[tilespmem:s15], [sflag:$0x1] =	stream.indirect_vreg.gather [hbm4b:s2+s10], $0x1, v2, vm0, $0x4038;
	[tilespmem:$0x640] =	vst v63  }
0x12: {  	s29 =	sadd.s32 $0x10, s15;
	(ifvalue) =	ssetifvalue $0x7FFFFFFF  }
0x13: {  	[tilespmem:s29], [sflag:$0x1] =	stream.indirect_vreg.gather [hbm4b:s2+s10], $0x1, v0, vm0, $0x4038;
	[tilespmem:$0x640] =	vst v63  }
0x14: {  	_ =	swait.ge [sflag:s4], $0x190  }
0x15: {  	s30 =	sshrl.u32 s13, $0x3;
	[sflag:s4] =	ssyncset.done $0x0  }
0x16: {  	s31 =	sand.u32 $0x7, s13;
	s15 =	sadd.s32 s8, s30;
	[sflag:s4] =	ssyncadd.s32 $0xFFFFFE70  }
0x17: {  	[hbm4b:s15+s31] =	stream.linear.scatter [tilespmem:s14], [sflag:$0x3], $0x190, $0x38;
	[tilespmem:$0x640] =	vst v63  }
.LBB2_5:
0x18: {  	s15 =	sadd.s32 $0x1900, s11  }
0x19: {  	p1 =	sgt.s32 s15, $0x270F  }
0x1a: {  	s15 =	smov.u32 @p1 s5;
	p1 =	sne.s32 s12, s9  }
.Ltmp1:
0x1b: {  	p0 =	slt.u32 s12, $0x2;
	(pc) =	sbr.rel @!p1 .LBB2_6-.Ltmp1, $4  }
0x1c: {  	s14 =	simm.s32 @!p0 $0x3  }
0x1d: {  	_ =	swait.ge @!p0 [sflag:s14], $0x190  }
0x1e: {  	s16 =	sadd.s32 $0x1, s12;
	s13 =	smov.u32 s11;
	[sflag:s14] =	ssyncset.done @!p0 $0x0  }
0x1f: {  	s12 =	smov.u32 s16;
	s11 =	smov.u32 s15;
	[sflag:s14] =	ssyncadd.s32 @!p0 $0xFFFFFE70  }
.LBB2_1:
0x20: {  	p0 =	sge.u32 s12, s7  }
0x21: {  	s14 =	sxor.u32 @!p0 $0x1, s12  }
0x22: {  	s14 =	smul.u32 @!p0 $0x640, s14  }
0x23: {  	s31 =	sadd.s32 $0xFFFFFFFF, s12;
	s15 =	sshrl.u32 @!p0 s11, $0x3  }
0x24: {  	s16 =	sand.u32 @!p0 $0x7, s11;
	s15 =	sadd.s32 @!p0 s3, s15;
	s14 =	sshra.s32 @!p0 s14, $0x2  }
0x25: {  	[tilespmem:s14], [sflag:$0x2] =	stream.linear.gather @!p0 [hbm4b:s15+s16], $0x190, $0x38;
	[tilespmem:$0x640] =	vst v63  }
0x26: {  	p0 =	sge.u32 s31, s7  }
.Ltmp2:
0x27: {  	_ = 	snop;
	(pc) =	sbr.rel @p0 .LBB2_5-.Ltmp2, $1  }
0x28: {  	_ =	sdelay $0x3  }
0x29: {  	s14 =	sand.u32 $0x1, s12  }
0x2a: {  	_ =	swait.ge [sflag:s6], $0x190;
	p0 =	seq.s32 s14, $0x1;
	s14 =	simm.s32 $0x190  }
0x2b: {  	[sflag:s6] =	ssyncset.done $0x0;
	s14 =	simm.s32 @!p0 $0x0  }
0x2c: {  	[sflag:s6] =	ssyncadd.s32 $0xFFFFFE70;
	(ifvalue) =	ssetifvalue $0x7FFFFFFF;
	v0 =	vld.msk [tilespmem:s14+$0x0 ss:$0x1], $0xffff;
	_ =	sdelay $0x4  }
0x2d: {  	s15 =	sadd.s32 $0x10, s14;
	vm1 =	vgt.s32 v0, $0x0  }
0x2e: {  	v2 =	vld.msk [tilespmem:s15+$0x0 ss:$0x1], $0xffff;
	v1 =	vnsel vm1, $0x0, v0  }
0x2f: {  	v1 =	vmin.u32 v1, $0x4E1FF;
	_ =	sdelay $0x2  }
0x30: {  	s17 =	simm.s32 $0x20;
	s14 =	sadd.s32 $0x320, s14;
	s16 =	sadd.s32 $0x10, s15  }
0x31: {  	s15 =	sadd.s32 $0x10, s14;
	s18 =	smov.u32 s14;
	v0 =	vld.msk [tilespmem:s16+$0x0 ss:$0x1], $0xffff;
	vm1 =	vgt.s32 v2, $0x0;
	(ifvalue) =	ssetifvalue $0x7FFFFFFF  }
.LBB2_3:
0x32: {  	[tilespmem:s18], [sflag:$0x1] =	stream.indirect_vreg.gather [hbm4b:s2+s10], $0x1, v1, vm0, $0x4038;
	[tilespmem:$0x640] =	vst v63  }
0x33: {  	s17 =	sadd.s32 $0x10, s17  }
0x34: {  	v2 =	vnsel vm1, $0x0, v2;
	p0 =	slt.u32 s17, $0x180  }
.Ltmp3:
0x35: {  	s18 =	smov.u32 s15;
	v1 =	vmin.u32 v2, $0x4E1FF;
	(pc) =	sbr.rel @p0 .LBB2_3-.Ltmp3, $3  }
0x36: {  	_ =	sdelay $0x1  }
0x37: {  	s16 =	sadd.s32 $0x10, s16  }
0x38: {  	vm1 =	vgt.s32 v0, $0x0;
	s15 =	sadd.s32 $0x10, s15;
	v2 =	vmov v0;
	(ifvalue) =	ssetifvalue $0x7FFFFFFF;
	v0 =	vld.msk [tilespmem:s16+$0x0 ss:$0x1], $0xffff  }
.Ltmp4:
0x39: {  	_ = 	snop;
	(pc) =	sbr.rel .LBB2_4-.Ltmp4, $1  }
0x3a: {  	_ =	sdelay $0x3  }
.LBB2_6:
0x3b: {  	_ =	sfence.sel $0x180000  }
0x3c: {  	s2 =	simm.s32 $0x2;
	[bflag:$0x0] =	sbarrier.arrive $0xFFFF  }
0x3d: {  	s30 =	simm.s32 $0x3;
	[sflag:s2] =	ssyncpa.u1 $0x1  }
0x3e: {  	s31 =	simm.s32 $0x1;
	[sflag:s30] =	ssyncpa.u1 $0x1  }
0x3f: {  	[sflag:s31] =	ssyncpa.u1 $0x1  }
0x40: {  	p0 =	sne.s32 s1, $0x0;
	_ =	strace $0x90000053  }
0x41: {  	s0 =	sadd.s32 @!p0 $0x100000, s0;
	[bflag:$0x2] =	sbarrier.arrive $0xFFFF  }
0x42: {  	[sflag:s0] =	ssyncadd.tile.s32 @!p0 $0x1;
	_ =	shalt  }
.Lfunc_end2:
_tile_overlayer_lowered:
.L_overlay_start_2:
0x43: {  	(tag) =	ssettag $0x2  }
0x44: {  	s0 =	rddreg [dreg:$0x0];
	s2 =	stileid.u32  }
0x45: {  	s1 =	rddreg [dreg:$0x1];
	p0 =	sne.s32 s2, $0x0  }
0x46: {  	s3 =	rddreg [dreg:$0x2];
	[bflag:$0x3] =	sbarrier.arrive $0xFFFF;
	s2 =	simm.s32 @!p0 $0x1C01  }
0x47: {  	[timem:s3], [sflag:s2] =	dma.local @!p0 [hbm:s0], s1  }
0x48: {  	s0 =	simm.s32 @!p0 $0x1  }
0x49: {  	_ =	swait.ge @!p0 [sflag:s0], s1  }
0x4a: {  	s1 =	ssub.s32 @!p0 $0x0, s1;
	[sflag:s0] =	ssyncset.done @!p0 $0x0  }
0x4b: {  	[sflag:s0] =	ssyncadd.s32 @!p0 s1  }
0x4c: {  	[bflag:$0x3] =	sbarrier.arrive $0xFFFF  }
0x4d: {  	_ =	shalt  }

// kernel: kernel.6.cloned.1.call-start
scs
__scs_entry_jumppad:
0x0: {  	(pc) =	sbr.rel $0x88, $3  }
0x1: {  	(tag) =	ssettag $0x0;
	lr =	simm.s32 $0x1  }
0x2: {  	[smem:$0x3F96] =	sst lr;
	_ =	strace $0xD0000000  }
0x3: {  	_ = 	snop  }
0x4: {  	_ = 	snop  }
0x5: {  	_ = 	snop  }
0x6: {  	_ = 	snop  }
0x7: {  	_ = 	snop  }
__scs_overlays_trampoline_lowered:
0x8: {  	[smem:$0x3FA5] =	sst s0  }
0x9: {  	[smem:$0x3FA6] =	sst s1  }
0xa: {  	[smem:$0x3FA7] =	sst s2  }
0xb: {  	[smem:$0x3FA8] =	sst s3  }
0xc: {  	[smem:$0x3FA9] =	sst s4  }
0xd: {  	[smem:$0x3FAA] =	sst s5  }
0xe: {  	[smem:$0x3FAB] =	sst s6  }
0xf: {  	[smem:$0x3FAC] =	sst s7  }
0x10: {  	[smem:$0x3FAD] =	sst s8  }
0x11: {  	[smem:$0x3FAE] =	sst s9;
	s0 =	simm.s32 @!p0 $0x0  }
0x12: {  	s1 =	sld [smem:$0x3F94];
	s0 =	simm.s32 @p0 $0x1  }
0x13: {  	[smem:$0x3FAF] =	sst s0;
	s0 =	simm.s32 @!p1 $0x0  }
0x14: {  	s2 =	sld [smem:$0x3F93];
	s0 =	simm.s32 @p1 $0x1  }
0x15: {  	[smem:$0x3FB0] =	sst s0;
	s0 =	simm.s32 @!p2 $0x0  }
0x16: {  	s3 =	sld [smem:$0x3FDB];
	s0 =	simm.s32 @p2 $0x1  }
0x17: {  	s4 =	simm.s32 $0x1BF5;
	[smem:$0x3FB2] =	sst s0  }
0x18: {  	s0 =	sld [smem:$0x3F95];
	_ =	swait.ge [sflag:s4], $0x0  }
0x19: {  	s7 =	sld [smem:$0x3F96]  }
0x1a: {  	s8 =	sadd.s32 $0xFFFFE003, lr  }
0x1b: {  	s9 =	sadd.s32 $0xFFFFFEF7, lr;
	s5 =	simm.s32 $0xFFFFFFFF;
	p2 =	slt.u32 s8, $0xFFFFF086  }
0x1c: {  	p1 =	slt.u32 s9, $0xF7A;
	s5 =	simm.s32 @!p2 $0x0  }
0x1d: {  	s5 =	simm.s32 @p1 $0x1;
	p0 =	seq.s32 s7, s2  }
0x1e: {  	s7 =	smul.u32 @!p0 $0xF7A, s2;
	p2 =	seq.s32 @!p0 s5, $0x0  }
0x1f: {  	s9 =	smul.u32 $0xF7A, s1;
	s8 =	simm.s32 @!p0 $0x1BF5;
	p2 =	por !p2, p0  }
0x20: {  	[sflag:s8] =	ssyncset.s32 @!p0 $0xFFFFF086;
	s6 =	sadd.s32 @!p0 s3, s7;
	s7 =	simm.s32 @!p0 $0x108  }
0x21: {  	s3 =	sadd.s32 s3, s9;
	s6 =	sadd.s32 @!p0 $0x88, s6;
	s7 =	simm.s32 @p2 $0x1082  }
0x22: {  	[simem:s7], [sflag:s8] =	dma.local @!p0 [hbm:s6], $0xF7A  }
0x23: {  	s9 =	sor.u32 $0xD0000000, s2;
	s6 =	simm.s32 $0x108;
	_ =	swait.ge @!p0 [sflag:s8], $0x0  }
0x24: {  	s3 =	sadd.s32 $0x88, s3;
	s6 =	simm.s32 @!p1 $0x1082;
	[sflag:s4] =	ssyncset.s32 $0xFFFFF086  }
0x25: {  	[simem:s6], [sflag:s4] =	dma.local [hbm:s3], $0xF7A  }
0x26: {  	[smem:$0x3F96] =	sst s1;
	(tag) =	ssettag s2;
	_ =	strace s9  }
0x27: {  	s1 =	sld [smem:$0x3FA6]  }
0x28: {  	s2 =	sld [smem:$0x3FA7]  }
0x29: {  	s4 =	sld [smem:$0x3FA9]  }
0x2a: {  	p0 =	seq.s32 s5, $0x0;
	s5 =	sld [smem:$0x3FAA]  }
0x2b: {  	s6 =	sld [smem:$0x3FAB]  }
0x2c: {  	s7 =	sld [smem:$0x3FAC]  }
0x2d: {  	s3 =	simm.s32 $0x108;
	s8 =	sld [smem:$0x3FAD]  }
0x2e: {  	s3 =	simm.s32 @!p0 $0x1082;
	s9 =	sld [smem:$0x3FAE]  }
0x2f: {  	lr =	sadd.s32 s0, s3;
	s0 =	sld [smem:$0x3FA5]  }
0x30: {  	s3 =	sld [smem:$0x3FA8]  }
0x31: {  	[smem:$0x3FB1] =	sst s10  }
0x32: {  	s10 =	sld [smem:$0x3FAF];
	_ =	sdelay $0x3  }
0x33: {  	p0 =	seq.s32 s10, $0x1;
	s10 =	sld [smem:$0x3FB1];
	_ =	sdelay $0x3  }
0x34: {  	[smem:$0x3FB1] =	sst s10  }
0x35: {  	s10 =	sld [smem:$0x3FB0];
	_ =	sdelay $0x3  }
0x36: {  	p1 =	seq.s32 s10, $0x1;
	s10 =	sld [smem:$0x3FB1];
	_ =	sdelay $0x3  }
0x37: {  	[smem:$0x3FB1] =	sst s10  }
0x38: {  	s10 =	sld [smem:$0x3FB2]  }
0x39: {  	_ = 	snop;
	(pc) =	sbr.ind lr, $3  }
0x3a: {  	_ = 	snop  }
0x3b: {  	_ = 	snop  }
0x3c: {  	p2 =	seq.s32 s10, $0x1;
	s10 =	sld [smem:$0x3FB1]  }
0x3d: {  	_ =	shalt  }
0x3e: {  	_ =	shalt  }
0x3f: {  	_ =	shalt  }
0x40: {  	_ =	shalt  }
0x41: {  	_ =	shalt  }
0x42: {  	_ =	shalt  }
0x43: {  	_ =	shalt  }
0x44: {  	_ =	shalt  }
0x45: {  	_ =	shalt  }
0x46: {  	_ =	shalt  }
0x47: {  	_ =	shalt  }
0x48: {  	_ =	shalt  }
0x49: {  	_ =	shalt  }
0x4a: {  	_ =	shalt  }
0x4b: {  	_ =	shalt  }
0x4c: {  	_ =	shalt  }
0x4d: {  	_ =	shalt  }
0x4e: {  	_ =	shalt  }
0x4f: {  	_ =	shalt  }
0x50: {  	_ =	shalt  }
0x51: {  	_ =	shalt  }
0x52: {  	_ =	shalt  }
0x53: {  	_ =	shalt  }
0x54: {  	_ =	shalt  }
0x55: {  	_ =	shalt  }
0x56: {  	_ =	shalt  }
0x57: {  	_ =	shalt  }
0x58: {  	_ =	shalt  }
0x59: {  	_ =	shalt  }
0x5a: {  	_ =	shalt  }
0x5b: {  	_ =	shalt  }
0x5c: {  	_ =	shalt  }
0x5d: {  	_ =	shalt  }
0x5e: {  	_ =	shalt  }
0x5f: {  	_ =	shalt  }
0x60: {  	_ =	shalt  }
0x61: {  	_ =	shalt  }
0x62: {  	_ =	shalt  }
0x63: {  	_ =	shalt  }
0x64: {  	_ =	shalt  }
0x65: {  	_ =	shalt  }
0x66: {  	_ =	shalt  }
0x67: {  	_ =	shalt  }
0x68: {  	_ =	shalt  }
0x69: {  	_ =	shalt  }
0x6a: {  	_ =	shalt  }
0x6b: {  	_ =	shalt  }
0x6c: {  	_ =	shalt  }
0x6d: {  	_ =	shalt  }
0x6e: {  	_ =	shalt  }
0x6f: {  	_ =	shalt  }
0x70: {  	_ =	shalt  }
0x71: {  	_ =	shalt  }
0x72: {  	_ =	shalt  }
0x73: {  	_ =	shalt  }
0x74: {  	_ =	shalt  }
0x75: {  	_ =	shalt  }
0x76: {  	_ =	shalt  }
0x77: {  	_ =	shalt  }
0x78: {  	_ =	shalt  }
0x79: {  	_ =	shalt  }
0x7a: {  	_ =	shalt  }
0x7b: {  	_ =	shalt  }
0x7c: {  	_ =	shalt  }
0x7d: {  	_ =	shalt  }
0x7e: {  	_ =	shalt  }
0x7f: {  	_ =	shalt  }
0x80: {  	_ =	shalt  }
0x81: {  	_ =	shalt  }
0x82: {  	_ =	shalt  }
0x83: {  	_ =	shalt  }
0x84: {  	_ =	shalt  }
0x85: {  	_ =	shalt  }
0x86: {  	_ =	shalt  }
0x87: {  	_ =	shalt  }
.Lfunc_end0:
.L_simem_size_0:
called_computation.4_lowered:
.L_overlay_start_0:
0x88: {  	s2 =	sld [smem:$0x3FD9]  }
0x89: {  	s3 =	sld [smem:$0x3FFE];
	_ =	sdelay $0x1  }
0x8a: {  	s1 =	srdreg.scid  }
0x8b: {  	s0 =	sand.u32 $0x1, s1  }
0x8c: {  	s17 =	sshll.u32 s0, $0xA;
	s2 =	sadd.s32 s3, s2  }
0x8d: {  	s2 =	sadd.s32 s2, s17  }
0x8e: {  	[smem:$0x3FBD] =	sst s2  }
0x8f: {  	_ = 	snop  }
0x90: {  	s2 =	sld [smem:$0x3FC9];
	(tm) =	ssettm $0x1  }
0x91: {  	s18 =	sld [smem:$0x3FFB];
	_ =	sdelay $0x3  }
0x92: {  	_ =	strace s18  }
0x93: {  	s3 =	sld [smem:$0x3FFC];
	_ =	sdelay $0x3  }
0x94: {  	_ =	strace s3  }
0x95: {  	s3 =	sld [smem:$0x3FFD];
	_ =	sdelay $0x3  }
0x96: {  	_ =	strace s3  }
0x97: {  	_ =	strace $0x8FFFFFFF  }
0x98: {  	s19 =	sld [smem:$0x3FDB];
	_ =	sdelay $0x1  }
0x99: {  	s4 =	simm.s32 $_scs_section_size  }
0x9a: {  	s5 =	simm.s32 $_size__tile_overlayer_lowered;
	s6 =	simm.s32 $_tile_overlayer_lowered  }
0x9b: {  	s22 =	simm.s32 $0x1BFF;
	s21 =	sshll.u32 s6, $0x1;
	s3 =	sadd.s32 s4, s19  }
0x9c: {  	s7 =	simm.s32 $0x0;
	s20 =	sshll.u32 s5, $0x1;
	s5 =	sadd.s32 s21, s3  }
0x9d: {  	[timem:s7], [sflag:s22] =	dma.local [hbm:s5], s20  }
0x9e: {  	_ =	swait.ge [sflag:s22], s20  }
0x9f: {  	s4 =	ssub.s32 $0x0, s20;
	[sflag:s22] =	ssyncset.done $0x0  }
0xa0: {  	[sflag:s22] =	ssyncadd.s32 s4;
	_ =	sdelay $0x1  }
0xa1: {  	s23 =	simm.s32 $0x1B8B  }
0xa2: {  	_ =	swait.ge [sflag:s23], $0x1  }
0xa3: {  	[sflag:s23] =	ssyncset.done $0x0  }
0xa4: {  	s25 =	simm.s32 $0x1B8E;
	s24 =	sld [smem:$0x3FFE];
	[sflag:s23] =	ssyncadd.s32 $0xFFFFFFFF  }
0xa5: {  	s26 =	simm.s32 $execute0_lowered;
	[smem:$0x3FD2] =	sst s25  }
0xa6: {  	s5 =	sshll.u32 s26, $0x1;
	_ =	strace $0x8000004C;
	[dreg:$0x1] =	wrdreg $0xFFFFFFFF  }
0xa7: {  	s28 =	simm.s32 $_size_execute0_lowered;
	s3 =	sadd.s32 s3, s5;
	[dreg:$0x0] =	wrdreg $0x0  }
0xa8: {  	s5 =	sshll.u32 s28, $0x1;
	[dreg:$0x2] =	wrdreg s3  }
0xa9: {  	[dreg:$0x3] =	wrdreg s5  }
0xaa: {  	[dreg:$0x4] =	wrdreg $0xC0  }
0xab: {  	_ =	task [dreg:s7], $0x5FFFF  }
0xac: {  	[dreg:$0x1] =	wrdreg $0xFFFFFFFF  }
0xad: {  	[dreg:$0x0] =	wrdreg $0x60  }
0xae: {  	[dreg:$0x2] =	wrdreg s2  }
0xaf: {  	[dreg:$0x3] =	wrdreg s24  }
0xb0: {  	[dreg:$0x4] =	wrdreg $0x84000  }
0xb1: {  	[dreg:$0x5] =	wrdreg $0x9  }
0xb2: {  	_ =	task.clear_ibuf [dreg:s7], $0x6FFFF;
	_ =	strace $0x9000004C  }
0xb3: {  	s29 =	simm.s32 $0x9;
	_ =	strace $0x8000004E  }
0xb4: {  	_ =	swait.ge [sflag:s29], $0x1  }
0xb5: {  	[sflag:s29] =	ssyncadd.s32 $0xFFFFFFFF  }
0xb6: {  	_ =	strace $0x9000004E  }
0xb7: {  	_ =	sfence  }
0xb8: {  	s30 =	sld [smem:$0x0];
	_ =	sdelay $0x2  }
0xb9: {  	s31 =	sshll.u32 s1, $0xD;
	s1 =	sshrl.u32 s1, $0x2  }
0xba: {  	s3 =	sand.u32 $0x4000, s31;
	s1 =	sadd.s32 s1, s30  }
0xbb: {  	s0 =	sor.u32 s3, s0;
	s1 =	sshll.u32 s1, $0x11  }
0xbc: {  	s0 =	sor.u32 s1, s0  }
0xbd: {  	s0 =	sadd.s32 $0x8F2B, s0  }
0xbe: {  	[sflag:s0] =	ssyncadd.remote.s32 $0x1  }
0xbf: {  	_ =	sfence.sel $0xFFFF  }
0xc0: {  	[dreg:$0x0] =	wrdreg $0xFFFFFFFF;
	(pc) =	sbr.abs _section_cstart, $3  }
0xc1: {  	[dreg:$0x1] =	wrdreg $0xFFFFFFFF  }
0xc2: {  	_ =	task.clear_ibuf [dreg:s7], $0x2FFFF;
	_ =	strace $0x9FFFFFFF  }
0xc3: {  	(tm) =	ssettm $0x7FFFFFFF  }
tec
execute0_lowered:
.L_overlay_start_1:
0x0: {  	(tag) =	ssettag $0x1  }
0x1: {  	s1 =	rddreg [dreg:$0x0]  }
0x2: {  	s0 =	rddreg [dreg:$0x1]  }
0x3: {  	s2 =	rddreg [dreg:$0x2];
	s3 =	simm.s32 $0x0  }
0x4: {  	s4 =	srdreg.scid;
	s14 =	stileid.u32;
	s16 =	simm.s32 $0x4  }
0x5: {  	s17 =	simm.s32 $0x200;
	s18 =	simm.s32 $0x80;
	s19 =	simm.s32 $0x400  }
0x6: {  	s20 =	simm.s32 $0x4400;
	s21 =	simm.s32 $0x3;
	s22 =	simm.s32 $0x1  }
0x7: {  	s28 =	simm.s32 $0x300;
	s29 =	simm.s32 $0x380;
	[smem:$0x7FF] =	sst s3  }
0x8: {  	s4 =	sand.u32 $0x1, s4;
	s12 =	sadd.s32 $0x2C00, s0;
	s7 =	smul.u32 $0x4F000, s14  }
0x9: {  	s5 =	sadd.s32 $0x16C00, s0;
	s0 =	sadd.s32 $0x2A400, s0;
	s23 =	smul.u32 $0x13C00, s14  }
0xa: {  	s13 =	sadd.s32 $0x128400, s2;
	s25 =	smul.u32 $0x5000, s14;
	p0 =	seq.s32 s14, $0xF  }
0xb: {  	s30 =	simm.s32 $0x0;
	_ =	strace $0x8000004D;
	s10 =	smul.u32 $0x138800, s4  }
0xc: {  	s6 =	sshll.u32 s4, $0x4;
	s8 =	ssub.s32 $0x2, s4;
	s4 =	smul.u32 $0x50000, s4  }
0xd: {  	s13 =	sshrl.u32 @p0 s13, $0x3;
	s6 =	sor.u32 s14, s6;
	s9 =	sshrl.u32 s8, $0x1  }
0xe: {  	s7 =	sshrl.u32 s7, $0x2;
	s6 =	smul.u32 $0x5000, s6;
	s9 =	ssub.s32 s8, s9  }
0xf: {  	s15 =	sadd.s32 s7, s2;
	s7 =	sadd.s32 s23, s10;
	s24 =	sshrl.u32 s10, $0x3  }
0x10: {  	s31 =	sadd.s32 s25, s4;
	s23 =	simm.s32 $0x2;
	s25 =	simm.s32 $0x180  }
0x11: {  	s7 =	sshrl.u32 s7, $0x3;
	s8 =	sadd.s32 s0, s24;
	s9 =	smax.u32 s9, $0x1  }
0x12: {  	s4 =	sor.u32 $0x200, s31;
	s15 =	sshrl.u32 @!p0 s15, $0x3;
	s24 =	simm.s32 $0x100  }
0x13: {  	s6 =	sshrl.u32 s6, $0x3;
	s0 =	sadd.s32 s0, s7;
	s26 =	sadd.s32 $0x25080, s8  }
0x14: {  	s4 =	sshrl.u32 s4, $0x3;
	s6 =	sadd.s32 s12, s6;
	[dreg:$0x4] =	wrdreg s0  }
0x15: {  	[dreg:$0x5] =	wrdreg s26;
	s0 =	sor.u32 $0x400, s31;
	s11 =	sadd.s32 s4, s12  }
0x16: {  	s4 =	sshll.u32 @!p0 s14, $0x6;
	s26 =	simm.s32 $0x280;
	s0 =	sshrl.u32 s0, $0x3  }
0x17: {  	s10 =	sadd.s32 $0x9C0, s6;
	s14 =	sor.u32 @!p0 $0x1C04, s4;
	s12 =	sadd.s32 s0, s12  }
.LBB2_1:
0x18: {  	s0 =	simm.s32 @p0 $0x1FC4  }
0x19: {  	[spmem:s13], [sflag:s0] =	dma.local @p0 [hbm:s5], $0x2100  }
0x1a: {  	s0 =	simm.s32 @p0 $0x4  }
0x1b: {  	_ =	swait.ge @p0 [sflag:s0], $0x2100  }
0x1c: {  	[sflag:s0] =	ssyncset.done @p0 $0x0  }
0x1d: {  	[sflag:s0] =	ssyncadd.s32 @p0 $0xFFFFDF00;
	s0 =	simm.s32 @!p0 $0x4  }
0x1e: {  	[spmem:s15], [sflag:s14] =	dma.local @!p0 [hbm:s5], $0x2780  }
0x1f: {  	_ =	swait.ge @!p0 [sflag:s0], $0x2780  }
0x20: {  	[sflag:s0] =	ssyncset.done @!p0 $0x0  }
0x21: {  	[sflag:s0] =	ssyncadd.s32 @!p0 $0xFFFFD880  }
0x22: {  	[tilespmem:s3], [sflag:$0x4] =	stream.linear.gather [hbm4b:s6+s3], $0x200, $0x38;
	[tilespmem:$0x1BCC0] =	vst v63  }
0x23: {  	_ =	swait.ge [sflag:s16], $0x200  }
0x24: {  	[sflag:s16] =	ssyncset.done $0x0  }
0x25: {  	s7 =	sadd.s32 $0x0, s11;
	[sflag:s16] =	ssyncadd.s32 $0xFFFFFE00  }
0x26: {  	[tilespmem:s17], [sflag:$0x3] =	stream.linear.gather [hbm4b:s7+s3], $0x200, $0x38;
	[tilespmem:$0x1BCC0] =	vst v63  }
0x27: {  	_ = 	snop  }
0x28: {  	[tilespmem:s19], [sflag:$0x1] =	stream.indirect.gather [hbm4b:s1+s18], $0x80, s3, s18, $0xb8;
	[tilespmem:$0x1BCC0] =	vst v63  }
0x29: {  	_ = 	snop  }
0x2a: {  	[tilespmem:s20], [sflag:$0x2] =	stream.indirect.gather [hbm4b:s1+s18], $0x80, s18, s18, $0xb8;
	[tilespmem:$0x1BCC0] =	vst v63  }
0x2b: {  	_ =	swait.ge [sflag:s21], $0x200  }
0x2c: {  	[sflag:s21] =	ssyncset.done $0x0  }
0x2d: {  	[sflag:s21] =	ssyncadd.s32 $0xFFFFFE00  }
0x2e: {  	_ =	swait.ge [sflag:s22], $0x4000  }
0x2f: {  	[sflag:s22] =	ssyncset.done $0x0  }
0x30: {  	[sflag:s22] =	ssyncadd.s32 $0xFFFFC000  }
0x31: {  	_ =	swait.ge [sflag:s23], $0x4000  }
0x32: {  	[sflag:s23] =	ssyncset.done $0x0  }
0x33: {  	[sflag:s23] =	ssyncadd.s32 $0xFFFFC000  }
0x34: {  	[spmem:s2] =	stream.indirect.scatter.add.f32 [tilespmem:s19], [sflag:$0x4], $0x80, s24, s18, $0xb8;
	[tilespmem:$0x1BCC0] =	vst v63  }
0x35: {  	_ =	swait.ge [sflag:s16], $0x4000  }
0x36: {  	[sflag:s16] =	ssyncset.done $0x0  }
0x37: {  	[sflag:s16] =	ssyncadd.s32 $0xFFFFC000  }
0x38: {  	[spmem:s2] =	stream.indirect.scatter.add.f32 [tilespmem:s20], [sflag:$0x4], $0x80, s25, s18, $0xb8;
	[tilespmem:$0x1BCC0] =	vst v63  }
0x39: {  	_ =	swait.ge [sflag:s16], $0x4000  }
0x3a: {  	[sflag:s16] =	ssyncset.done $0x0  }
0x3b: {  	s8 =	sadd.s32 $0x0, s12;
	[sflag:s16] =	ssyncadd.s32 $0xFFFFC000  }
0x3c: {  	[tilespmem:s3], [sflag:$0x3] =	stream.linear.gather [hbm4b:s8+s3], $0x200, $0x38;
	[tilespmem:$0x1BCC0] =	vst v63  }
0x3d: {  	_ = 	snop  }
0x3e: {  	[tilespmem:s19], [sflag:$0x1] =	stream.indirect.gather [hbm4b:s1+s18], $0x80, s17, s18, $0xb8;
	[tilespmem:$0x1BCC0] =	vst v63  }
0x3f: {  	_ = 	snop  }
0x40: {  	[tilespmem:s20], [sflag:$0x2] =	stream.indirect.gather [hbm4b:s1+s18], $0x80, s26, s18, $0xb8;
	[tilespmem:$0x1BCC0] =	vst v63  }
0x41: {  	_ =	swait.ge [sflag:s21], $0x200  }
0x42: {  	[sflag:s21] =	ssyncset.done $0x0  }
0x43: {  	[sflag:s21] =	ssyncadd.s32 $0xFFFFFE00  }
0x44: {  	_ =	swait.ge [sflag:s22], $0x4000  }
0x45: {  	[sflag:s22] =	ssyncset.done $0x0  }
0x46: {  	[sflag:s22] =	ssyncadd.s32 $0xFFFFC000  }
0x47: {  	_ =	swait.ge [sflag:s23], $0x4000  }
0x48: {  	[sflag:s23] =	ssyncset.done $0x0  }
0x49: {  	[sflag:s23] =	ssyncadd.s32 $0xFFFFC000  }
0x4a: {  	[spmem:s2] =	stream.indirect.scatter.add.f32 [tilespmem:s19], [sflag:$0x4], $0x80, s28, s18, $0xb8;
	[tilespmem:$0x1BCC0] =	vst v63  }
0x4b: {  	_ =	swait.ge [sflag:s16], $0x4000  }
0x4c: {  	[sflag:s16] =	ssyncset.done $0x0  }
0x4d: {  	[sflag:s16] =	ssyncadd.s32 $0xFFFFC000  }
0x4e: {  	[spmem:s2] =	stream.indirect.scatter.add.f32 [tilespmem:s20], [sflag:$0x4], $0x80, s29, s18, $0xb8;
	[tilespmem:$0x1BCC0] =	vst v63  }
0x4f: {  	_ =	swait.ge [sflag:s16], $0x4000  }
0x50: {  	s31 =	simm.s32 $0x80;
	s0 =	simm.s32 $0x100;
	[sflag:s16] =	ssyncset.done $0x0  }
.LBB2_2:
0x51: {  	s7 =	sadd.s32 s31, s11  }
0x52: {  	[sflag:s16] =	ssyncadd.s32 $0xFFFFC000;
	s8 =	smov.u32 s0;
	s4 =	sadd.s32 $0x80, s0  }
0x53: {  	[tilespmem:s17], [sflag:$0x3] =	stream.linear.gather [hbm4b:s7+s3], $0x200, $0x38;
	[tilespmem:$0x1BCC0] =	vst v63  }
0x54: {  	p1 =	sne.s32 s0, $0x900  }
0x55: {  	[tilespmem:s19], [sflag:$0x1] =	stream.indirect.gather [hbm4b:s1+s18], $0x80, s3, s18, $0xb8;
	[tilespmem:$0x1BCC0] =	vst v63  }
0x56: {  	_ = 	snop  }
0x57: {  	[tilespmem:s20], [sflag:$0x2] =	stream.indirect.gather [hbm4b:s1+s18], $0x80, s18, s18, $0xb8;
	[tilespmem:$0x1BCC0] =	vst v63  }
0x58: {  	_ =	swait.ge [sflag:s21], $0x200  }
0x59: {  	[sflag:s21] =	ssyncset.done $0x0  }
0x5a: {  	[sflag:s21] =	ssyncadd.s32 $0xFFFFFE00  }
0x5b: {  	_ =	swait.ge [sflag:s22], $0x4000  }
0x5c: {  	[sflag:s22] =	ssyncset.done $0x0  }
0x5d: {  	[sflag:s22] =	ssyncadd.s32 $0xFFFFC000  }
0x5e: {  	_ =	swait.ge [sflag:s23], $0x4000  }
0x5f: {  	[sflag:s23] =	ssyncset.done $0x0  }
0x60: {  	[sflag:s23] =	ssyncadd.s32 $0xFFFFC000  }
0x61: {  	[spmem:s2] =	stream.indirect.scatter.add.f32 [tilespmem:s19], [sflag:$0x4], $0x80, s24, s18, $0xb8;
	[tilespmem:$0x1BCC0] =	vst v63  }
0x62: {  	_ =	swait.ge [sflag:s16], $0x4000  }
0x63: {  	[sflag:s16] =	ssyncset.done $0x0  }
0x64: {  	[sflag:s16] =	ssyncadd.s32 $0xFFFFC000  }
0x65: {  	[spmem:s2] =	stream.indirect.scatter.add.f32 [tilespmem:s20], [sflag:$0x4], $0x80, s25, s18, $0xb8;
	[tilespmem:$0x1BCC0] =	vst v63  }
0x66: {  	_ =	swait.ge [sflag:s16], $0x4000  }
0x67: {  	[sflag:s16] =	ssyncset.done $0x0  }
0x68: {  	s0 =	sadd.s32 s31, s12;
	s31 =	smov.u32 s8;
	[sflag:s16] =	ssyncadd.s32 $0xFFFFC000  }
0x69: {  	[tilespmem:s3], [sflag:$0x3] =	stream.linear.gather [hbm4b:s0+s3], $0x200, $0x38;
	[tilespmem:$0x1BCC0] =	vst v63  }
0x6a: {  	_ = 	snop  }
0x6b: {  	[tilespmem:s19], [sflag:$0x1] =	stream.indirect.gather [hbm4b:s1+s18], $0x80, s17, s18, $0xb8;
	[tilespmem:$0x1BCC0] =	vst v63  }
0x6c: {  	_ = 	snop  }
0x6d: {  	[tilespmem:s20], [sflag:$0x2] =	stream.indirect.gather [hbm4b:s1+s18], $0x80, s26, s18, $0xb8;
	[tilespmem:$0x1BCC0] =	vst v63  }
0x6e: {  	_ =	swait.ge [sflag:s21], $0x200  }
0x6f: {  	[sflag:s21] =	ssyncset.done $0x0  }
0x70: {  	[sflag:s21] =	ssyncadd.s32 $0xFFFFFE00  }
0x71: {  	_ =	swait.ge [sflag:s22], $0x4000  }
0x72: {  	[sflag:s22] =	ssyncset.done $0x0  }
0x73: {  	[sflag:s22] =	ssyncadd.s32 $0xFFFFC000  }
0x74: {  	_ =	swait.ge [sflag:s23], $0x4000  }
0x75: {  	[sflag:s23] =	ssyncset.done $0x0  }
0x76: {  	[sflag:s23] =	ssyncadd.s32 $0xFFFFC000  }
0x77: {  	[spmem:s2] =	stream.indirect.scatter.add.f32 [tilespmem:s19], [sflag:$0x4], $0x80, s28, s18, $0xb8;
	[tilespmem:$0x1BCC0] =	vst v63  }
0x78: {  	_ =	swait.ge [sflag:s16], $0x4000  }
.Ltmp0:
0x79: {  	[sflag:s16] =	ssyncset.done $0x0;
	(pc) =	sbr.rel @p1 .LBB2_2-.Ltmp0, $4  }
0x7a: {  	[sflag:s16] =	ssyncadd.s32 $0xFFFFC000  }
0x7b: {  	[spmem:s2] =	stream.indirect.scatter.add.f32 [tilespmem:s20], [sflag:$0x4], $0x80, s29, s18, $0xb8;
	[tilespmem:$0x1BCC0] =	vst v63  }
0x7c: {  	_ =	swait.ge [sflag:s16], $0x4000  }
0x7d: {  	s0 =	smov.u32 s4;
	[sflag:s16] =	ssyncset.done $0x0  }
0x7e: {  	s0 =	sadd.s32 s31, s11;
	[sflag:s16] =	ssyncadd.s32 $0xFFFFC000  }
0x7f: {  	[tilespmem:s17], [sflag:$0x3] =	stream.linear.gather [hbm4b:s0+s3], $0x200, $0x38;
	[tilespmem:$0x1BCC0] =	vst v63  }
0x80: {  	_ = 	snop  }
0x81: {  	[tilespmem:s19], [sflag:$0x1] =	stream.indirect.gather [hbm4b:s1+s18], $0x80, s3, s18, $0xb8;
	[tilespmem:$0x1BCC0] =	vst v63  }
0x82: {  	_ = 	snop  }
0x83: {  	[tilespmem:s20], [sflag:$0x2] =	stream.indirect.gather [hbm4b:s1+s18], $0x80, s18, s18, $0xb8;
	[tilespmem:$0x1BCC0] =	vst v63  }
0x84: {  	_ =	swait.ge [sflag:s21], $0x200  }
0x85: {  	[sflag:s21] =	ssyncset.done $0x0  }
0x86: {  	[sflag:s21] =	ssyncadd.s32 $0xFFFFFE00  }
0x87: {  	_ =	swait.ge [sflag:s22], $0x4000  }
0x88: {  	[sflag:s22] =	ssyncset.done $0x0  }
0x89: {  	[sflag:s22] =	ssyncadd.s32 $0xFFFFC000  }
0x8a: {  	_ =	swait.ge [sflag:s23], $0x4000  }
0x8b: {  	[sflag:s23] =	ssyncset.done $0x0  }
0x8c: {  	[sflag:s23] =	ssyncadd.s32 $0xFFFFC000  }
0x8d: {  	[spmem:s2] =	stream.indirect.scatter.add.f32 [tilespmem:s19], [sflag:$0x4], $0x80, s24, s18, $0xb8;
	[tilespmem:$0x1BCC0] =	vst v63  }
0x8e: {  	_ =	swait.ge [sflag:s16], $0x4000  }
0x8f: {  	[sflag:s16] =	ssyncset.done $0x0  }
0x90: {  	[sflag:s16] =	ssyncadd.s32 $0xFFFFC000  }
0x91: {  	[spmem:s2] =	stream.indirect.scatter.add.f32 [tilespmem:s20], [sflag:$0x4], $0x80, s25, s18, $0xb8;
	[tilespmem:$0x1BCC0] =	vst v63  }
0x92: {  	_ =	swait.ge [sflag:s16], $0x4000  }
0x93: {  	[sflag:s16] =	ssyncset.done $0x0  }
0x94: {  	s31 =	sadd.s32 s31, s12;
	[sflag:s16] =	ssyncadd.s32 $0xFFFFC000  }
0x95: {  	[tilespmem:s3], [sflag:$0x3] =	stream.linear.gather [hbm4b:s31+s3], $0x200, $0x38;
	[tilespmem:$0x1BCC0] =	vst v63  }
0x96: {  	_ = 	snop  }
0x97: {  	[tilespmem:s19], [sflag:$0x1] =	stream.indirect.gather [hbm4b:s1+s18], $0x80, s17, s18, $0xb8;
	[tilespmem:$0x1BCC0] =	vst v63  }
0x98: {  	_ = 	snop  }
0x99: {  	[tilespmem:s20], [sflag:$0x2] =	stream.indirect.gather [hbm4b:s1+s18], $0x80, s26, s18, $0xb8;
	[tilespmem:$0x1BCC0] =	vst v63  }
0x9a: {  	_ =	swait.ge [sflag:s21], $0x200  }
0x9b: {  	[sflag:s21] =	ssyncset.done $0x0  }
0x9c: {  	[sflag:s21] =	ssyncadd.s32 $0xFFFFFE00  }
0x9d: {  	_ =	swait.ge [sflag:s22], $0x4000  }
0x9e: {  	[sflag:s22] =	ssyncset.done $0x0  }
0x9f: {  	[sflag:s22] =	ssyncadd.s32 $0xFFFFC000  }
0xa0: {  	_ =	swait.ge [sflag:s23], $0x4000  }
0xa1: {  	[sflag:s23] =	ssyncset.done $0x0  }
0xa2: {  	[sflag:s23] =	ssyncadd.s32 $0xFFFFC000  }
0xa3: {  	[spmem:s2] =	stream.indirect.scatter.add.f32 [tilespmem:s19], [sflag:$0x4], $0x80, s28, s18, $0xb8;
	[tilespmem:$0x1BCC0] =	vst v63  }
0xa4: {  	_ =	swait.ge [sflag:s16], $0x4000  }
0xa5: {  	[sflag:s16] =	ssyncset.done $0x0  }
0xa6: {  	[sflag:s16] =	ssyncadd.s32 $0xFFFFC000  }
0xa7: {  	[spmem:s2] =	stream.indirect.scatter.add.f32 [tilespmem:s20], [sflag:$0x4], $0x80, s29, s18, $0xb8;
	[tilespmem:$0x1BCC0] =	vst v63  }
0xa8: {  	_ =	swait.ge [sflag:s16], $0x4000  }
0xa9: {  	[sflag:s16] =	ssyncset.done $0x0  }
0xaa: {  	[sflag:s16] =	ssyncadd.s32 $0xFFFFC000  }
0xab: {  	[tilespmem:s17], [sflag:$0x3] =	stream.linear.gather [hbm4b:s10+s3], $0x200, $0x38;
	[tilespmem:$0x1BCC0] =	vst v63  }
0xac: {  	_ = 	snop  }
0xad: {  	[tilespmem:s19], [sflag:$0x1] =	stream.indirect.gather [hbm4b:s1+s18], $0x80, s3, s18, $0xb8;
	[tilespmem:$0x1BCC0] =	vst v63  }
0xae: {  	_ = 	snop  }
0xaf: {  	[tilespmem:s20], [sflag:$0x2] =	stream.indirect.gather [hbm4b:s1+s18], $0x80, s18, s18, $0xb8;
	[tilespmem:$0x1BCC0] =	vst v63  }
0xb0: {  	_ =	swait.ge [sflag:s21], $0x200  }
0xb1: {  	[sflag:s21] =	ssyncset.done $0x0  }
0xb2: {  	[sflag:s21] =	ssyncadd.s32 $0xFFFFFE00  }
0xb3: {  	_ =	swait.ge [sflag:s22], $0x4000  }
0xb4: {  	[sflag:s22] =	ssyncset.done $0x0  }
0xb5: {  	[sflag:s22] =	ssyncadd.s32 $0xFFFFC000  }
0xb6: {  	_ =	swait.ge [sflag:s23], $0x4000  }
0xb7: {  	[sflag:s23] =	ssyncset.done $0x0  }
0xb8: {  	[sflag:s23] =	ssyncadd.s32 $0xFFFFC000  }
0xb9: {  	[spmem:s2] =	stream.indirect.scatter.add.f32 [tilespmem:s19], [sflag:$0x4], $0x80, s24, s18, $0xb8;
	[tilespmem:$0x1BCC0] =	vst v63  }
0xba: {  	_ =	swait.ge [sflag:s16], $0x4000  }
0xbb: {  	[sflag:s16] =	ssyncset.done $0x0  }
0xbc: {  	[sflag:s16] =	ssyncadd.s32 $0xFFFFC000  }
0xbd: {  	[spmem:s2] =	stream.indirect.scatter.add.f32 [tilespmem:s20], [sflag:$0x4], $0x80, s25, s18, $0xb8;
	[tilespmem:$0x1BCC0] =	vst v63  }
0xbe: {  	_ =	swait.ge [sflag:s16], $0x4000  }
0xbf: {  	[sflag:s16] =	ssyncset.done $0x0  }
0xc0: {  	[sflag:s16] =	ssyncadd.s32 $0xFFFFC000  }
0xc1: {  	[tilespmem:s3], [sflag:$0x3] =	stream.linear.gather [hbm4b:s10+s3], $0x200, $0x38;
	[tilespmem:$0x1BCC0] =	vst v63  }
0xc2: {  	_ = 	snop  }
0xc3: {  	[tilespmem:s19], [sflag:$0x1] =	stream.indirect.gather [hbm4b:s1+s18], $0x80, s17, s18, $0xb8;
	[tilespmem:$0x1BCC0] =	vst v63  }
0xc4: {  	_ = 	snop  }
0xc5: {  	[tilespmem:s20], [sflag:$0x2] =	stream.indirect.gather [hbm4b:s1+s18], $0x80, s26, s18, $0xb8;
	[tilespmem:$0x1BCC0] =	vst v63  }
0xc6: {  	_ =	swait.ge [sflag:s21], $0x200  }
0xc7: {  	[sflag:s21] =	ssyncset.done $0x0  }
0xc8: {  	[sflag:s21] =	ssyncadd.s32 $0xFFFFFE00  }
0xc9: {  	_ =	swait.ge [sflag:s22], $0x4000  }
0xca: {  	[sflag:s22] =	ssyncset.done $0x0  }
0xcb: {  	[sflag:s22] =	ssyncadd.s32 $0xFFFFC000  }
0xcc: {  	_ =	swait.ge [sflag:s23], $0x4000  }
0xcd: {  	[sflag:s23] =	ssyncset.done $0x0  }
0xce: {  	[sflag:s23] =	ssyncadd.s32 $0xFFFFC000  }
0xcf: {  	[spmem:s2] =	stream.indirect.scatter.add.f32 [tilespmem:s19], [sflag:$0x4], $0x80, s28, s18, $0xb8;
	[tilespmem:$0x1BCC0] =	vst v63  }
0xd0: {  	_ =	swait.ge [sflag:s16], $0x4000  }
0xd1: {  	[sflag:s16] =	ssyncset.done $0x0  }
0xd2: {  	[sflag:s16] =	ssyncadd.s32 $0xFFFFC000  }
0xd3: {  	[spmem:s2] =	stream.indirect.scatter.add.f32 [tilespmem:s20], [sflag:$0x4], $0x80, s29, s18, $0xb8;
	[tilespmem:$0x1BCC0] =	vst v63  }
0xd4: {  	_ =	swait.ge [sflag:s16], $0x4000  }
0xd5: {  	[sflag:s16] =	ssyncset.done $0x0  }
0xd6: {  	[sflag:s16] =	ssyncadd.s32 $0xFFFFC000  }
0xd7: {  	[bflag:$0x0] =	sbarrier.arrive $0xFFFF  }
0xd8: {  	s0 =	simm.s32 @p0 $0x1FC4;
	s4 =	rddreg [dreg:$0x5]  }
0xd9: {  	[hbm:s4], [sflag:s0] =	dma.local @p0 [spmem:s13], $0x2080  }
0xda: {  	s0 =	simm.s32 @p0 $0x4  }
0xdb: {  	_ =	swait.ge @p0 [sflag:s0], $0x2080  }
0xdc: {  	s30 =	sadd.s32 $0x1, s30;
	[sflag:s0] =	ssyncset.done @p0 $0x0  }
0xdd: {  	p1 =	sne.s32 s30, s9;
	[sflag:s0] =	ssyncadd.s32 @p0 $0xFFFFDF80;
	s0 =	rddreg [dreg:$0x4]  }
0xde: {  	[hbm:s0], [sflag:s14] =	dma.local @!p0 [spmem:s15], $0x2780  }
.Ltmp1:
0xdf: {  	_ = 	snop;
	(pc) =	sbr.rel @p1 .LBB2_1-.Ltmp1, $4  }
0xe0: {  	s0 =	simm.s32 @!p0 $0x4  }
0xe1: {  	_ =	swait.ge @!p0 [sflag:s0], $0x2780  }
0xe2: {  	[sflag:s0] =	ssyncset.done @!p0 $0x0  }
0xe3: {  	[sflag:s0] =	ssyncadd.s32 @!p0 $0xFFFFD880  }
0xe4: {  	_ =	sfence.sel $0x180000  }
0xe5: {  	[bflag:$0x0] =	sbarrier.arrive $0xFFFF  }
0xe6: {  	_ =	strace $0x9000004D  }
0xe7: {  	s0 =	stileid.u32;
	[bflag:$0x2] =	sbarrier.arrive $0xFFFF  }
0xe8: {  	p0 =	sne.s32 s0, $0x0;
	s0 =	rddreg [dreg:$0x3]  }
0xe9: {  	s0 =	sadd.s32 @!p0 $0x100000, s0  }
0xea: {  	[sflag:s0] =	ssyncadd.tile.s32 @!p0 $0x1;
	_ =	shalt  }
.Lfunc_end2:
_tile_overlayer_lowered:
.L_overlay_start_2:
0xeb: {  	(tag) =	ssettag $0x2  }
0xec: {  	s0 =	rddreg [dreg:$0x0];
	s2 =	stileid.u32  }
0xed: {  	s1 =	rddreg [dreg:$0x1];
	p0 =	sne.s32 s2, $0x0  }
0xee: {  	s3 =	rddreg [dreg:$0x2];
	[bflag:$0x3] =	sbarrier.arrive $0xFFFF;
	s2 =	simm.s32 @!p0 $0x1C04  }
0xef: {  	[timem:s3], [sflag:s2] =	dma.local @!p0 [hbm:s0], s1  }
0xf0: {  	s0 =	simm.s32 @!p0 $0x4  }
0xf1: {  	_ =	swait.ge @!p0 [sflag:s0], s1  }
0xf2: {  	s1 =	ssub.s32 @!p0 $0x0, s1;
	[sflag:s0] =	ssyncset.done @!p0 $0x0  }
0xf3: {  	[sflag:s0] =	ssyncadd.s32 @!p0 s1  }
0xf4: {  	[bflag:$0x3] =	sbarrier.arrive $0xFFFF  }
0xf5: {  	_ =	shalt  }

// kernel: kernel.9.cloned.1.call-start
scs
__scs_entry_jumppad:
0x0: {  	(pc) =	sbr.rel $0x88, $3  }
0x1: {  	(tag) =	ssettag $0x0;
	lr =	simm.s32 $0x1  }
0x2: {  	[smem:$0x3F96] =	sst lr;
	_ =	strace $0xD0000000  }
0x3: {  	_ = 	snop  }
0x4: {  	_ = 	snop  }
0x5: {  	_ = 	snop  }
0x6: {  	_ = 	snop  }
0x7: {  	_ = 	snop  }
__scs_overlays_trampoline_lowered:
0x8: {  	[smem:$0x3FA5] =	sst s0  }
0x9: {  	[smem:$0x3FA6] =	sst s1  }
0xa: {  	[smem:$0x3FA7] =	sst s2  }
0xb: {  	[smem:$0x3FA8] =	sst s3  }
0xc: {  	[smem:$0x3FA9] =	sst s4  }
0xd: {  	[smem:$0x3FAA] =	sst s5  }
0xe: {  	[smem:$0x3FAB] =	sst s6  }
0xf: {  	[smem:$0x3FAC] =	sst s7  }
0x10: {  	[smem:$0x3FAD] =	sst s8  }
0x11: {  	[smem:$0x3FAE] =	sst s9;
	s0 =	simm.s32 @!p0 $0x0  }
0x12: {  	s1 =	sld [smem:$0x3F94];
	s0 =	simm.s32 @p0 $0x1  }
0x13: {  	[smem:$0x3FAF] =	sst s0;
	s0 =	simm.s32 @!p1 $0x0  }
0x14: {  	s2 =	sld [smem:$0x3F93];
	s0 =	simm.s32 @p1 $0x1  }
0x15: {  	[smem:$0x3FB0] =	sst s0;
	s0 =	simm.s32 @!p2 $0x0  }
0x16: {  	s3 =	sld [smem:$0x3FDB];
	s0 =	simm.s32 @p2 $0x1  }
0x17: {  	s4 =	simm.s32 $0x1BF5;
	[smem:$0x3FB2] =	sst s0  }
0x18: {  	s0 =	sld [smem:$0x3F95];
	_ =	swait.ge [sflag:s4], $0x0  }
0x19: {  	s7 =	sld [smem:$0x3F96]  }
0x1a: {  	s8 =	sadd.s32 $0xFFFFE003, lr  }
0x1b: {  	s9 =	sadd.s32 $0xFFFFFEF7, lr;
	s5 =	simm.s32 $0xFFFFFFFF;
	p2 =	slt.u32 s8, $0xFFFFF086  }
0x1c: {  	p1 =	slt.u32 s9, $0xF7A;
	s5 =	simm.s32 @!p2 $0x0  }
0x1d: {  	s5 =	simm.s32 @p1 $0x1;
	p0 =	seq.s32 s7, s2  }
0x1e: {  	s7 =	smul.u32 @!p0 $0xF7A, s2;
	p2 =	seq.s32 @!p0 s5, $0x0  }
0x1f: {  	s9 =	smul.u32 $0xF7A, s1;
	s8 =	simm.s32 @!p0 $0x1BF5;
	p2 =	por !p2, p0  }
0x20: {  	[sflag:s8] =	ssyncset.s32 @!p0 $0xFFFFF086;
	s6 =	sadd.s32 @!p0 s3, s7;
	s7 =	simm.s32 @!p0 $0x108  }
0x21: {  	s3 =	sadd.s32 s3, s9;
	s6 =	sadd.s32 @!p0 $0x88, s6;
	s7 =	simm.s32 @p2 $0x1082  }
0x22: {  	[simem:s7], [sflag:s8] =	dma.local @!p0 [hbm:s6], $0xF7A  }
0x23: {  	s9 =	sor.u32 $0xD0000000, s2;
	s6 =	simm.s32 $0x108;
	_ =	swait.ge @!p0 [sflag:s8], $0x0  }
0x24: {  	s3 =	sadd.s32 $0x88, s3;
	s6 =	simm.s32 @!p1 $0x1082;
	[sflag:s4] =	ssyncset.s32 $0xFFFFF086  }
0x25: {  	[simem:s6], [sflag:s4] =	dma.local [hbm:s3], $0xF7A  }
0x26: {  	[smem:$0x3F96] =	sst s1;
	(tag) =	ssettag s2;
	_ =	strace s9  }
0x27: {  	s1 =	sld [smem:$0x3FA6]  }
0x28: {  	s2 =	sld [smem:$0x3FA7]  }
0x29: {  	s4 =	sld [smem:$0x3FA9]  }
0x2a: {  	p0 =	seq.s32 s5, $0x0;
	s5 =	sld [smem:$0x3FAA]  }
0x2b: {  	s6 =	sld [smem:$0x3FAB]  }
0x2c: {  	s7 =	sld [smem:$0x3FAC]  }
0x2d: {  	s3 =	simm.s32 $0x108;
	s8 =	sld [smem:$0x3FAD]  }
0x2e: {  	s3 =	simm.s32 @!p0 $0x1082;
	s9 =	sld [smem:$0x3FAE]  }
0x2f: {  	lr =	sadd.s32 s0, s3;
	s0 =	sld [smem:$0x3FA5]  }
0x30: {  	s3 =	sld [smem:$0x3FA8]  }
0x31: {  	[smem:$0x3FB1] =	sst s10  }
0x32: {  	s10 =	sld [smem:$0x3FAF];
	_ =	sdelay $0x3  }
0x33: {  	p0 =	seq.s32 s10, $0x1;
	s10 =	sld [smem:$0x3FB1];
	_ =	sdelay $0x3  }
0x34: {  	[smem:$0x3FB1] =	sst s10  }
0x35: {  	s10 =	sld [smem:$0x3FB0];
	_ =	sdelay $0x3  }
0x36: {  	p1 =	seq.s32 s10, $0x1;
	s10 =	sld [smem:$0x3FB1];
	_ =	sdelay $0x3  }
0x37: {  	[smem:$0x3FB1] =	sst s10  }
0x38: {  	s10 =	sld [smem:$0x3FB2]  }
0x39: {  	_ = 	snop;
	(pc) =	sbr.ind lr, $3  }
0x3a: {  	_ = 	snop  }
0x3b: {  	_ = 	snop  }
0x3c: {  	p2 =	seq.s32 s10, $0x1;
	s10 =	sld [smem:$0x3FB1]  }
0x3d: {  	_ =	shalt  }
0x3e: {  	_ =	shalt  }
0x3f: {  	_ =	shalt  }
0x40: {  	_ =	shalt  }
0x41: {  	_ =	shalt  }
0x42: {  	_ =	shalt  }
0x43: {  	_ =	shalt  }
0x44: {  	_ =	shalt  }
0x45: {  	_ =	shalt  }
0x46: {  	_ =	shalt  }
0x47: {  	_ =	shalt  }
0x48: {  	_ =	shalt  }
0x49: {  	_ =	shalt  }
0x4a: {  	_ =	shalt  }
0x4b: {  	_ =	shalt  }
0x4c: {  	_ =	shalt  }
0x4d: {  	_ =	shalt  }
0x4e: {  	_ =	shalt  }
0x4f: {  	_ =	shalt  }
0x50: {  	_ =	shalt  }
0x51: {  	_ =	shalt  }
0x52: {  	_ =	shalt  }
0x53: {  	_ =	shalt  }
0x54: {  	_ =	shalt  }
0x55: {  	_ =	shalt  }
0x56: {  	_ =	shalt  }
0x57: {  	_ =	shalt  }
0x58: {  	_ =	shalt  }
0x59: {  	_ =	shalt  }
0x5a: {  	_ =	shalt  }
0x5b: {  	_ =	shalt  }
0x5c: {  	_ =	shalt  }
0x5d: {  	_ =	shalt  }
0x5e: {  	_ =	shalt  }
0x5f: {  	_ =	shalt  }
0x60: {  	_ =	shalt  }
0x61: {  	_ =	shalt  }
0x62: {  	_ =	shalt  }
0x63: {  	_ =	shalt  }
0x64: {  	_ =	shalt  }
0x65: {  	_ =	shalt  }
0x66: {  	_ =	shalt  }
0x67: {  	_ =	shalt  }
0x68: {  	_ =	shalt  }
0x69: {  	_ =	shalt  }
0x6a: {  	_ =	shalt  }
0x6b: {  	_ =	shalt  }
0x6c: {  	_ =	shalt  }
0x6d: {  	_ =	shalt  }
0x6e: {  	_ =	shalt  }
0x6f: {  	_ =	shalt  }
0x70: {  	_ =	shalt  }
0x71: {  	_ =	shalt  }
0x72: {  	_ =	shalt  }
0x73: {  	_ =	shalt  }
0x74: {  	_ =	shalt  }
0x75: {  	_ =	shalt  }
0x76: {  	_ =	shalt  }
0x77: {  	_ =	shalt  }
0x78: {  	_ =	shalt  }
0x79: {  	_ =	shalt  }
0x7a: {  	_ =	shalt  }
0x7b: {  	_ =	shalt  }
0x7c: {  	_ =	shalt  }
0x7d: {  	_ =	shalt  }
0x7e: {  	_ =	shalt  }
0x7f: {  	_ =	shalt  }
0x80: {  	_ =	shalt  }
0x81: {  	_ =	shalt  }
0x82: {  	_ =	shalt  }
0x83: {  	_ =	shalt  }
0x84: {  	_ =	shalt  }
0x85: {  	_ =	shalt  }
0x86: {  	_ =	shalt  }
0x87: {  	_ =	shalt  }
.Lfunc_end0:
.L_simem_size_0:
called_computation.5_lowered:
.L_overlay_start_0:
0x88: {  	s2 =	sld [smem:$0x3FD9]  }
0x89: {  	s3 =	sld [smem:$0x3FFE];
	_ =	sdelay $0x1  }
0x8a: {  	s1 =	srdreg.scid  }
0x8b: {  	s0 =	sand.u32 $0x1, s1  }
0x8c: {  	s16 =	sshll.u32 s0, $0xA;
	s2 =	sadd.s32 s3, s2  }
0x8d: {  	s2 =	sadd.s32 s2, s16  }
0x8e: {  	[smem:$0x3FBD] =	sst s2  }
0x8f: {  	_ = 	snop  }
0x90: {  	(tm) =	ssettm $0x1  }
0x91: {  	s17 =	sld [smem:$0x3FFB];
	_ =	sdelay $0x3  }
0x92: {  	_ =	strace s17  }
0x93: {  	s2 =	sld [smem:$0x3FFC];
	_ =	sdelay $0x3  }
0x94: {  	_ =	strace s2  }
0x95: {  	s2 =	sld [smem:$0x3FFD];
	_ =	sdelay $0x3  }
0x96: {  	_ =	strace s2  }
0x97: {  	_ =	strace $0x8FFFFFFF  }
0x98: {  	s18 =	sld [smem:$0x3FDB];
	_ =	sdelay $0x1  }
0x99: {  	s19 =	simm.s32 $_scs_section_size  }
0x9a: {  	s4 =	simm.s32 $_size__tile_overlayer_lowered;
	s5 =	simm.s32 $_tile_overlayer_lowered  }
0x9b: {  	s22 =	simm.s32 $0x1BFF;
	s21 =	sshll.u32 s5, $0x1;
	s2 =	sadd.s32 s19, s18  }
0x9c: {  	s6 =	simm.s32 $0x0;
	s20 =	sshll.u32 s4, $0x1;
	s4 =	sadd.s32 s21, s2  }
0x9d: {  	[timem:s6], [sflag:s22] =	dma.local [hbm:s4], s20  }
0x9e: {  	_ =	swait.ge [sflag:s22], s20  }
0x9f: {  	s3 =	ssub.s32 $0x0, s20;
	[sflag:s22] =	ssyncset.done $0x0  }
0xa0: {  	[sflag:s22] =	ssyncadd.s32 s3;
	_ =	sdelay $0x1  }
0xa1: {  	s23 =	simm.s32 $0x1B8B  }
0xa2: {  	_ =	swait.ge [sflag:s23], $0x1  }
0xa3: {  	[sflag:s23] =	ssyncset.done $0x0  }
0xa4: {  	s25 =	simm.s32 $0x1B8E;
	s24 =	sld [smem:$0x3FFE];
	[sflag:s23] =	ssyncadd.s32 $0xFFFFFFFF  }
0xa5: {  	s26 =	simm.s32 $execute0_lowered;
	[smem:$0x3FD2] =	sst s25  }
0xa6: {  	s4 =	sshll.u32 s26, $0x1;
	_ =	strace $0x8000004F;
	[dreg:$0x1] =	wrdreg $0xFFFFFFFF  }
0xa7: {  	s28 =	simm.s32 $_size_execute0_lowered;
	s2 =	sadd.s32 s2, s4;
	[dreg:$0x0] =	wrdreg $0x0  }
0xa8: {  	s4 =	sshll.u32 s28, $0x1;
	[dreg:$0x2] =	wrdreg s2  }
0xa9: {  	[dreg:$0x3] =	wrdreg s4  }
0xaa: {  	[dreg:$0x4] =	wrdreg $0xC0  }
0xab: {  	_ =	task [dreg:s6], $0x5FFFF  }
0xac: {  	[dreg:$0x1] =	wrdreg $0xFFFFFFFF  }
0xad: {  	[dreg:$0x0] =	wrdreg $0x60  }
0xae: {  	[dreg:$0x2] =	wrdreg s24  }
0xaf: {  	[dreg:$0x3] =	wrdreg $0x84000  }
0xb0: {  	[dreg:$0x4] =	wrdreg $0x9  }
0xb1: {  	_ =	task.clear_ibuf [dreg:s6], $0x5FFFF;
	_ =	strace $0x9000004F  }
0xb2: {  	s29 =	simm.s32 $0x9;
	_ =	strace $0x80000051  }
0xb3: {  	_ =	swait.ge [sflag:s29], $0x1  }
0xb4: {  	[sflag:s29] =	ssyncadd.s32 $0xFFFFFFFF  }
0xb5: {  	_ =	strace $0x90000051  }
0xb6: {  	_ =	sfence  }
0xb7: {  	s30 =	sld [smem:$0x0];
	_ =	sdelay $0x2  }
0xb8: {  	s31 =	sshll.u32 s1, $0xD;
	s1 =	sshrl.u32 s1, $0x2  }
0xb9: {  	s3 =	sand.u32 $0x4000, s31;
	s1 =	sadd.s32 s1, s30  }
0xba: {  	s0 =	sor.u32 s3, s0;
	s1 =	sshll.u32 s1, $0x11  }
0xbb: {  	s0 =	sor.u32 s1, s0  }
0xbc: {  	s0 =	sadd.s32 $0x8F2B, s0  }
0xbd: {  	[sflag:s0] =	ssyncadd.remote.s32 $0x1  }
0xbe: {  	_ =	sfence.sel $0xFFFF  }
0xbf: {  	[dreg:$0x0] =	wrdreg $0xFFFFFFFF;
	(pc) =	sbr.abs _section_cstart, $3  }
0xc0: {  	[dreg:$0x1] =	wrdreg $0xFFFFFFFF  }
0xc1: {  	_ =	task.clear_ibuf [dreg:s6], $0x2FFFF;
	_ =	strace $0x9FFFFFFF  }
0xc2: {  	(tm) =	ssettm $0x7FFFFFFF  }
0xc3: {  	_ =	shalt  }
tec
execute0_lowered:
.L_overlay_start_1:
0x0: {  	(tag) =	ssettag $0x1  }
0x1: {  	s0 =	rddreg [dreg:$0x0]  }
0x2: {  	s1 =	rddreg [dreg:$0x1];
	s2 =	simm.s32 $0x0;
	s3 =	srdreg.scid  }
0x3: {  	s14 =	stileid.u32;
	s16 =	simm.s32 $0x4;
	s17 =	simm.s32 $0x200  }
0x4: {  	s18 =	simm.s32 $0x80;
	s19 =	simm.s32 $0x400;
	s20 =	simm.s32 $0x4400  }
0x5: {  	s21 =	simm.s32 $0x3;
	s22 =	simm.s32 $0x1;
	s28 =	simm.s32 $0x300  }
0x6: {  	s29 =	simm.s32 $0x380;
	[smem:$0x7FF] =	sst s2;
	s4 =	sadd.s32 $0x19400, s0  }
0x7: {  	s3 =	sand.u32 $0x1, s3;
	s12 =	sadd.s32 $0x2C00, s0;
	s7 =	smul.u32 $0x4F000, s14  }
0x8: {  	s5 =	sadd.s32 $0x16C00, s0;
	s0 =	sadd.s32 $0x40600, s0;
	s23 =	smul.u32 $0x13C00, s14  }
0x9: {  	s13 =	sadd.s32 $0x128400, s1;
	s25 =	smul.u32 $0x5000, s14;
	p0 =	seq.s32 s14, $0xF  }
0xa: {  	s30 =	simm.s32 $0x0;
	_ =	strace $0x80000050;
	s10 =	smul.u32 $0x138800, s3  }
0xb: {  	s6 =	sshll.u32 s3, $0x4;
	s8 =	ssub.s32 $0x2, s3;
	s3 =	smul.u32 $0x50000, s3  }
0xc: {  	s13 =	sshrl.u32 @p0 s13, $0x3;
	s6 =	sor.u32 s14, s6;
	s9 =	sshrl.u32 s8, $0x1  }
0xd: {  	s7 =	sshrl.u32 s7, $0x2;
	s6 =	smul.u32 $0x5000, s6;
	s9 =	ssub.s32 s8, s9  }
0xe: {  	s15 =	sadd.s32 s7, s1;
	s7 =	sadd.s32 s23, s10;
	s24 =	sshrl.u32 s10, $0x3  }
0xf: {  	s31 =	sadd.s32 s25, s3;
	s23 =	simm.s32 $0x2;
	s25 =	simm.s32 $0x180  }
0x10: {  	s7 =	sshrl.u32 s7, $0x3;
	s8 =	sadd.s32 s0, s24;
	s9 =	smax.u32 s9, $0x1  }
0x11: {  	s3 =	sor.u32 $0x200, s31;
	s15 =	sshrl.u32 @!p0 s15, $0x3;
	s24 =	simm.s32 $0x100  }
0x12: {  	s6 =	sshrl.u32 s6, $0x3;
	s0 =	sadd.s32 s0, s7;
	s26 =	sadd.s32 $0x25080, s8  }
0x13: {  	s3 =	sshrl.u32 s3, $0x3;
	s6 =	sadd.s32 s12, s6;
	[dreg:$0x3] =	wrdreg s0  }
0x14: {  	[dreg:$0x4] =	wrdreg s26;
	s0 =	sor.u32 $0x400, s31;
	s11 =	sadd.s32 s3, s12  }
0x15: {  	s3 =	sshll.u32 @!p0 s14, $0x6;
	s26 =	simm.s32 $0x280;
	s0 =	sshrl.u32 s0, $0x3  }
0x16: {  	s10 =	sadd.s32 $0x9C0, s6;
	s14 =	sor.u32 @!p0 $0x1C04, s3;
	s12 =	sadd.s32 s0, s12  }
.LBB2_1:
0x17: {  	s0 =	simm.s32 @p0 $0x1FC4  }
0x18: {  	[spmem:s13], [sflag:s0] =	dma.local @p0 [hbm:s5], $0x2100  }
0x19: {  	s0 =	simm.s32 @p0 $0x4  }
0x1a: {  	_ =	swait.ge @p0 [sflag:s0], $0x2100  }
0x1b: {  	[sflag:s0] =	ssyncset.done @p0 $0x0  }
0x1c: {  	[sflag:s0] =	ssyncadd.s32 @p0 $0xFFFFDF00;
	s0 =	simm.s32 @!p0 $0x4  }
0x1d: {  	[spmem:s15], [sflag:s14] =	dma.local @!p0 [hbm:s5], $0x2780  }
0x1e: {  	_ =	swait.ge @!p0 [sflag:s0], $0x2780  }
0x1f: {  	[sflag:s0] =	ssyncset.done @!p0 $0x0  }
0x20: {  	[sflag:s0] =	ssyncadd.s32 @!p0 $0xFFFFD880  }
0x21: {  	[tilespmem:s2], [sflag:$0x4] =	stream.linear.gather [hbm4b:s6+s2], $0x200, $0x38;
	[tilespmem:$0x1BCC0] =	vst v63  }
0x22: {  	_ =	swait.ge [sflag:s16], $0x200  }
0x23: {  	[sflag:s16] =	ssyncset.done $0x0  }
0x24: {  	s7 =	sadd.s32 $0x0, s11;
	[sflag:s16] =	ssyncadd.s32 $0xFFFFFE00  }
0x25: {  	[tilespmem:s17], [sflag:$0x3] =	stream.linear.gather [hbm4b:s7+s2], $0x200, $0x38;
	[tilespmem:$0x1BCC0] =	vst v63  }
0x26: {  	_ = 	snop  }
0x27: {  	[tilespmem:s19], [sflag:$0x1] =	stream.indirect.gather [hbm4b:s4+s18], $0x80, s2, s18, $0xb8;
	[tilespmem:$0x1BCC0] =	vst v63  }
0x28: {  	_ = 	snop  }
0x29: {  	[tilespmem:s20], [sflag:$0x2] =	stream.indirect.gather [hbm4b:s4+s18], $0x80, s18, s18, $0xb8;
	[tilespmem:$0x1BCC0] =	vst v63  }
0x2a: {  	_ =	swait.ge [sflag:s21], $0x200  }
0x2b: {  	[sflag:s21] =	ssyncset.done $0x0  }
0x2c: {  	[sflag:s21] =	ssyncadd.s32 $0xFFFFFE00  }
0x2d: {  	_ =	swait.ge [sflag:s22], $0x4000  }
0x2e: {  	[sflag:s22] =	ssyncset.done $0x0  }
0x2f: {  	[sflag:s22] =	ssyncadd.s32 $0xFFFFC000  }
0x30: {  	_ =	swait.ge [sflag:s23], $0x4000  }
0x31: {  	[sflag:s23] =	ssyncset.done $0x0  }
0x32: {  	[sflag:s23] =	ssyncadd.s32 $0xFFFFC000  }
0x33: {  	[spmem:s1] =	stream.indirect.scatter.add.f32 [tilespmem:s19], [sflag:$0x4], $0x80, s24, s18, $0xb8;
	[tilespmem:$0x1BCC0] =	vst v63  }
0x34: {  	_ =	swait.ge [sflag:s16], $0x4000  }
0x35: {  	[sflag:s16] =	ssyncset.done $0x0  }
0x36: {  	[sflag:s16] =	ssyncadd.s32 $0xFFFFC000  }
0x37: {  	[spmem:s1] =	stream.indirect.scatter.add.f32 [tilespmem:s20], [sflag:$0x4], $0x80, s25, s18, $0xb8;
	[tilespmem:$0x1BCC0] =	vst v63  }
0x38: {  	_ =	swait.ge [sflag:s16], $0x4000  }
0x39: {  	[sflag:s16] =	ssyncset.done $0x0  }
0x3a: {  	s8 =	sadd.s32 $0x0, s12;
	[sflag:s16] =	ssyncadd.s32 $0xFFFFC000  }
0x3b: {  	[tilespmem:s2], [sflag:$0x3] =	stream.linear.gather [hbm4b:s8+s2], $0x200, $0x38;
	[tilespmem:$0x1BCC0] =	vst v63  }
0x3c: {  	_ = 	snop  }
0x3d: {  	[tilespmem:s19], [sflag:$0x1] =	stream.indirect.gather [hbm4b:s4+s18], $0x80, s17, s18, $0xb8;
	[tilespmem:$0x1BCC0] =	vst v63  }
0x3e: {  	_ = 	snop  }
0x3f: {  	[tilespmem:s20], [sflag:$0x2] =	stream.indirect.gather [hbm4b:s4+s18], $0x80, s26, s18, $0xb8;
	[tilespmem:$0x1BCC0] =	vst v63  }
0x40: {  	_ =	swait.ge [sflag:s21], $0x200  }
0x41: {  	[sflag:s21] =	ssyncset.done $0x0  }
0x42: {  	[sflag:s21] =	ssyncadd.s32 $0xFFFFFE00  }
0x43: {  	_ =	swait.ge [sflag:s22], $0x4000  }
0x44: {  	[sflag:s22] =	ssyncset.done $0x0  }
0x45: {  	[sflag:s22] =	ssyncadd.s32 $0xFFFFC000  }
0x46: {  	_ =	swait.ge [sflag:s23], $0x4000  }
0x47: {  	[sflag:s23] =	ssyncset.done $0x0  }
0x48: {  	[sflag:s23] =	ssyncadd.s32 $0xFFFFC000  }
0x49: {  	[spmem:s1] =	stream.indirect.scatter.add.f32 [tilespmem:s19], [sflag:$0x4], $0x80, s28, s18, $0xb8;
	[tilespmem:$0x1BCC0] =	vst v63  }
0x4a: {  	_ =	swait.ge [sflag:s16], $0x4000  }
0x4b: {  	[sflag:s16] =	ssyncset.done $0x0  }
0x4c: {  	[sflag:s16] =	ssyncadd.s32 $0xFFFFC000  }
0x4d: {  	[spmem:s1] =	stream.indirect.scatter.add.f32 [tilespmem:s20], [sflag:$0x4], $0x80, s29, s18, $0xb8;
	[tilespmem:$0x1BCC0] =	vst v63  }
0x4e: {  	_ =	swait.ge [sflag:s16], $0x4000  }
0x4f: {  	s31 =	simm.s32 $0x80;
	s0 =	simm.s32 $0x100;
	[sflag:s16] =	ssyncset.done $0x0  }
.LBB2_2:
0x50: {  	s7 =	sadd.s32 s31, s11  }
0x51: {  	[sflag:s16] =	ssyncadd.s32 $0xFFFFC000;
	s8 =	smov.u32 s0;
	s3 =	sadd.s32 $0x80, s0  }
0x52: {  	[tilespmem:s17], [sflag:$0x3] =	stream.linear.gather [hbm4b:s7+s2], $0x200, $0x38;
	[tilespmem:$0x1BCC0] =	vst v63  }
0x53: {  	p1 =	sne.s32 s0, $0x900  }
0x54: {  	[tilespmem:s19], [sflag:$0x1] =	stream.indirect.gather [hbm4b:s4+s18], $0x80, s2, s18, $0xb8;
	[tilespmem:$0x1BCC0] =	vst v63  }
0x55: {  	_ = 	snop  }
0x56: {  	[tilespmem:s20], [sflag:$0x2] =	stream.indirect.gather [hbm4b:s4+s18], $0x80, s18, s18, $0xb8;
	[tilespmem:$0x1BCC0] =	vst v63  }
0x57: {  	_ =	swait.ge [sflag:s21], $0x200  }
0x58: {  	[sflag:s21] =	ssyncset.done $0x0  }
0x59: {  	[sflag:s21] =	ssyncadd.s32 $0xFFFFFE00  }
0x5a: {  	_ =	swait.ge [sflag:s22], $0x4000  }
0x5b: {  	[sflag:s22] =	ssyncset.done $0x0  }
0x5c: {  	[sflag:s22] =	ssyncadd.s32 $0xFFFFC000  }
0x5d: {  	_ =	swait.ge [sflag:s23], $0x4000  }
0x5e: {  	[sflag:s23] =	ssyncset.done $0x0  }
0x5f: {  	[sflag:s23] =	ssyncadd.s32 $0xFFFFC000  }
0x60: {  	[spmem:s1] =	stream.indirect.scatter.add.f32 [tilespmem:s19], [sflag:$0x4], $0x80, s24, s18, $0xb8;
	[tilespmem:$0x1BCC0] =	vst v63  }
0x61: {  	_ =	swait.ge [sflag:s16], $0x4000  }
0x62: {  	[sflag:s16] =	ssyncset.done $0x0  }
0x63: {  	[sflag:s16] =	ssyncadd.s32 $0xFFFFC000  }
0x64: {  	[spmem:s1] =	stream.indirect.scatter.add.f32 [tilespmem:s20], [sflag:$0x4], $0x80, s25, s18, $0xb8;
	[tilespmem:$0x1BCC0] =	vst v63  }
0x65: {  	_ =	swait.ge [sflag:s16], $0x4000  }
0x66: {  	[sflag:s16] =	ssyncset.done $0x0  }
0x67: {  	s0 =	sadd.s32 s31, s12;
	s31 =	smov.u32 s8;
	[sflag:s16] =	ssyncadd.s32 $0xFFFFC000  }
0x68: {  	[tilespmem:s2], [sflag:$0x3] =	stream.linear.gather [hbm4b:s0+s2], $0x200, $0x38;
	[tilespmem:$0x1BCC0] =	vst v63  }
0x69: {  	_ = 	snop  }
0x6a: {  	[tilespmem:s19], [sflag:$0x1] =	stream.indirect.gather [hbm4b:s4+s18], $0x80, s17, s18, $0xb8;
	[tilespmem:$0x1BCC0] =	vst v63  }
0x6b: {  	_ = 	snop  }
0x6c: {  	[tilespmem:s20], [sflag:$0x2] =	stream.indirect.gather [hbm4b:s4+s18], $0x80, s26, s18, $0xb8;
	[tilespmem:$0x1BCC0] =	vst v63  }
0x6d: {  	_ =	swait.ge [sflag:s21], $0x200  }
0x6e: {  	[sflag:s21] =	ssyncset.done $0x0  }
0x6f: {  	[sflag:s21] =	ssyncadd.s32 $0xFFFFFE00  }
0x70: {  	_ =	swait.ge [sflag:s22], $0x4000  }
0x71: {  	[sflag:s22] =	ssyncset.done $0x0  }
0x72: {  	[sflag:s22] =	ssyncadd.s32 $0xFFFFC000  }
0x73: {  	_ =	swait.ge [sflag:s23], $0x4000  }
0x74: {  	[sflag:s23] =	ssyncset.done $0x0  }
0x75: {  	[sflag:s23] =	ssyncadd.s32 $0xFFFFC000  }
0x76: {  	[spmem:s1] =	stream.indirect.scatter.add.f32 [tilespmem:s19], [sflag:$0x4], $0x80, s28, s18, $0xb8;
	[tilespmem:$0x1BCC0] =	vst v63  }
0x77: {  	_ =	swait.ge [sflag:s16], $0x4000  }
.Ltmp0:
0x78: {  	[sflag:s16] =	ssyncset.done $0x0;
	(pc) =	sbr.rel @p1 .LBB2_2-.Ltmp0, $4  }
0x79: {  	[sflag:s16] =	ssyncadd.s32 $0xFFFFC000  }
0x7a: {  	[spmem:s1] =	stream.indirect.scatter.add.f32 [tilespmem:s20], [sflag:$0x4], $0x80, s29, s18, $0xb8;
	[tilespmem:$0x1BCC0] =	vst v63  }
0x7b: {  	_ =	swait.ge [sflag:s16], $0x4000  }
0x7c: {  	s0 =	smov.u32 s3;
	[sflag:s16] =	ssyncset.done $0x0  }
0x7d: {  	s0 =	sadd.s32 s31, s11;
	[sflag:s16] =	ssyncadd.s32 $0xFFFFC000  }
0x7e: {  	[tilespmem:s17], [sflag:$0x3] =	stream.linear.gather [hbm4b:s0+s2], $0x200, $0x38;
	[tilespmem:$0x1BCC0] =	vst v63  }
0x7f: {  	_ = 	snop  }
0x80: {  	[tilespmem:s19], [sflag:$0x1] =	stream.indirect.gather [hbm4b:s4+s18], $0x80, s2, s18, $0xb8;
	[tilespmem:$0x1BCC0] =	vst v63  }
0x81: {  	_ = 	snop  }
0x82: {  	[tilespmem:s20], [sflag:$0x2] =	stream.indirect.gather [hbm4b:s4+s18], $0x80, s18, s18, $0xb8;
	[tilespmem:$0x1BCC0] =	vst v63  }
0x83: {  	_ =	swait.ge [sflag:s21], $0x200  }
0x84: {  	[sflag:s21] =	ssyncset.done $0x0  }
0x85: {  	[sflag:s21] =	ssyncadd.s32 $0xFFFFFE00  }
0x86: {  	_ =	swait.ge [sflag:s22], $0x4000  }
0x87: {  	[sflag:s22] =	ssyncset.done $0x0  }
0x88: {  	[sflag:s22] =	ssyncadd.s32 $0xFFFFC000  }
0x89: {  	_ =	swait.ge [sflag:s23], $0x4000  }
0x8a: {  	[sflag:s23] =	ssyncset.done $0x0  }
0x8b: {  	[sflag:s23] =	ssyncadd.s32 $0xFFFFC000  }
0x8c: {  	[spmem:s1] =	stream.indirect.scatter.add.f32 [tilespmem:s19], [sflag:$0x4], $0x80, s24, s18, $0xb8;
	[tilespmem:$0x1BCC0] =	vst v63  }
0x8d: {  	_ =	swait.ge [sflag:s16], $0x4000  }
0x8e: {  	[sflag:s16] =	ssyncset.done $0x0  }
0x8f: {  	[sflag:s16] =	ssyncadd.s32 $0xFFFFC000  }
0x90: {  	[spmem:s1] =	stream.indirect.scatter.add.f32 [tilespmem:s20], [sflag:$0x4], $0x80, s25, s18, $0xb8;
	[tilespmem:$0x1BCC0] =	vst v63  }
0x91: {  	_ =	swait.ge [sflag:s16], $0x4000  }
0x92: {  	[sflag:s16] =	ssyncset.done $0x0  }
0x93: {  	s31 =	sadd.s32 s31, s12;
	[sflag:s16] =	ssyncadd.s32 $0xFFFFC000  }
0x94: {  	[tilespmem:s2], [sflag:$0x3] =	stream.linear.gather [hbm4b:s31+s2], $0x200, $0x38;
	[tilespmem:$0x1BCC0] =	vst v63  }
0x95: {  	_ = 	snop  }
0x96: {  	[tilespmem:s19], [sflag:$0x1] =	stream.indirect.gather [hbm4b:s4+s18], $0x80, s17, s18, $0xb8;
	[tilespmem:$0x1BCC0] =	vst v63  }
0x97: {  	_ = 	snop  }
0x98: {  	[tilespmem:s20], [sflag:$0x2] =	stream.indirect.gather [hbm4b:s4+s18], $0x80, s26, s18, $0xb8;
	[tilespmem:$0x1BCC0] =	vst v63  }
0x99: {  	_ =	swait.ge [sflag:s21], $0x200  }
0x9a: {  	[sflag:s21] =	ssyncset.done $0x0  }
0x9b: {  	[sflag:s21] =	ssyncadd.s32 $0xFFFFFE00  }
0x9c: {  	_ =	swait.ge [sflag:s22], $0x4000  }
0x9d: {  	[sflag:s22] =	ssyncset.done $0x0  }
0x9e: {  	[sflag:s22] =	ssyncadd.s32 $0xFFFFC000  }
0x9f: {  	_ =	swait.ge [sflag:s23], $0x4000  }
0xa0: {  	[sflag:s23] =	ssyncset.done $0x0  }
0xa1: {  	[sflag:s23] =	ssyncadd.s32 $0xFFFFC000  }
0xa2: {  	[spmem:s1] =	stream.indirect.scatter.add.f32 [tilespmem:s19], [sflag:$0x4], $0x80, s28, s18, $0xb8;
	[tilespmem:$0x1BCC0] =	vst v63  }
0xa3: {  	_ =	swait.ge [sflag:s16], $0x4000  }
0xa4: {  	[sflag:s16] =	ssyncset.done $0x0  }
0xa5: {  	[sflag:s16] =	ssyncadd.s32 $0xFFFFC000  }
0xa6: {  	[spmem:s1] =	stream.indirect.scatter.add.f32 [tilespmem:s20], [sflag:$0x4], $0x80, s29, s18, $0xb8;
	[tilespmem:$0x1BCC0] =	vst v63  }
0xa7: {  	_ =	swait.ge [sflag:s16], $0x4000  }
0xa8: {  	[sflag:s16] =	ssyncset.done $0x0  }
0xa9: {  	[sflag:s16] =	ssyncadd.s32 $0xFFFFC000  }
0xaa: {  	[tilespmem:s17], [sflag:$0x3] =	stream.linear.gather [hbm4b:s10+s2], $0x200, $0x38;
	[tilespmem:$0x1BCC0] =	vst v63  }
0xab: {  	_ = 	snop  }
0xac: {  	[tilespmem:s19], [sflag:$0x1] =	stream.indirect.gather [hbm4b:s4+s18], $0x80, s2, s18, $0xb8;
	[tilespmem:$0x1BCC0] =	vst v63  }
0xad: {  	_ = 	snop  }
0xae: {  	[tilespmem:s20], [sflag:$0x2] =	stream.indirect.gather [hbm4b:s4+s18], $0x80, s18, s18, $0xb8;
	[tilespmem:$0x1BCC0] =	vst v63  }
0xaf: {  	_ =	swait.ge [sflag:s21], $0x200  }
0xb0: {  	[sflag:s21] =	ssyncset.done $0x0  }
0xb1: {  	[sflag:s21] =	ssyncadd.s32 $0xFFFFFE00  }
0xb2: {  	_ =	swait.ge [sflag:s22], $0x4000  }
0xb3: {  	[sflag:s22] =	ssyncset.done $0x0  }
0xb4: {  	[sflag:s22] =	ssyncadd.s32 $0xFFFFC000  }
0xb5: {  	_ =	swait.ge [sflag:s23], $0x4000  }
0xb6: {  	[sflag:s23] =	ssyncset.done $0x0  }
0xb7: {  	[sflag:s23] =	ssyncadd.s32 $0xFFFFC000  }
0xb8: {  	[spmem:s1] =	stream.indirect.scatter.add.f32 [tilespmem:s19], [sflag:$0x4], $0x80, s24, s18, $0xb8;
	[tilespmem:$0x1BCC0] =	vst v63  }
0xb9: {  	_ =	swait.ge [sflag:s16], $0x4000  }
0xba: {  	[sflag:s16] =	ssyncset.done $0x0  }
0xbb: {  	[sflag:s16] =	ssyncadd.s32 $0xFFFFC000  }
0xbc: {  	[spmem:s1] =	stream.indirect.scatter.add.f32 [tilespmem:s20], [sflag:$0x4], $0x80, s25, s18, $0xb8;
	[tilespmem:$0x1BCC0] =	vst v63  }
0xbd: {  	_ =	swait.ge [sflag:s16], $0x4000  }
0xbe: {  	[sflag:s16] =	ssyncset.done $0x0  }
0xbf: {  	[sflag:s16] =	ssyncadd.s32 $0xFFFFC000  }
0xc0: {  	[tilespmem:s2], [sflag:$0x3] =	stream.linear.gather [hbm4b:s10+s2], $0x200, $0x38;
	[tilespmem:$0x1BCC0] =	vst v63  }
0xc1: {  	_ = 	snop  }
0xc2: {  	[tilespmem:s19], [sflag:$0x1] =	stream.indirect.gather [hbm4b:s4+s18], $0x80, s17, s18, $0xb8;
	[tilespmem:$0x1BCC0] =	vst v63  }
0xc3: {  	_ = 	snop  }
0xc4: {  	[tilespmem:s20], [sflag:$0x2] =	stream.indirect.gather [hbm4b:s4+s18], $0x80, s26, s18, $0xb8;
	[tilespmem:$0x1BCC0] =	vst v63  }
0xc5: {  	_ =	swait.ge [sflag:s21], $0x200  }
0xc6: {  	[sflag:s21] =	ssyncset.done $0x0  }
0xc7: {  	[sflag:s21] =	ssyncadd.s32 $0xFFFFFE00  }
0xc8: {  	_ =	swait.ge [sflag:s22], $0x4000  }
0xc9: {  	[sflag:s22] =	ssyncset.done $0x0  }
0xca: {  	[sflag:s22] =	ssyncadd.s32 $0xFFFFC000  }
0xcb: {  	_ =	swait.ge [sflag:s23], $0x4000  }
0xcc: {  	[sflag:s23] =	ssyncset.done $0x0  }
0xcd: {  	[sflag:s23] =	ssyncadd.s32 $0xFFFFC000  }
0xce: {  	[spmem:s1] =	stream.indirect.scatter.add.f32 [tilespmem:s19], [sflag:$0x4], $0x80, s28, s18, $0xb8;
	[tilespmem:$0x1BCC0] =	vst v63  }
0xcf: {  	_ =	swait.ge [sflag:s16], $0x4000  }
0xd0: {  	[sflag:s16] =	ssyncset.done $0x0  }
0xd1: {  	[sflag:s16] =	ssyncadd.s32 $0xFFFFC000  }
0xd2: {  	[spmem:s1] =	stream.indirect.scatter.add.f32 [tilespmem:s20], [sflag:$0x4], $0x80, s29, s18, $0xb8;
	[tilespmem:$0x1BCC0] =	vst v63  }
0xd3: {  	_ =	swait.ge [sflag:s16], $0x4000  }
0xd4: {  	[sflag:s16] =	ssyncset.done $0x0  }
0xd5: {  	[sflag:s16] =	ssyncadd.s32 $0xFFFFC000  }
0xd6: {  	[bflag:$0x0] =	sbarrier.arrive $0xFFFF  }
0xd7: {  	s0 =	simm.s32 @p0 $0x1FC4;
	s3 =	rddreg [dreg:$0x4]  }
0xd8: {  	[hbm:s3], [sflag:s0] =	dma.local @p0 [spmem:s13], $0x2080  }
0xd9: {  	s0 =	simm.s32 @p0 $0x4  }
0xda: {  	_ =	swait.ge @p0 [sflag:s0], $0x2080  }
0xdb: {  	s30 =	sadd.s32 $0x1, s30;
	[sflag:s0] =	ssyncset.done @p0 $0x0  }
0xdc: {  	p1 =	sne.s32 s30, s9;
	[sflag:s0] =	ssyncadd.s32 @p0 $0xFFFFDF80;
	s0 =	rddreg [dreg:$0x3]  }
0xdd: {  	[hbm:s0], [sflag:s14] =	dma.local @!p0 [spmem:s15], $0x2780  }
.Ltmp1:
0xde: {  	_ = 	snop;
	(pc) =	sbr.rel @p1 .LBB2_1-.Ltmp1, $4  }
0xdf: {  	s0 =	simm.s32 @!p0 $0x4  }
0xe0: {  	_ =	swait.ge @!p0 [sflag:s0], $0x2780  }
0xe1: {  	[sflag:s0] =	ssyncset.done @!p0 $0x0  }
0xe2: {  	[sflag:s0] =	ssyncadd.s32 @!p0 $0xFFFFD880  }
0xe3: {  	_ =	sfence.sel $0x180000  }
0xe4: {  	[bflag:$0x0] =	sbarrier.arrive $0xFFFF  }
0xe5: {  	_ =	strace $0x90000050  }
0xe6: {  	s0 =	stileid.u32;
	[bflag:$0x2] =	sbarrier.arrive $0xFFFF  }
0xe7: {  	p0 =	sne.s32 s0, $0x0;
	s0 =	rddreg [dreg:$0x2]  }
0xe8: {  	s0 =	sadd.s32 @!p0 $0x100000, s0  }
0xe9: {  	[sflag:s0] =	ssyncadd.tile.s32 @!p0 $0x1;
	_ =	shalt  }
.Lfunc_end2:
_tile_overlayer_lowered:
.L_overlay_start_2:
0xea: {  	(tag) =	ssettag $0x2  }
0xeb: {  	s0 =	rddreg [dreg:$0x0];
	s2 =	stileid.u32  }
0xec: {  	s1 =	rddreg [dreg:$0x1];
	p0 =	sne.s32 s2, $0x0  }
0xed: {  	s3 =	rddreg [dreg:$0x2];
	[bflag:$0x3] =	sbarrier.arrive $0xFFFF;
	s2 =	simm.s32 @!p0 $0x1C04  }
0xee: {  	[timem:s3], [sflag:s2] =	dma.local @!p0 [hbm:s0], s1  }
0xef: {  	s0 =	simm.s32 @!p0 $0x4  }
0xf0: {  	_ =	swait.ge @!p0 [sflag:s0], s1  }
0xf1: {  	s1 =	ssub.s32 @!p0 $0x0, s1;
	[sflag:s0] =	ssyncset.done @!p0 $0x0  }
0xf2: {  	[sflag:s0] =	ssyncadd.s32 @!p0 s1  }
0xf3: {  	[bflag:$0x3] =	sbarrier.arrive $0xFFFF  }
0xf4: {  	_ =	shalt  }

</sc_bundles>
